<compile_context>
chip_gen: v7x
topology: tpu7x:2x2x1
jax: 0.10.2.dev20260603
libtpu: 0.0.44.dev20260713+nightly
codegen_flags: <defaults>
</compile_context>

<pallas_src>
import functools

import jax
import jax.numpy as jnp
from jax import lax
from jax.experimental import pallas as pl
from jax.experimental.pallas import tpu as pltpu
from jax.experimental.pallas import tpu_sc as plsc

NC = 2
NS = 16
NW = NC * NS

CHUNK = 1024


def _make_lookup(L: int, B: int, N: int, D: int):
  spans = B // CHUNK
  n_items = L * spans
  per_tile = n_items // NW
  assert per_tile % 2 == 0 and per_tile >= 4
  n_pairs = per_tile // 2
  row_words = (B // 128) * 8 * 128
  mesh = plsc.VectorSubcoreMesh(core_axis_name="c", subcore_axis_name="s")

  @functools.partial(
      pl.kernel,
      out_type=jax.ShapeDtypeStruct((L * 2, row_words), jnp.float32),
      mesh=mesh,
      scratch_types=[
          pltpu.VMEM((CHUNK,), jnp.int32),
          pltpu.VMEM((CHUNK,), jnp.int32),
          pltpu.VMEM((CHUNK, D), jnp.float32),
          pltpu.VMEM((CHUNK, D), jnp.float32),
          pltpu.VMEM((D * CHUNK,), jnp.float32),
          pltpu.VMEM((D * CHUNK,), jnp.float32),
          pltpu.SemaphoreType.DMA,
          pltpu.SemaphoreType.DMA,
          pltpu.SemaphoreType.DMA,
          pltpu.SemaphoreType.DMA,
          pltpu.SemaphoreType.DMA,
          pltpu.SemaphoreType.DMA,
      ],
      compiler_params=pltpu.CompilerParams(
          use_tc_tiling_on_sc=False, needs_layout_passes=False),
  )
  def lookup(xt_hbm, w_hbm, out_hbm, idx0, idx1, rows0, rows1, t0, t1,
             si0, si1, sg0, sg1, so0, so1):
    wid = lax.axis_index("s") * NC + lax.axis_index("c")
    item0 = wid * per_tile
    idx_b = (idx0, idx1)
    rows_b = (rows0, rows1)
    t_b = (t0, t1)
    si = (si0, si1)
    sg = (sg0, sg1)
    so = (so0, so1)
    lane = lax.iota(jnp.int32, D)
    rots = [(lane + s) % 16 for s in range(16)]
    drots = [(lane // 8) * (8 * CHUNK) + (lane % 8) * 128 + rots[s]
             for s in range(16)]

    def idx_copy(g, slot):
      item = item0 + g
      l = item // spans
      b0 = (item % spans) * CHUNK
      pltpu.async_copy(xt_hbm.at[l, pl.ds(b0, CHUNK)], idx_b[slot], si[slot])

    def fire_gather(slot):
      return pltpu.async_copy(w_hbm.at[idx_b[slot]], rows_b[slot], sg[slot])

    idx_copy(0, 0)
    idx_copy(1, 1)
    pltpu.make_async_copy(
        xt_hbm.at[0, pl.ds(0, CHUNK)], idx_b[0], si[0]).wait()
    fire_gather(0)

    def drain_out(slot):
      for h in range(2):
        pltpu.make_async_copy(
            t_b[slot].at[pl.ds(h * (8 * CHUNK), 8 * CHUNK)],
            out_hbm.at[0, pl.ds(0, 8 * CHUNK)], so[slot]).wait()

    def pair(p, carry):
      for slot in (0, 1):
        g = 2 * p + slot
        other = 1 - slot
        item = item0 + g
        l = item // spans
        s_i = item % spans

        pltpu.make_async_copy(
            w_hbm.at[idx_b[slot]], rows_b[slot], sg[slot]).wait()

        @pl.when(g + 2 < per_tile)
        def _():
          idx_copy(g + 2, slot)

        @pl.when(g + 1 < per_tile)
        def _():
          pltpu.make_async_copy(
              xt_hbm.at[0, pl.ds(0, CHUNK)], idx_b[other], si[other]).wait()
          fire_gather(other)

        @pl.when(p > 0)
        def _():
          drain_out(slot)

        rows = rows_b[slot]
        t = t_b[slot]

        @pl.loop(0, CHUNK, step=16)
        def _(i0):
          sb = (i0 // 128) * 1024 + i0 % 128
          for s in range(16):
            ri = rots[s] + i0
            v = plsc.load_gather(rows, [ri, lane])
            plsc.store_scatter(t, [drots[s] + sb], v)

        for h in range(2):
          pltpu.async_copy(
              t.at[pl.ds(h * (8 * CHUNK), 8 * CHUNK)],
              out_hbm.at[l * 2 + h, pl.ds(s_i * (8 * CHUNK), 8 * CHUNK)],
              so[slot])
      return carry

    lax.fori_loop(0, n_pairs, pair, 0)

    for slot in (0, 1):
      drain_out(slot)

  return lookup


def kernel(x, W):
  B, L = x.shape
  N, D = W.shape
  xt = x.T.astype(jnp.int32)
  out2d = _make_lookup(L, B, N, D)(xt, W)
  out5 = out2d.reshape(L, 2, B // 128, 8, 128)
  out3 = jnp.transpose(out5, (0, 1, 3, 2, 4)).reshape(L, D, B)
  return jnp.transpose(out3, (2, 0, 1))

# --- scband reference (transcript-rebuilt; emitter-appended) ---
"""Pipeline reference for scband-poincare-embedding-53137335386316 (READ-ONLY COPY).

The authoritative reference and input builder live on the scoring server;
editing this copy changes nothing except your own understanding.
"""

import jax, jax.numpy as jnp
import numpy as np

N = 1000000  # n_exemple (vocab)
D = 16       # size (Poincare embedding dim)
B = 16384    # batch
L = 200      # hist_len


def setup_inputs(seed: int = 0) -> dict:
    key = jax.random.key(seed)
    k1, k2 = jax.random.split(key)
    x = jax.random.randint(k1, (B, L), 0, N, dtype=jnp.int64 if jax.config.jax_enable_x64 else jnp.int32)
    # Poincare-ball embeddings are initialized with tiny uniform values so points lie
    # well inside the unit ball (standard init for poincare_module.PoincareEmbedding).
    W = jax.random.uniform(k2, (N, D), dtype=jnp.float32, minval=-1e-3, maxval=1e-3)
    return {"x": x, "W": W}


def reference(x, W):
    # forward(self, x): return self.W(x)  -- a plain embedding lookup on the W table.
    return jnp.take(W, x, axis=0)

if __name__ == "__main__":
    import jax
    _d = setup_inputs()
    print(jax.jit(kernel)(*tuple(_d.values())))

</pallas_src>

<mosaic_0001>
#map = affine_map<(d0, d1) -> (0, 0)>
module attributes {stable_mosaic.version = 14 : i64} {
  func.func @lookup(%arg0: i32, %arg1: i32, %arg2: memref<200x16384xi32, #tpu.memory_space<hbm>>, %arg3: memref<1000000x16xf32, #tpu.memory_space<hbm>>, %arg4: memref<400x131072xf32, #tpu.memory_space<hbm>>, %arg5: memref<1024xi32, #tpu.memory_space<vmem>>, %arg6: memref<1024xi32, #tpu.memory_space<vmem>>, %arg7: memref<1024x16xf32, #tpu.memory_space<vmem>>, %arg8: memref<1024x16xf32, #tpu.memory_space<vmem>>, %arg9: memref<16384xf32, #tpu.memory_space<vmem>>, %arg10: memref<16384xf32, #tpu.memory_space<vmem>>, %arg11: memref<!tpu.dma_semaphore, #tpu.memory_space<semaphore_mem>>, %arg12: memref<!tpu.dma_semaphore, #tpu.memory_space<semaphore_mem>>, %arg13: memref<!tpu.dma_semaphore, #tpu.memory_space<semaphore_mem>>, %arg14: memref<!tpu.dma_semaphore, #tpu.memory_space<semaphore_mem>>, %arg15: memref<!tpu.dma_semaphore, #tpu.memory_space<semaphore_mem>>, %arg16: memref<!tpu.dma_semaphore, #tpu.memory_space<semaphore_mem>>) attributes {dimension_semantics = [#tpu.dimension_semantics<core_parallel>, #tpu.dimension_semantics<subcore_parallel>], iteration_bounds = array<i64: 2, 16>, scalar_prefetch = 0 : i64, scratch_operands = 12 : i64, tpu.core_type = #tpu.core_type<sc_vector_subcore>, window_params = [{transform_indices = #map}, {transform_indices = #map}, {transform_indices = #map}]} {
    %mul3A = arith.constant 2 : i32
    %mul3A_0 = arith.muli %arg1, %mul3A : i32
    %add3A = arith.addi %mul3A_0, %arg0 : i32
    %mul3A_1 = arith.constant 100 : i32
    %mul3A_2 = arith.muli %add3A, %mul3A_1 : i32
    %iota3A = tpu.iota {dimensions = array<i32: 0>} : vector<16xi32>
    %add3A_3 = arith.constant 0 : i32
    %add3A_4 = vector.broadcast %add3A_3 : i32 to vector<16xi32>
    %add3A_5 = arith.addi %iota3A, %add3A_4 : vector<16xi32>
    %jit3A = arith.constant 16 : i32
    %eq3A = arith.constant 0 : i32
    %eq3A_6 = arith.cmpi eq, %jit3A, %eq3A : i32
    %jit3A_7 = arith.constant 1 : i32
    %select_n3A = arith.select %eq3A_6, %jit3A_7, %jit3A : i32
    %rem3A = vector.broadcast %select_n3A : i32 to vector<16xi32>
    %rem3A_8 = arith.remsi %add3A_5, %rem3A : vector<16xi32>
    %ne3A = arith.constant 0 : i32
    %ne3A_9 = vector.broadcast %ne3A : i32 to vector<16xi32>
    %ne3A_10 = arith.cmpi ne, %rem3A_8, %ne3A_9 : vector<16xi32>
    %lt3A = arith.constant 0 : i32
    %lt3A_11 = vector.broadcast %lt3A : i32 to vector<16xi32>
    %lt3A_12 = arith.cmpi slt, %rem3A_8, %lt3A_11 : vector<16xi32>
    %lt3A_13 = arith.constant 0 : i32
    %lt3A_14 = arith.cmpi slt, %select_n3A, %lt3A_13 : i32
    %ne3A_15 = vector.broadcast %lt3A_14 : i1 to vector<16xi1>
    %ne3A_16 = vector.broadcast %ne3A_15 : vector<16xi1> to vector<16xi1>
    %ne3A_17 = arith.xori %lt3A_12, %ne3A_16 : vector<16xi1>
    %and3A = arith.andi %ne3A_17, %ne3A_10 : vector<16xi1>
    %add3A_18 = vector.broadcast %select_n3A : i32 to vector<16xi32>
    %add3A_19 = arith.addi %rem3A_8, %add3A_18 : vector<16xi32>
    %select_n3A_20 = arith.select %and3A, %add3A_19, %rem3A_8 : vector<16xi1>, vector<16xi32>
    %add3A_21 = arith.constant 1 : i32
    %add3A_22 = vector.broadcast %add3A_21 : i32 to vector<16xi32>
    %add3A_23 = arith.addi %iota3A, %add3A_22 : vector<16xi32>
    %jit3A_24 = arith.constant 16 : i32
    %eq3A_25 = arith.constant 0 : i32
    %eq3A_26 = arith.cmpi eq, %jit3A_24, %eq3A_25 : i32
    %jit3A_27 = arith.constant 1 : i32
    %select_n3A_28 = arith.select %eq3A_26, %jit3A_27, %jit3A_24 : i32
    %rem3A_29 = vector.broadcast %select_n3A_28 : i32 to vector<16xi32>
    %rem3A_30 = arith.remsi %add3A_23, %rem3A_29 : vector<16xi32>
    %ne3A_31 = arith.constant 0 : i32
    %ne3A_32 = vector.broadcast %ne3A_31 : i32 to vector<16xi32>
    %ne3A_33 = arith.cmpi ne, %rem3A_30, %ne3A_32 : vector<16xi32>
    %lt3A_34 = arith.constant 0 : i32
    %lt3A_35 = vector.broadcast %lt3A_34 : i32 to vector<16xi32>
    %lt3A_36 = arith.cmpi slt, %rem3A_30, %lt3A_35 : vector<16xi32>
    %lt3A_37 = arith.constant 0 : i32
    %lt3A_38 = arith.cmpi slt, %select_n3A_28, %lt3A_37 : i32
    %ne3A_39 = vector.broadcast %lt3A_38 : i1 to vector<16xi1>
    %ne3A_40 = vector.broadcast %ne3A_39 : vector<16xi1> to vector<16xi1>
    %ne3A_41 = arith.xori %lt3A_36, %ne3A_40 : vector<16xi1>
    %and3A_42 = arith.andi %ne3A_41, %ne3A_33 : vector<16xi1>
    %add3A_43 = vector.broadcast %select_n3A_28 : i32 to vector<16xi32>
    %add3A_44 = arith.addi %rem3A_30, %add3A_43 : vector<16xi32>
    %select_n3A_45 = arith.select %and3A_42, %add3A_44, %rem3A_30 : vector<16xi1>, vector<16xi32>
    %add3A_46 = arith.constant 2 : i32
    %add3A_47 = vector.broadcast %add3A_46 : i32 to vector<16xi32>
    %add3A_48 = arith.addi %iota3A, %add3A_47 : vector<16xi32>
    %jit3A_49 = arith.constant 16 : i32
    %eq3A_50 = arith.constant 0 : i32
    %eq3A_51 = arith.cmpi eq, %jit3A_49, %eq3A_50 : i32
    %jit3A_52 = arith.constant 1 : i32
    %select_n3A_53 = arith.select %eq3A_51, %jit3A_52, %jit3A_49 : i32
    %rem3A_54 = vector.broadcast %select_n3A_53 : i32 to vector<16xi32>
    %rem3A_55 = arith.remsi %add3A_48, %rem3A_54 : vector<16xi32>
    %ne3A_56 = arith.constant 0 : i32
    %ne3A_57 = vector.broadcast %ne3A_56 : i32 to vector<16xi32>
    %ne3A_58 = arith.cmpi ne, %rem3A_55, %ne3A_57 : vector<16xi32>
    %lt3A_59 = arith.constant 0 : i32
    %lt3A_60 = vector.broadcast %lt3A_59 : i32 to vector<16xi32>
    %lt3A_61 = arith.cmpi slt, %rem3A_55, %lt3A_60 : vector<16xi32>
    %lt3A_62 = arith.constant 0 : i32
    %lt3A_63 = arith.cmpi slt, %select_n3A_53, %lt3A_62 : i32
    %ne3A_64 = vector.broadcast %lt3A_63 : i1 to vector<16xi1>
    %ne3A_65 = vector.broadcast %ne3A_64 : vector<16xi1> to vector<16xi1>
    %ne3A_66 = arith.xori %lt3A_61, %ne3A_65 : vector<16xi1>
    %and3A_67 = arith.andi %ne3A_66, %ne3A_58 : vector<16xi1>
    %add3A_68 = vector.broadcast %select_n3A_53 : i32 to vector<16xi32>
    %add3A_69 = arith.addi %rem3A_55, %add3A_68 : vector<16xi32>
    %select_n3A_70 = arith.select %and3A_67, %add3A_69, %rem3A_55 : vector<16xi1>, vector<16xi32>
    %add3A_71 = arith.constant 3 : i32
    %add3A_72 = vector.broadcast %add3A_71 : i32 to vector<16xi32>
    %add3A_73 = arith.addi %iota3A, %add3A_72 : vector<16xi32>
    %jit3A_74 = arith.constant 16 : i32
    %eq3A_75 = arith.constant 0 : i32
    %eq3A_76 = arith.cmpi eq, %jit3A_74, %eq3A_75 : i32
    %jit3A_77 = arith.constant 1 : i32
    %select_n3A_78 = arith.select %eq3A_76, %jit3A_77, %jit3A_74 : i32
    %rem3A_79 = vector.broadcast %select_n3A_78 : i32 to vector<16xi32>
    %rem3A_80 = arith.remsi %add3A_73, %rem3A_79 : vector<16xi32>
    %ne3A_81 = arith.constant 0 : i32
    %ne3A_82 = vector.broadcast %ne3A_81 : i32 to vector<16xi32>
    %ne3A_83 = arith.cmpi ne, %rem3A_80, %ne3A_82 : vector<16xi32>
    %lt3A_84 = arith.constant 0 : i32
    %lt3A_85 = vector.broadcast %lt3A_84 : i32 to vector<16xi32>
    %lt3A_86 = arith.cmpi slt, %rem3A_80, %lt3A_85 : vector<16xi32>
    %lt3A_87 = arith.constant 0 : i32
    %lt3A_88 = arith.cmpi slt, %select_n3A_78, %lt3A_87 : i32
    %ne3A_89 = vector.broadcast %lt3A_88 : i1 to vector<16xi1>
    %ne3A_90 = vector.broadcast %ne3A_89 : vector<16xi1> to vector<16xi1>
    %ne3A_91 = arith.xori %lt3A_86, %ne3A_90 : vector<16xi1>
    %and3A_92 = arith.andi %ne3A_91, %ne3A_83 : vector<16xi1>
    %add3A_93 = vector.broadcast %select_n3A_78 : i32 to vector<16xi32>
    %add3A_94 = arith.addi %rem3A_80, %add3A_93 : vector<16xi32>
    %select_n3A_95 = arith.select %and3A_92, %add3A_94, %rem3A_80 : vector<16xi1>, vector<16xi32>
    %add3A_96 = arith.constant 4 : i32
    %add3A_97 = vector.broadcast %add3A_96 : i32 to vector<16xi32>
    %add3A_98 = arith.addi %iota3A, %add3A_97 : vector<16xi32>
    %jit3A_99 = arith.constant 16 : i32
    %eq3A_100 = arith.constant 0 : i32
    %eq3A_101 = arith.cmpi eq, %jit3A_99, %eq3A_100 : i32
    %jit3A_102 = arith.constant 1 : i32
    %select_n3A_103 = arith.select %eq3A_101, %jit3A_102, %jit3A_99 : i32
    %rem3A_104 = vector.broadcast %select_n3A_103 : i32 to vector<16xi32>
    %rem3A_105 = arith.remsi %add3A_98, %rem3A_104 : vector<16xi32>
    %ne3A_106 = arith.constant 0 : i32
    %ne3A_107 = vector.broadcast %ne3A_106 : i32 to vector<16xi32>
    %ne3A_108 = arith.cmpi ne, %rem3A_105, %ne3A_107 : vector<16xi32>
    %lt3A_109 = arith.constant 0 : i32
    %lt3A_110 = vector.broadcast %lt3A_109 : i32 to vector<16xi32>
    %lt3A_111 = arith.cmpi slt, %rem3A_105, %lt3A_110 : vector<16xi32>
    %lt3A_112 = arith.constant 0 : i32
    %lt3A_113 = arith.cmpi slt, %select_n3A_103, %lt3A_112 : i32
    %ne3A_114 = vector.broadcast %lt3A_113 : i1 to vector<16xi1>
    %ne3A_115 = vector.broadcast %ne3A_114 : vector<16xi1> to vector<16xi1>
    %ne3A_116 = arith.xori %lt3A_111, %ne3A_115 : vector<16xi1>
    %and3A_117 = arith.andi %ne3A_116, %ne3A_108 : vector<16xi1>
    %add3A_118 = vector.broadcast %select_n3A_103 : i32 to vector<16xi32>
    %add3A_119 = arith.addi %rem3A_105, %add3A_118 : vector<16xi32>
    %select_n3A_120 = arith.select %and3A_117, %add3A_119, %rem3A_105 : vector<16xi1>, vector<16xi32>
    %add3A_121 = arith.constant 5 : i32
    %add3A_122 = vector.broadcast %add3A_121 : i32 to vector<16xi32>
    %add3A_123 = arith.addi %iota3A, %add3A_122 : vector<16xi32>
    %jit3A_124 = arith.constant 16 : i32
    %eq3A_125 = arith.constant 0 : i32
    %eq3A_126 = arith.cmpi eq, %jit3A_124, %eq3A_125 : i32
    %jit3A_127 = arith.constant 1 : i32
    %select_n3A_128 = arith.select %eq3A_126, %jit3A_127, %jit3A_124 : i32
    %rem3A_129 = vector.broadcast %select_n3A_128 : i32 to vector<16xi32>
    %rem3A_130 = arith.remsi %add3A_123, %rem3A_129 : vector<16xi32>
    %ne3A_131 = arith.constant 0 : i32
    %ne3A_132 = vector.broadcast %ne3A_131 : i32 to vector<16xi32>
    %ne3A_133 = arith.cmpi ne, %rem3A_130, %ne3A_132 : vector<16xi32>
    %lt3A_134 = arith.constant 0 : i32
    %lt3A_135 = vector.broadcast %lt3A_134 : i32 to vector<16xi32>
    %lt3A_136 = arith.cmpi slt, %rem3A_130, %lt3A_135 : vector<16xi32>
    %lt3A_137 = arith.constant 0 : i32
    %lt3A_138 = arith.cmpi slt, %select_n3A_128, %lt3A_137 : i32
    %ne3A_139 = vector.broadcast %lt3A_138 : i1 to vector<16xi1>
    %ne3A_140 = vector.broadcast %ne3A_139 : vector<16xi1> to vector<16xi1>
    %ne3A_141 = arith.xori %lt3A_136, %ne3A_140 : vector<16xi1>
    %and3A_142 = arith.andi %ne3A_141, %ne3A_133 : vector<16xi1>
    %add3A_143 = vector.broadcast %select_n3A_128 : i32 to vector<16xi32>
    %add3A_144 = arith.addi %rem3A_130, %add3A_143 : vector<16xi32>
    %select_n3A_145 = arith.select %and3A_142, %add3A_144, %rem3A_130 : vector<16xi1>, vector<16xi32>
    %add3A_146 = arith.constant 6 : i32
    %add3A_147 = vector.broadcast %add3A_146 : i32 to vector<16xi32>
    %add3A_148 = arith.addi %iota3A, %add3A_147 : vector<16xi32>
    %jit3A_149 = arith.constant 16 : i32
    %eq3A_150 = arith.constant 0 : i32
    %eq3A_151 = arith.cmpi eq, %jit3A_149, %eq3A_150 : i32
    %jit3A_152 = arith.constant 1 : i32
    %select_n3A_153 = arith.select %eq3A_151, %jit3A_152, %jit3A_149 : i32
    %rem3A_154 = vector.broadcast %select_n3A_153 : i32 to vector<16xi32>
    %rem3A_155 = arith.remsi %add3A_148, %rem3A_154 : vector<16xi32>
    %ne3A_156 = arith.constant 0 : i32
    %ne3A_157 = vector.broadcast %ne3A_156 : i32 to vector<16xi32>
    %ne3A_158 = arith.cmpi ne, %rem3A_155, %ne3A_157 : vector<16xi32>
    %lt3A_159 = arith.constant 0 : i32
    %lt3A_160 = vector.broadcast %lt3A_159 : i32 to vector<16xi32>
    %lt3A_161 = arith.cmpi slt, %rem3A_155, %lt3A_160 : vector<16xi32>
    %lt3A_162 = arith.constant 0 : i32
    %lt3A_163 = arith.cmpi slt, %select_n3A_153, %lt3A_162 : i32
    %ne3A_164 = vector.broadcast %lt3A_163 : i1 to vector<16xi1>
    %ne3A_165 = vector.broadcast %ne3A_164 : vector<16xi1> to vector<16xi1>
    %ne3A_166 = arith.xori %lt3A_161, %ne3A_165 : vector<16xi1>
    %and3A_167 = arith.andi %ne3A_166, %ne3A_158 : vector<16xi1>
    %add3A_168 = vector.broadcast %select_n3A_153 : i32 to vector<16xi32>
    %add3A_169 = arith.addi %rem3A_155, %add3A_168 : vector<16xi32>
    %select_n3A_170 = arith.select %and3A_167, %add3A_169, %rem3A_155 : vector<16xi1>, vector<16xi32>
    %add3A_171 = arith.constant 7 : i32
    %add3A_172 = vector.broadcast %add3A_171 : i32 to vector<16xi32>
    %add3A_173 = arith.addi %iota3A, %add3A_172 : vector<16xi32>
    %jit3A_174 = arith.constant 16 : i32
    %eq3A_175 = arith.constant 0 : i32
    %eq3A_176 = arith.cmpi eq, %jit3A_174, %eq3A_175 : i32
    %jit3A_177 = arith.constant 1 : i32
    %select_n3A_178 = arith.select %eq3A_176, %jit3A_177, %jit3A_174 : i32
    %rem3A_179 = vector.broadcast %select_n3A_178 : i32 to vector<16xi32>
    %rem3A_180 = arith.remsi %add3A_173, %rem3A_179 : vector<16xi32>
    %ne3A_181 = arith.constant 0 : i32
    %ne3A_182 = vector.broadcast %ne3A_181 : i32 to vector<16xi32>
    %ne3A_183 = arith.cmpi ne, %rem3A_180, %ne3A_182 : vector<16xi32>
    %lt3A_184 = arith.constant 0 : i32
    %lt3A_185 = vector.broadcast %lt3A_184 : i32 to vector<16xi32>
    %lt3A_186 = arith.cmpi slt, %rem3A_180, %lt3A_185 : vector<16xi32>
    %lt3A_187 = arith.constant 0 : i32
    %lt3A_188 = arith.cmpi slt, %select_n3A_178, %lt3A_187 : i32
    %ne3A_189 = vector.broadcast %lt3A_188 : i1 to vector<16xi1>
    %ne3A_190 = vector.broadcast %ne3A_189 : vector<16xi1> to vector<16xi1>
    %ne3A_191 = arith.xori %lt3A_186, %ne3A_190 : vector<16xi1>
    %and3A_192 = arith.andi %ne3A_191, %ne3A_183 : vector<16xi1>
    %add3A_193 = vector.broadcast %select_n3A_178 : i32 to vector<16xi32>
    %add3A_194 = arith.addi %rem3A_180, %add3A_193 : vector<16xi32>
    %select_n3A_195 = arith.select %and3A_192, %add3A_194, %rem3A_180 : vector<16xi1>, vector<16xi32>
    %add3A_196 = arith.constant 8 : i32
    %add3A_197 = vector.broadcast %add3A_196 : i32 to vector<16xi32>
    %add3A_198 = arith.addi %iota3A, %add3A_197 : vector<16xi32>
    %jit3A_199 = arith.constant 16 : i32
    %eq3A_200 = arith.constant 0 : i32
    %eq3A_201 = arith.cmpi eq, %jit3A_199, %eq3A_200 : i32
    %jit3A_202 = arith.constant 1 : i32
    %select_n3A_203 = arith.select %eq3A_201, %jit3A_202, %jit3A_199 : i32
    %rem3A_204 = vector.broadcast %select_n3A_203 : i32 to vector<16xi32>
    %rem3A_205 = arith.remsi %add3A_198, %rem3A_204 : vector<16xi32>
    %ne3A_206 = arith.constant 0 : i32
    %ne3A_207 = vector.broadcast %ne3A_206 : i32 to vector<16xi32>
    %ne3A_208 = arith.cmpi ne, %rem3A_205, %ne3A_207 : vector<16xi32>
    %lt3A_209 = arith.constant 0 : i32
    %lt3A_210 = vector.broadcast %lt3A_209 : i32 to vector<16xi32>
    %lt3A_211 = arith.cmpi slt, %rem3A_205, %lt3A_210 : vector<16xi32>
    %lt3A_212 = arith.constant 0 : i32
    %lt3A_213 = arith.cmpi slt, %select_n3A_203, %lt3A_212 : i32
    %ne3A_214 = vector.broadcast %lt3A_213 : i1 to vector<16xi1>
    %ne3A_215 = vector.broadcast %ne3A_214 : vector<16xi1> to vector<16xi1>
    %ne3A_216 = arith.xori %lt3A_211, %ne3A_215 : vector<16xi1>
    %and3A_217 = arith.andi %ne3A_216, %ne3A_208 : vector<16xi1>
    %add3A_218 = vector.broadcast %select_n3A_203 : i32 to vector<16xi32>
    %add3A_219 = arith.addi %rem3A_205, %add3A_218 : vector<16xi32>
    %select_n3A_220 = arith.select %and3A_217, %add3A_219, %rem3A_205 : vector<16xi1>, vector<16xi32>
    %add3A_221 = arith.constant 9 : i32
    %add3A_222 = vector.broadcast %add3A_221 : i32 to vector<16xi32>
    %add3A_223 = arith.addi %iota3A, %add3A_222 : vector<16xi32>
    %jit3A_224 = arith.constant 16 : i32
    %eq3A_225 = arith.constant 0 : i32
    %eq3A_226 = arith.cmpi eq, %jit3A_224, %eq3A_225 : i32
    %jit3A_227 = arith.constant 1 : i32
    %select_n3A_228 = arith.select %eq3A_226, %jit3A_227, %jit3A_224 : i32
    %rem3A_229 = vector.broadcast %select_n3A_228 : i32 to vector<16xi32>
    %rem3A_230 = arith.remsi %add3A_223, %rem3A_229 : vector<16xi32>
    %ne3A_231 = arith.constant 0 : i32
    %ne3A_232 = vector.broadcast %ne3A_231 : i32 to vector<16xi32>
    %ne3A_233 = arith.cmpi ne, %rem3A_230, %ne3A_232 : vector<16xi32>
    %lt3A_234 = arith.constant 0 : i32
    %lt3A_235 = vector.broadcast %lt3A_234 : i32 to vector<16xi32>
    %lt3A_236 = arith.cmpi slt, %rem3A_230, %lt3A_235 : vector<16xi32>
    %lt3A_237 = arith.constant 0 : i32
    %lt3A_238 = arith.cmpi slt, %select_n3A_228, %lt3A_237 : i32
    %ne3A_239 = vector.broadcast %lt3A_238 : i1 to vector<16xi1>
    %ne3A_240 = vector.broadcast %ne3A_239 : vector<16xi1> to vector<16xi1>
    %ne3A_241 = arith.xori %lt3A_236, %ne3A_240 : vector<16xi1>
    %and3A_242 = arith.andi %ne3A_241, %ne3A_233 : vector<16xi1>
    %add3A_243 = vector.broadcast %select_n3A_228 : i32 to vector<16xi32>
    %add3A_244 = arith.addi %rem3A_230, %add3A_243 : vector<16xi32>
    %select_n3A_245 = arith.select %and3A_242, %add3A_244, %rem3A_230 : vector<16xi1>, vector<16xi32>
    %add3A_246 = arith.constant 10 : i32
    %add3A_247 = vector.broadcast %add3A_246 : i32 to vector<16xi32>
    %add3A_248 = arith.addi %iota3A, %add3A_247 : vector<16xi32>
    %jit3A_249 = arith.constant 16 : i32
    %eq3A_250 = arith.constant 0 : i32
    %eq3A_251 = arith.cmpi eq, %jit3A_249, %eq3A_250 : i32
    %jit3A_252 = arith.constant 1 : i32
    %select_n3A_253 = arith.select %eq3A_251, %jit3A_252, %jit3A_249 : i32
    %rem3A_254 = vector.broadcast %select_n3A_253 : i32 to vector<16xi32>
    %rem3A_255 = arith.remsi %add3A_248, %rem3A_254 : vector<16xi32>
    %ne3A_256 = arith.constant 0 : i32
    %ne3A_257 = vector.broadcast %ne3A_256 : i32 to vector<16xi32>
    %ne3A_258 = arith.cmpi ne, %rem3A_255, %ne3A_257 : vector<16xi32>
    %lt3A_259 = arith.constant 0 : i32
    %lt3A_260 = vector.broadcast %lt3A_259 : i32 to vector<16xi32>
    %lt3A_261 = arith.cmpi slt, %rem3A_255, %lt3A_260 : vector<16xi32>
    %lt3A_262 = arith.constant 0 : i32
    %lt3A_263 = arith.cmpi slt, %select_n3A_253, %lt3A_262 : i32
    %ne3A_264 = vector.broadcast %lt3A_263 : i1 to vector<16xi1>
    %ne3A_265 = vector.broadcast %ne3A_264 : vector<16xi1> to vector<16xi1>
    %ne3A_266 = arith.xori %lt3A_261, %ne3A_265 : vector<16xi1>
    %and3A_267 = arith.andi %ne3A_266, %ne3A_258 : vector<16xi1>
    %add3A_268 = vector.broadcast %select_n3A_253 : i32 to vector<16xi32>
    %add3A_269 = arith.addi %rem3A_255, %add3A_268 : vector<16xi32>
    %select_n3A_270 = arith.select %and3A_267, %add3A_269, %rem3A_255 : vector<16xi1>, vector<16xi32>
    %add3A_271 = arith.constant 11 : i32
    %add3A_272 = vector.broadcast %add3A_271 : i32 to vector<16xi32>
    %add3A_273 = arith.addi %iota3A, %add3A_272 : vector<16xi32>
    %jit3A_274 = arith.constant 16 : i32
    %eq3A_275 = arith.constant 0 : i32
    %eq3A_276 = arith.cmpi eq, %jit3A_274, %eq3A_275 : i32
    %jit3A_277 = arith.constant 1 : i32
    %select_n3A_278 = arith.select %eq3A_276, %jit3A_277, %jit3A_274 : i32
    %rem3A_279 = vector.broadcast %select_n3A_278 : i32 to vector<16xi32>
    %rem3A_280 = arith.remsi %add3A_273, %rem3A_279 : vector<16xi32>
    %ne3A_281 = arith.constant 0 : i32
    %ne3A_282 = vector.broadcast %ne3A_281 : i32 to vector<16xi32>
    %ne3A_283 = arith.cmpi ne, %rem3A_280, %ne3A_282 : vector<16xi32>
    %lt3A_284 = arith.constant 0 : i32
    %lt3A_285 = vector.broadcast %lt3A_284 : i32 to vector<16xi32>
    %lt3A_286 = arith.cmpi slt, %rem3A_280, %lt3A_285 : vector<16xi32>
    %lt3A_287 = arith.constant 0 : i32
    %lt3A_288 = arith.cmpi slt, %select_n3A_278, %lt3A_287 : i32
    %ne3A_289 = vector.broadcast %lt3A_288 : i1 to vector<16xi1>
    %ne3A_290 = vector.broadcast %ne3A_289 : vector<16xi1> to vector<16xi1>
    %ne3A_291 = arith.xori %lt3A_286, %ne3A_290 : vector<16xi1>
    %and3A_292 = arith.andi %ne3A_291, %ne3A_283 : vector<16xi1>
    %add3A_293 = vector.broadcast %select_n3A_278 : i32 to vector<16xi32>
    %add3A_294 = arith.addi %rem3A_280, %add3A_293 : vector<16xi32>
    %select_n3A_295 = arith.select %and3A_292, %add3A_294, %rem3A_280 : vector<16xi1>, vector<16xi32>
    %add3A_296 = arith.constant 12 : i32
    %add3A_297 = vector.broadcast %add3A_296 : i32 to vector<16xi32>
    %add3A_298 = arith.addi %iota3A, %add3A_297 : vector<16xi32>
    %jit3A_299 = arith.constant 16 : i32
    %eq3A_300 = arith.constant 0 : i32
    %eq3A_301 = arith.cmpi eq, %jit3A_299, %eq3A_300 : i32
    %jit3A_302 = arith.constant 1 : i32
    %select_n3A_303 = arith.select %eq3A_301, %jit3A_302, %jit3A_299 : i32
    %rem3A_304 = vector.broadcast %select_n3A_303 : i32 to vector<16xi32>
    %rem3A_305 = arith.remsi %add3A_298, %rem3A_304 : vector<16xi32>
    %ne3A_306 = arith.constant 0 : i32
    %ne3A_307 = vector.broadcast %ne3A_306 : i32 to vector<16xi32>
    %ne3A_308 = arith.cmpi ne, %rem3A_305, %ne3A_307 : vector<16xi32>
    %lt3A_309 = arith.constant 0 : i32
    %lt3A_310 = vector.broadcast %lt3A_309 : i32 to vector<16xi32>
    %lt3A_311 = arith.cmpi slt, %rem3A_305, %lt3A_310 : vector<16xi32>
    %lt3A_312 = arith.constant 0 : i32
    %lt3A_313 = arith.cmpi slt, %select_n3A_303, %lt3A_312 : i32
    %ne3A_314 = vector.broadcast %lt3A_313 : i1 to vector<16xi1>
    %ne3A_315 = vector.broadcast %ne3A_314 : vector<16xi1> to vector<16xi1>
    %ne3A_316 = arith.xori %lt3A_311, %ne3A_315 : vector<16xi1>
    %and3A_317 = arith.andi %ne3A_316, %ne3A_308 : vector<16xi1>
    %add3A_318 = vector.broadcast %select_n3A_303 : i32 to vector<16xi32>
    %add3A_319 = arith.addi %rem3A_305, %add3A_318 : vector<16xi32>
    %select_n3A_320 = arith.select %and3A_317, %add3A_319, %rem3A_305 : vector<16xi1>, vector<16xi32>
    %add3A_321 = arith.constant 13 : i32
    %add3A_322 = vector.broadcast %add3A_321 : i32 to vector<16xi32>
    %add3A_323 = arith.addi %iota3A, %add3A_322 : vector<16xi32>
    %jit3A_324 = arith.constant 16 : i32
    %eq3A_325 = arith.constant 0 : i32
    %eq3A_326 = arith.cmpi eq, %jit3A_324, %eq3A_325 : i32
    %jit3A_327 = arith.constant 1 : i32
    %select_n3A_328 = arith.select %eq3A_326, %jit3A_327, %jit3A_324 : i32
    %rem3A_329 = vector.broadcast %select_n3A_328 : i32 to vector<16xi32>
    %rem3A_330 = arith.remsi %add3A_323, %rem3A_329 : vector<16xi32>
    %ne3A_331 = arith.constant 0 : i32
    %ne3A_332 = vector.broadcast %ne3A_331 : i32 to vector<16xi32>
    %ne3A_333 = arith.cmpi ne, %rem3A_330, %ne3A_332 : vector<16xi32>
    %lt3A_334 = arith.constant 0 : i32
    %lt3A_335 = vector.broadcast %lt3A_334 : i32 to vector<16xi32>
    %lt3A_336 = arith.cmpi slt, %rem3A_330, %lt3A_335 : vector<16xi32>
    %lt3A_337 = arith.constant 0 : i32
    %lt3A_338 = arith.cmpi slt, %select_n3A_328, %lt3A_337 : i32
    %ne3A_339 = vector.broadcast %lt3A_338 : i1 to vector<16xi1>
    %ne3A_340 = vector.broadcast %ne3A_339 : vector<16xi1> to vector<16xi1>
    %ne3A_341 = arith.xori %lt3A_336, %ne3A_340 : vector<16xi1>
    %and3A_342 = arith.andi %ne3A_341, %ne3A_333 : vector<16xi1>
    %add3A_343 = vector.broadcast %select_n3A_328 : i32 to vector<16xi32>
    %add3A_344 = arith.addi %rem3A_330, %add3A_343 : vector<16xi32>
    %select_n3A_345 = arith.select %and3A_342, %add3A_344, %rem3A_330 : vector<16xi1>, vector<16xi32>
    %add3A_346 = arith.constant 14 : i32
    %add3A_347 = vector.broadcast %add3A_346 : i32 to vector<16xi32>
    %add3A_348 = arith.addi %iota3A, %add3A_347 : vector<16xi32>
    %jit3A_349 = arith.constant 16 : i32
    %eq3A_350 = arith.constant 0 : i32
    %eq3A_351 = arith.cmpi eq, %jit3A_349, %eq3A_350 : i32
    %jit3A_352 = arith.constant 1 : i32
    %select_n3A_353 = arith.select %eq3A_351, %jit3A_352, %jit3A_349 : i32
    %rem3A_354 = vector.broadcast %select_n3A_353 : i32 to vector<16xi32>
    %rem3A_355 = arith.remsi %add3A_348, %rem3A_354 : vector<16xi32>
    %ne3A_356 = arith.constant 0 : i32
    %ne3A_357 = vector.broadcast %ne3A_356 : i32 to vector<16xi32>
    %ne3A_358 = arith.cmpi ne, %rem3A_355, %ne3A_357 : vector<16xi32>
    %lt3A_359 = arith.constant 0 : i32
    %lt3A_360 = vector.broadcast %lt3A_359 : i32 to vector<16xi32>
    %lt3A_361 = arith.cmpi slt, %rem3A_355, %lt3A_360 : vector<16xi32>
    %lt3A_362 = arith.constant 0 : i32
    %lt3A_363 = arith.cmpi slt, %select_n3A_353, %lt3A_362 : i32
    %ne3A_364 = vector.broadcast %lt3A_363 : i1 to vector<16xi1>
    %ne3A_365 = vector.broadcast %ne3A_364 : vector<16xi1> to vector<16xi1>
    %ne3A_366 = arith.xori %lt3A_361, %ne3A_365 : vector<16xi1>
    %and3A_367 = arith.andi %ne3A_366, %ne3A_358 : vector<16xi1>
    %add3A_368 = vector.broadcast %select_n3A_353 : i32 to vector<16xi32>
    %add3A_369 = arith.addi %rem3A_355, %add3A_368 : vector<16xi32>
    %select_n3A_370 = arith.select %and3A_367, %add3A_369, %rem3A_355 : vector<16xi1>, vector<16xi32>
    %add3A_371 = arith.constant 15 : i32
    %add3A_372 = vector.broadcast %add3A_371 : i32 to vector<16xi32>
    %add3A_373 = arith.addi %iota3A, %add3A_372 : vector<16xi32>
    %jit3A_374 = arith.constant 16 : i32
    %eq3A_375 = arith.constant 0 : i32
    %eq3A_376 = arith.cmpi eq, %jit3A_374, %eq3A_375 : i32
    %jit3A_377 = arith.constant 1 : i32
    %select_n3A_378 = arith.select %eq3A_376, %jit3A_377, %jit3A_374 : i32
    %rem3A_379 = vector.broadcast %select_n3A_378 : i32 to vector<16xi32>
    %rem3A_380 = arith.remsi %add3A_373, %rem3A_379 : vector<16xi32>
    %ne3A_381 = arith.constant 0 : i32
    %ne3A_382 = vector.broadcast %ne3A_381 : i32 to vector<16xi32>
    %ne3A_383 = arith.cmpi ne, %rem3A_380, %ne3A_382 : vector<16xi32>
    %lt3A_384 = arith.constant 0 : i32
    %lt3A_385 = vector.broadcast %lt3A_384 : i32 to vector<16xi32>
    %lt3A_386 = arith.cmpi slt, %rem3A_380, %lt3A_385 : vector<16xi32>
    %lt3A_387 = arith.constant 0 : i32
    %lt3A_388 = arith.cmpi slt, %select_n3A_378, %lt3A_387 : i32
    %ne3A_389 = vector.broadcast %lt3A_388 : i1 to vector<16xi1>
    %ne3A_390 = vector.broadcast %ne3A_389 : vector<16xi1> to vector<16xi1>
    %ne3A_391 = arith.xori %lt3A_386, %ne3A_390 : vector<16xi1>
    %and3A_392 = arith.andi %ne3A_391, %ne3A_383 : vector<16xi1>
    %add3A_393 = vector.broadcast %select_n3A_378 : i32 to vector<16xi32>
    %add3A_394 = arith.addi %rem3A_380, %add3A_393 : vector<16xi32>
    %select_n3A_395 = arith.select %and3A_392, %add3A_394, %rem3A_380 : vector<16xi1>, vector<16xi32>
    %jit3A_396 = arith.constant 8 : i32
    %div3A = vector.broadcast %jit3A_396 : i32 to vector<16xi32>
    %div3A_397 = arith.divsi %iota3A, %div3A : vector<16xi32>
    %sign3A = arith.constant 0 : i32
    %sign3A_398 = vector.broadcast %sign3A : i32 to vector<16xi32>
    %sign3A_399 = arith.cmpi sgt, %iota3A, %sign3A_398 : vector<16xi32>
    %sign3A_400 = arith.extui %sign3A_399 : vector<16xi1> to vector<16xi32>
    %sign3A_401 = arith.constant 0 : i32
    %sign3A_402 = vector.broadcast %sign3A_401 : i32 to vector<16xi32>
    %sign3A_403 = arith.cmpi slt, %iota3A, %sign3A_402 : vector<16xi32>
    %sign3A_404 = arith.extui %sign3A_403 : vector<16xi1> to vector<16xi32>
    %sign3A_405 = arith.subi %sign3A_400, %sign3A_404 : vector<16xi32>
    %sign3A_406 = arith.constant 0 : i32
    %sign3A_407 = arith.cmpi sgt, %jit3A_396, %sign3A_406 : i32
    %sign3A_408 = arith.extui %sign3A_407 : i1 to i32
    %sign3A_409 = arith.constant 0 : i32
    %sign3A_410 = arith.cmpi slt, %jit3A_396, %sign3A_409 : i32
    %sign3A_411 = arith.extui %sign3A_410 : i1 to i32
    %sign3A_412 = arith.subi %sign3A_408, %sign3A_411 : i32
    %ne3A_413 = vector.broadcast %sign3A_412 : i32 to vector<16xi32>
    %ne3A_414 = arith.cmpi ne, %sign3A_405, %ne3A_413 : vector<16xi32>
    %rem3A_415 = vector.broadcast %jit3A_396 : i32 to vector<16xi32>
    %rem3A_416 = arith.remsi %iota3A, %rem3A_415 : vector<16xi32>
    %ne3A_417 = arith.constant 0 : i32
    %ne3A_418 = vector.broadcast %ne3A_417 : i32 to vector<16xi32>
    %ne3A_419 = arith.cmpi ne, %rem3A_416, %ne3A_418 : vector<16xi32>
    %and3A_420 = arith.andi %ne3A_414, %ne3A_419 : vector<16xi1>
    %sub3A = arith.constant 1 : i32
    %sub3A_421 = vector.broadcast %sub3A : i32 to vector<16xi32>
    %sub3A_422 = arith.subi %div3A_397, %sub3A_421 : vector<16xi32>
    %select_n3A_423 = arith.select %and3A_420, %sub3A_422, %div3A_397 : vector<16xi1>, vector<16xi32>
    %mul3A_424 = arith.constant 8192 : i32
    %mul3A_425 = vector.broadcast %mul3A_424 : i32 to vector<16xi32>
    %mul3A_426 = arith.muli %select_n3A_423, %mul3A_425 : vector<16xi32>
    %jit3A_427 = arith.constant 8 : i32
    %eq3A_428 = arith.constant 0 : i32
    %eq3A_429 = arith.cmpi eq, %jit3A_427, %eq3A_428 : i32
    %jit3A_430 = arith.constant 1 : i32
    %select_n3A_431 = arith.select %eq3A_429, %jit3A_430, %jit3A_427 : i32
    %rem3A_432 = vector.broadcast %select_n3A_431 : i32 to vector<16xi32>
    %rem3A_433 = arith.remsi %iota3A, %rem3A_432 : vector<16xi32>
    %ne3A_434 = arith.constant 0 : i32
    %ne3A_435 = vector.broadcast %ne3A_434 : i32 to vector<16xi32>
    %ne3A_436 = arith.cmpi ne, %rem3A_433, %ne3A_435 : vector<16xi32>
    %lt3A_437 = arith.constant 0 : i32
    %lt3A_438 = vector.broadcast %lt3A_437 : i32 to vector<16xi32>
    %lt3A_439 = arith.cmpi slt, %rem3A_433, %lt3A_438 : vector<16xi32>
    %lt3A_440 = arith.constant 0 : i32
    %lt3A_441 = arith.cmpi slt, %select_n3A_431, %lt3A_440 : i32
    %ne3A_442 = vector.broadcast %lt3A_441 : i1 to vector<16xi1>
    %ne3A_443 = vector.broadcast %ne3A_442 : vector<16xi1> to vector<16xi1>
    %ne3A_444 = arith.xori %lt3A_439, %ne3A_443 : vector<16xi1>
    %and3A_445 = arith.andi %ne3A_444, %ne3A_436 : vector<16xi1>
    %add3A_446 = vector.broadcast %select_n3A_431 : i32 to vector<16xi32>
    %add3A_447 = arith.addi %rem3A_433, %add3A_446 : vector<16xi32>
    %select_n3A_448 = arith.select %and3A_445, %add3A_447, %rem3A_433 : vector<16xi1>, vector<16xi32>
    %mul3A_449 = arith.constant 128 : i32
    %mul3A_450 = vector.broadcast %mul3A_449 : i32 to vector<16xi32>
    %mul3A_451 = arith.muli %select_n3A_448, %mul3A_450 : vector<16xi32>
    %add3A_452 = arith.addi %mul3A_426, %mul3A_451 : vector<16xi32>
    %add3A_453 = arith.addi %add3A_452, %select_n3A_20 : vector<16xi32>
    %jit3A_454 = arith.constant 8 : i32
    %div3A_455 = vector.broadcast %jit3A_454 : i32 to vector<16xi32>
    %div3A_456 = arith.divsi %iota3A, %div3A_455 : vector<16xi32>
    %sign3A_457 = arith.constant 0 : i32
    %sign3A_458 = vector.broadcast %sign3A_457 : i32 to vector<16xi32>
    %sign3A_459 = arith.cmpi sgt, %iota3A, %sign3A_458 : vector<16xi32>
    %sign3A_460 = arith.extui %sign3A_459 : vector<16xi1> to vector<16xi32>
    %sign3A_461 = arith.constant 0 : i32
    %sign3A_462 = vector.broadcast %sign3A_461 : i32 to vector<16xi32>
    %sign3A_463 = arith.cmpi slt, %iota3A, %sign3A_462 : vector<16xi32>
    %sign3A_464 = arith.extui %sign3A_463 : vector<16xi1> to vector<16xi32>
    %sign3A_465 = arith.subi %sign3A_460, %sign3A_464 : vector<16xi32>
    %sign3A_466 = arith.constant 0 : i32
    %sign3A_467 = arith.cmpi sgt, %jit3A_454, %sign3A_466 : i32
    %sign3A_468 = arith.extui %sign3A_467 : i1 to i32
    %sign3A_469 = arith.constant 0 : i32
    %sign3A_470 = arith.cmpi slt, %jit3A_454, %sign3A_469 : i32
    %sign3A_471 = arith.extui %sign3A_470 : i1 to i32
    %sign3A_472 = arith.subi %sign3A_468, %sign3A_471 : i32
    %ne3A_473 = vector.broadcast %sign3A_472 : i32 to vector<16xi32>
    %ne3A_474 = arith.cmpi ne, %sign3A_465, %ne3A_473 : vector<16xi32>
    %rem3A_475 = vector.broadcast %jit3A_454 : i32 to vector<16xi32>
    %rem3A_476 = arith.remsi %iota3A, %rem3A_475 : vector<16xi32>
    %ne3A_477 = arith.constant 0 : i32
    %ne3A_478 = vector.broadcast %ne3A_477 : i32 to vector<16xi32>
    %ne3A_479 = arith.cmpi ne, %rem3A_476, %ne3A_478 : vector<16xi32>
    %and3A_480 = arith.andi %ne3A_474, %ne3A_479 : vector<16xi1>
    %sub3A_481 = arith.constant 1 : i32
    %sub3A_482 = vector.broadcast %sub3A_481 : i32 to vector<16xi32>
    %sub3A_483 = arith.subi %div3A_456, %sub3A_482 : vector<16xi32>
    %select_n3A_484 = arith.select %and3A_480, %sub3A_483, %div3A_456 : vector<16xi1>, vector<16xi32>
    %mul3A_485 = arith.constant 8192 : i32
    %mul3A_486 = vector.broadcast %mul3A_485 : i32 to vector<16xi32>
    %mul3A_487 = arith.muli %select_n3A_484, %mul3A_486 : vector<16xi32>
    %jit3A_488 = arith.constant 8 : i32
    %eq3A_489 = arith.constant 0 : i32
    %eq3A_490 = arith.cmpi eq, %jit3A_488, %eq3A_489 : i32
    %jit3A_491 = arith.constant 1 : i32
    %select_n3A_492 = arith.select %eq3A_490, %jit3A_491, %jit3A_488 : i32
    %rem3A_493 = vector.broadcast %select_n3A_492 : i32 to vector<16xi32>
    %rem3A_494 = arith.remsi %iota3A, %rem3A_493 : vector<16xi32>
    %ne3A_495 = arith.constant 0 : i32
    %ne3A_496 = vector.broadcast %ne3A_495 : i32 to vector<16xi32>
    %ne3A_497 = arith.cmpi ne, %rem3A_494, %ne3A_496 : vector<16xi32>
    %lt3A_498 = arith.constant 0 : i32
    %lt3A_499 = vector.broadcast %lt3A_498 : i32 to vector<16xi32>
    %lt3A_500 = arith.cmpi slt, %rem3A_494, %lt3A_499 : vector<16xi32>
    %lt3A_501 = arith.constant 0 : i32
    %lt3A_502 = arith.cmpi slt, %select_n3A_492, %lt3A_501 : i32
    %ne3A_503 = vector.broadcast %lt3A_502 : i1 to vector<16xi1>
    %ne3A_504 = vector.broadcast %ne3A_503 : vector<16xi1> to vector<16xi1>
    %ne3A_505 = arith.xori %lt3A_500, %ne3A_504 : vector<16xi1>
    %and3A_506 = arith.andi %ne3A_505, %ne3A_497 : vector<16xi1>
    %add3A_507 = vector.broadcast %select_n3A_492 : i32 to vector<16xi32>
    %add3A_508 = arith.addi %rem3A_494, %add3A_507 : vector<16xi32>
    %select_n3A_509 = arith.select %and3A_506, %add3A_508, %rem3A_494 : vector<16xi1>, vector<16xi32>
    %mul3A_510 = arith.constant 128 : i32
    %mul3A_511 = vector.broadcast %mul3A_510 : i32 to vector<16xi32>
    %mul3A_512 = arith.muli %select_n3A_509, %mul3A_511 : vector<16xi32>
    %add3A_513 = arith.addi %mul3A_487, %mul3A_512 : vector<16xi32>
    %add3A_514 = arith.addi %add3A_513, %select_n3A_45 : vector<16xi32>
    %jit3A_515 = arith.constant 8 : i32
    %div3A_516 = vector.broadcast %jit3A_515 : i32 to vector<16xi32>
    %div3A_517 = arith.divsi %iota3A, %div3A_516 : vector<16xi32>
    %sign3A_518 = arith.constant 0 : i32
    %sign3A_519 = vector.broadcast %sign3A_518 : i32 to vector<16xi32>
    %sign3A_520 = arith.cmpi sgt, %iota3A, %sign3A_519 : vector<16xi32>
    %sign3A_521 = arith.extui %sign3A_520 : vector<16xi1> to vector<16xi32>
    %sign3A_522 = arith.constant 0 : i32
    %sign3A_523 = vector.broadcast %sign3A_522 : i32 to vector<16xi32>
    %sign3A_524 = arith.cmpi slt, %iota3A, %sign3A_523 : vector<16xi32>
    %sign3A_525 = arith.extui %sign3A_524 : vector<16xi1> to vector<16xi32>
    %sign3A_526 = arith.subi %sign3A_521, %sign3A_525 : vector<16xi32>
    %sign3A_527 = arith.constant 0 : i32
    %sign3A_528 = arith.cmpi sgt, %jit3A_515, %sign3A_527 : i32
    %sign3A_529 = arith.extui %sign3A_528 : i1 to i32
    %sign3A_530 = arith.constant 0 : i32
    %sign3A_531 = arith.cmpi slt, %jit3A_515, %sign3A_530 : i32
    %sign3A_532 = arith.extui %sign3A_531 : i1 to i32
    %sign3A_533 = arith.subi %sign3A_529, %sign3A_532 : i32
    %ne3A_534 = vector.broadcast %sign3A_533 : i32 to vector<16xi32>
    %ne3A_535 = arith.cmpi ne, %sign3A_526, %ne3A_534 : vector<16xi32>
    %rem3A_536 = vector.broadcast %jit3A_515 : i32 to vector<16xi32>
    %rem3A_537 = arith.remsi %iota3A, %rem3A_536 : vector<16xi32>
    %ne3A_538 = arith.constant 0 : i32
    %ne3A_539 = vector.broadcast %ne3A_538 : i32 to vector<16xi32>
    %ne3A_540 = arith.cmpi ne, %rem3A_537, %ne3A_539 : vector<16xi32>
    %and3A_541 = arith.andi %ne3A_535, %ne3A_540 : vector<16xi1>
    %sub3A_542 = arith.constant 1 : i32
    %sub3A_543 = vector.broadcast %sub3A_542 : i32 to vector<16xi32>
    %sub3A_544 = arith.subi %div3A_517, %sub3A_543 : vector<16xi32>
    %select_n3A_545 = arith.select %and3A_541, %sub3A_544, %div3A_517 : vector<16xi1>, vector<16xi32>
    %mul3A_546 = arith.constant 8192 : i32
    %mul3A_547 = vector.broadcast %mul3A_546 : i32 to vector<16xi32>
    %mul3A_548 = arith.muli %select_n3A_545, %mul3A_547 : vector<16xi32>
    %jit3A_549 = arith.constant 8 : i32
    %eq3A_550 = arith.constant 0 : i32
    %eq3A_551 = arith.cmpi eq, %jit3A_549, %eq3A_550 : i32
    %jit3A_552 = arith.constant 1 : i32
    %select_n3A_553 = arith.select %eq3A_551, %jit3A_552, %jit3A_549 : i32
    %rem3A_554 = vector.broadcast %select_n3A_553 : i32 to vector<16xi32>
    %rem3A_555 = arith.remsi %iota3A, %rem3A_554 : vector<16xi32>
    %ne3A_556 = arith.constant 0 : i32
    %ne3A_557 = vector.broadcast %ne3A_556 : i32 to vector<16xi32>
    %ne3A_558 = arith.cmpi ne, %rem3A_555, %ne3A_557 : vector<16xi32>
    %lt3A_559 = arith.constant 0 : i32
    %lt3A_560 = vector.broadcast %lt3A_559 : i32 to vector<16xi32>
    %lt3A_561 = arith.cmpi slt, %rem3A_555, %lt3A_560 : vector<16xi32>
    %lt3A_562 = arith.constant 0 : i32
    %lt3A_563 = arith.cmpi slt, %select_n3A_553, %lt3A_562 : i32
    %ne3A_564 = vector.broadcast %lt3A_563 : i1 to vector<16xi1>
    %ne3A_565 = vector.broadcast %ne3A_564 : vector<16xi1> to vector<16xi1>
    %ne3A_566 = arith.xori %lt3A_561, %ne3A_565 : vector<16xi1>
    %and3A_567 = arith.andi %ne3A_566, %ne3A_558 : vector<16xi1>
    %add3A_568 = vector.broadcast %select_n3A_553 : i32 to vector<16xi32>
    %add3A_569 = arith.addi %rem3A_555, %add3A_568 : vector<16xi32>
    %select_n3A_570 = arith.select %and3A_567, %add3A_569, %rem3A_555 : vector<16xi1>, vector<16xi32>
    %mul3A_571 = arith.constant 128 : i32
    %mul3A_572 = vector.broadcast %mul3A_571 : i32 to vector<16xi32>
    %mul3A_573 = arith.muli %select_n3A_570, %mul3A_572 : vector<16xi32>
    %add3A_574 = arith.addi %mul3A_548, %mul3A_573 : vector<16xi32>
    %add3A_575 = arith.addi %add3A_574, %select_n3A_70 : vector<16xi32>
    %jit3A_576 = arith.constant 8 : i32
    %div3A_577 = vector.broadcast %jit3A_576 : i32 to vector<16xi32>
    %div3A_578 = arith.divsi %iota3A, %div3A_577 : vector<16xi32>
    %sign3A_579 = arith.constant 0 : i32
    %sign3A_580 = vector.broadcast %sign3A_579 : i32 to vector<16xi32>
    %sign3A_581 = arith.cmpi sgt, %iota3A, %sign3A_580 : vector<16xi32>
    %sign3A_582 = arith.extui %sign3A_581 : vector<16xi1> to vector<16xi32>
    %sign3A_583 = arith.constant 0 : i32
    %sign3A_584 = vector.broadcast %sign3A_583 : i32 to vector<16xi32>
    %sign3A_585 = arith.cmpi slt, %iota3A, %sign3A_584 : vector<16xi32>
    %sign3A_586 = arith.extui %sign3A_585 : vector<16xi1> to vector<16xi32>
    %sign3A_587 = arith.subi %sign3A_582, %sign3A_586 : vector<16xi32>
    %sign3A_588 = arith.constant 0 : i32
    %sign3A_589 = arith.cmpi sgt, %jit3A_576, %sign3A_588 : i32
    %sign3A_590 = arith.extui %sign3A_589 : i1 to i32
    %sign3A_591 = arith.constant 0 : i32
    %sign3A_592 = arith.cmpi slt, %jit3A_576, %sign3A_591 : i32
    %sign3A_593 = arith.extui %sign3A_592 : i1 to i32
    %sign3A_594 = arith.subi %sign3A_590, %sign3A_593 : i32
    %ne3A_595 = vector.broadcast %sign3A_594 : i32 to vector<16xi32>
    %ne3A_596 = arith.cmpi ne, %sign3A_587, %ne3A_595 : vector<16xi32>
    %rem3A_597 = vector.broadcast %jit3A_576 : i32 to vector<16xi32>
    %rem3A_598 = arith.remsi %iota3A, %rem3A_597 : vector<16xi32>
    %ne3A_599 = arith.constant 0 : i32
    %ne3A_600 = vector.broadcast %ne3A_599 : i32 to vector<16xi32>
    %ne3A_601 = arith.cmpi ne, %rem3A_598, %ne3A_600 : vector<16xi32>
    %and3A_602 = arith.andi %ne3A_596, %ne3A_601 : vector<16xi1>
    %sub3A_603 = arith.constant 1 : i32
    %sub3A_604 = vector.broadcast %sub3A_603 : i32 to vector<16xi32>
    %sub3A_605 = arith.subi %div3A_578, %sub3A_604 : vector<16xi32>
    %select_n3A_606 = arith.select %and3A_602, %sub3A_605, %div3A_578 : vector<16xi1>, vector<16xi32>
    %mul3A_607 = arith.constant 8192 : i32
    %mul3A_608 = vector.broadcast %mul3A_607 : i32 to vector<16xi32>
    %mul3A_609 = arith.muli %select_n3A_606, %mul3A_608 : vector<16xi32>
    %jit3A_610 = arith.constant 8 : i32
    %eq3A_611 = arith.constant 0 : i32
    %eq3A_612 = arith.cmpi eq, %jit3A_610, %eq3A_611 : i32
    %jit3A_613 = arith.constant 1 : i32
    %select_n3A_614 = arith.select %eq3A_612, %jit3A_613, %jit3A_610 : i32
    %rem3A_615 = vector.broadcast %select_n3A_614 : i32 to vector<16xi32>
    %rem3A_616 = arith.remsi %iota3A, %rem3A_615 : vector<16xi32>
    %ne3A_617 = arith.constant 0 : i32
    %ne3A_618 = vector.broadcast %ne3A_617 : i32 to vector<16xi32>
    %ne3A_619 = arith.cmpi ne, %rem3A_616, %ne3A_618 : vector<16xi32>
    %lt3A_620 = arith.constant 0 : i32
    %lt3A_621 = vector.broadcast %lt3A_620 : i32 to vector<16xi32>
    %lt3A_622 = arith.cmpi slt, %rem3A_616, %lt3A_621 : vector<16xi32>
    %lt3A_623 = arith.constant 0 : i32
    %lt3A_624 = arith.cmpi slt, %select_n3A_614, %lt3A_623 : i32
    %ne3A_625 = vector.broadcast %lt3A_624 : i1 to vector<16xi1>
    %ne3A_626 = vector.broadcast %ne3A_625 : vector<16xi1> to vector<16xi1>
    %ne3A_627 = arith.xori %lt3A_622, %ne3A_626 : vector<16xi1>
    %and3A_628 = arith.andi %ne3A_627, %ne3A_619 : vector<16xi1>
    %add3A_629 = vector.broadcast %select_n3A_614 : i32 to vector<16xi32>
    %add3A_630 = arith.addi %rem3A_616, %add3A_629 : vector<16xi32>
    %select_n3A_631 = arith.select %and3A_628, %add3A_630, %rem3A_616 : vector<16xi1>, vector<16xi32>
    %mul3A_632 = arith.constant 128 : i32
    %mul3A_633 = vector.broadcast %mul3A_632 : i32 to vector<16xi32>
    %mul3A_634 = arith.muli %select_n3A_631, %mul3A_633 : vector<16xi32>
    %add3A_635 = arith.addi %mul3A_609, %mul3A_634 : vector<16xi32>
    %add3A_636 = arith.addi %add3A_635, %select_n3A_95 : vector<16xi32>
    %jit3A_637 = arith.constant 8 : i32
    %div3A_638 = vector.broadcast %jit3A_637 : i32 to vector<16xi32>
    %div3A_639 = arith.divsi %iota3A, %div3A_638 : vector<16xi32>
    %sign3A_640 = arith.constant 0 : i32
    %sign3A_641 = vector.broadcast %sign3A_640 : i32 to vector<16xi32>
    %sign3A_642 = arith.cmpi sgt, %iota3A, %sign3A_641 : vector<16xi32>
    %sign3A_643 = arith.extui %sign3A_642 : vector<16xi1> to vector<16xi32>
    %sign3A_644 = arith.constant 0 : i32
    %sign3A_645 = vector.broadcast %sign3A_644 : i32 to vector<16xi32>
    %sign3A_646 = arith.cmpi slt, %iota3A, %sign3A_645 : vector<16xi32>
    %sign3A_647 = arith.extui %sign3A_646 : vector<16xi1> to vector<16xi32>
    %sign3A_648 = arith.subi %sign3A_643, %sign3A_647 : vector<16xi32>
    %sign3A_649 = arith.constant 0 : i32
    %sign3A_650 = arith.cmpi sgt, %jit3A_637, %sign3A_649 : i32
    %sign3A_651 = arith.extui %sign3A_650 : i1 to i32
    %sign3A_652 = arith.constant 0 : i32
    %sign3A_653 = arith.cmpi slt, %jit3A_637, %sign3A_652 : i32
    %sign3A_654 = arith.extui %sign3A_653 : i1 to i32
    %sign3A_655 = arith.subi %sign3A_651, %sign3A_654 : i32
    %ne3A_656 = vector.broadcast %sign3A_655 : i32 to vector<16xi32>
    %ne3A_657 = arith.cmpi ne, %sign3A_648, %ne3A_656 : vector<16xi32>
    %rem3A_658 = vector.broadcast %jit3A_637 : i32 to vector<16xi32>
    %rem3A_659 = arith.remsi %iota3A, %rem3A_658 : vector<16xi32>
    %ne3A_660 = arith.constant 0 : i32
    %ne3A_661 = vector.broadcast %ne3A_660 : i32 to vector<16xi32>
    %ne3A_662 = arith.cmpi ne, %rem3A_659, %ne3A_661 : vector<16xi32>
    %and3A_663 = arith.andi %ne3A_657, %ne3A_662 : vector<16xi1>
    %sub3A_664 = arith.constant 1 : i32
    %sub3A_665 = vector.broadcast %sub3A_664 : i32 to vector<16xi32>
    %sub3A_666 = arith.subi %div3A_639, %sub3A_665 : vector<16xi32>
    %select_n3A_667 = arith.select %and3A_663, %sub3A_666, %div3A_639 : vector<16xi1>, vector<16xi32>
    %mul3A_668 = arith.constant 8192 : i32
    %mul3A_669 = vector.broadcast %mul3A_668 : i32 to vector<16xi32>
    %mul3A_670 = arith.muli %select_n3A_667, %mul3A_669 : vector<16xi32>
    %jit3A_671 = arith.constant 8 : i32
    %eq3A_672 = arith.constant 0 : i32
    %eq3A_673 = arith.cmpi eq, %jit3A_671, %eq3A_672 : i32
    %jit3A_674 = arith.constant 1 : i32
    %select_n3A_675 = arith.select %eq3A_673, %jit3A_674, %jit3A_671 : i32
    %rem3A_676 = vector.broadcast %select_n3A_675 : i32 to vector<16xi32>
    %rem3A_677 = arith.remsi %iota3A, %rem3A_676 : vector<16xi32>
    %ne3A_678 = arith.constant 0 : i32
    %ne3A_679 = vector.broadcast %ne3A_678 : i32 to vector<16xi32>
    %ne3A_680 = arith.cmpi ne, %rem3A_677, %ne3A_679 : vector<16xi32>
    %lt3A_681 = arith.constant 0 : i32
    %lt3A_682 = vector.broadcast %lt3A_681 : i32 to vector<16xi32>
    %lt3A_683 = arith.cmpi slt, %rem3A_677, %lt3A_682 : vector<16xi32>
    %lt3A_684 = arith.constant 0 : i32
    %lt3A_685 = arith.cmpi slt, %select_n3A_675, %lt3A_684 : i32
    %ne3A_686 = vector.broadcast %lt3A_685 : i1 to vector<16xi1>
    %ne3A_687 = vector.broadcast %ne3A_686 : vector<16xi1> to vector<16xi1>
    %ne3A_688 = arith.xori %lt3A_683, %ne3A_687 : vector<16xi1>
    %and3A_689 = arith.andi %ne3A_688, %ne3A_680 : vector<16xi1>
    %add3A_690 = vector.broadcast %select_n3A_675 : i32 to vector<16xi32>
    %add3A_691 = arith.addi %rem3A_677, %add3A_690 : vector<16xi32>
    %select_n3A_692 = arith.select %and3A_689, %add3A_691, %rem3A_677 : vector<16xi1>, vector<16xi32>
    %mul3A_693 = arith.constant 128 : i32
    %mul3A_694 = vector.broadcast %mul3A_693 : i32 to vector<16xi32>
    %mul3A_695 = arith.muli %select_n3A_692, %mul3A_694 : vector<16xi32>
    %add3A_696 = arith.addi %mul3A_670, %mul3A_695 : vector<16xi32>
    %add3A_697 = arith.addi %add3A_696, %select_n3A_120 : vector<16xi32>
    %jit3A_698 = arith.constant 8 : i32
    %div3A_699 = vector.broadcast %jit3A_698 : i32 to vector<16xi32>
    %div3A_700 = arith.divsi %iota3A, %div3A_699 : vector<16xi32>
    %sign3A_701 = arith.constant 0 : i32
    %sign3A_702 = vector.broadcast %sign3A_701 : i32 to vector<16xi32>
    %sign3A_703 = arith.cmpi sgt, %iota3A, %sign3A_702 : vector<16xi32>
    %sign3A_704 = arith.extui %sign3A_703 : vector<16xi1> to vector<16xi32>
    %sign3A_705 = arith.constant 0 : i32
    %sign3A_706 = vector.broadcast %sign3A_705 : i32 to vector<16xi32>
    %sign3A_707 = arith.cmpi slt, %iota3A, %sign3A_706 : vector<16xi32>
    %sign3A_708 = arith.extui %sign3A_707 : vector<16xi1> to vector<16xi32>
    %sign3A_709 = arith.subi %sign3A_704, %sign3A_708 : vector<16xi32>
    %sign3A_710 = arith.constant 0 : i32
    %sign3A_711 = arith.cmpi sgt, %jit3A_698, %sign3A_710 : i32
    %sign3A_712 = arith.extui %sign3A_711 : i1 to i32
    %sign3A_713 = arith.constant 0 : i32
    %sign3A_714 = arith.cmpi slt, %jit3A_698, %sign3A_713 : i32
    %sign3A_715 = arith.extui %sign3A_714 : i1 to i32
    %sign3A_716 = arith.subi %sign3A_712, %sign3A_715 : i32
    %ne3A_717 = vector.broadcast %sign3A_716 : i32 to vector<16xi32>
    %ne3A_718 = arith.cmpi ne, %sign3A_709, %ne3A_717 : vector<16xi32>
    %rem3A_719 = vector.broadcast %jit3A_698 : i32 to vector<16xi32>
    %rem3A_720 = arith.remsi %iota3A, %rem3A_719 : vector<16xi32>
    %ne3A_721 = arith.constant 0 : i32
    %ne3A_722 = vector.broadcast %ne3A_721 : i32 to vector<16xi32>
    %ne3A_723 = arith.cmpi ne, %rem3A_720, %ne3A_722 : vector<16xi32>
    %and3A_724 = arith.andi %ne3A_718, %ne3A_723 : vector<16xi1>
    %sub3A_725 = arith.constant 1 : i32
    %sub3A_726 = vector.broadcast %sub3A_725 : i32 to vector<16xi32>
    %sub3A_727 = arith.subi %div3A_700, %sub3A_726 : vector<16xi32>
    %select_n3A_728 = arith.select %and3A_724, %sub3A_727, %div3A_700 : vector<16xi1>, vector<16xi32>
    %mul3A_729 = arith.constant 8192 : i32
    %mul3A_730 = vector.broadcast %mul3A_729 : i32 to vector<16xi32>
    %mul3A_731 = arith.muli %select_n3A_728, %mul3A_730 : vector<16xi32>
    %jit3A_732 = arith.constant 8 : i32
    %eq3A_733 = arith.constant 0 : i32
    %eq3A_734 = arith.cmpi eq, %jit3A_732, %eq3A_733 : i32
    %jit3A_735 = arith.constant 1 : i32
    %select_n3A_736 = arith.select %eq3A_734, %jit3A_735, %jit3A_732 : i32
    %rem3A_737 = vector.broadcast %select_n3A_736 : i32 to vector<16xi32>
    %rem3A_738 = arith.remsi %iota3A, %rem3A_737 : vector<16xi32>
    %ne3A_739 = arith.constant 0 : i32
    %ne3A_740 = vector.broadcast %ne3A_739 : i32 to vector<16xi32>
    %ne3A_741 = arith.cmpi ne, %rem3A_738, %ne3A_740 : vector<16xi32>
    %lt3A_742 = arith.constant 0 : i32
    %lt3A_743 = vector.broadcast %lt3A_742 : i32 to vector<16xi32>
    %lt3A_744 = arith.cmpi slt, %rem3A_738, %lt3A_743 : vector<16xi32>
    %lt3A_745 = arith.constant 0 : i32
    %lt3A_746 = arith.cmpi slt, %select_n3A_736, %lt3A_745 : i32
    %ne3A_747 = vector.broadcast %lt3A_746 : i1 to vector<16xi1>
    %ne3A_748 = vector.broadcast %ne3A_747 : vector<16xi1> to vector<16xi1>
    %ne3A_749 = arith.xori %lt3A_744, %ne3A_748 : vector<16xi1>
    %and3A_750 = arith.andi %ne3A_749, %ne3A_741 : vector<16xi1>
    %add3A_751 = vector.broadcast %select_n3A_736 : i32 to vector<16xi32>
    %add3A_752 = arith.addi %rem3A_738, %add3A_751 : vector<16xi32>
    %select_n3A_753 = arith.select %and3A_750, %add3A_752, %rem3A_738 : vector<16xi1>, vector<16xi32>
    %mul3A_754 = arith.constant 128 : i32
    %mul3A_755 = vector.broadcast %mul3A_754 : i32 to vector<16xi32>
    %mul3A_756 = arith.muli %select_n3A_753, %mul3A_755 : vector<16xi32>
    %add3A_757 = arith.addi %mul3A_731, %mul3A_756 : vector<16xi32>
    %add3A_758 = arith.addi %add3A_757, %select_n3A_145 : vector<16xi32>
    %jit3A_759 = arith.constant 8 : i32
    %div3A_760 = vector.broadcast %jit3A_759 : i32 to vector<16xi32>
    %div3A_761 = arith.divsi %iota3A, %div3A_760 : vector<16xi32>
    %sign3A_762 = arith.constant 0 : i32
    %sign3A_763 = vector.broadcast %sign3A_762 : i32 to vector<16xi32>
    %sign3A_764 = arith.cmpi sgt, %iota3A, %sign3A_763 : vector<16xi32>
    %sign3A_765 = arith.extui %sign3A_764 : vector<16xi1> to vector<16xi32>
    %sign3A_766 = arith.constant 0 : i32
    %sign3A_767 = vector.broadcast %sign3A_766 : i32 to vector<16xi32>
    %sign3A_768 = arith.cmpi slt, %iota3A, %sign3A_767 : vector<16xi32>
    %sign3A_769 = arith.extui %sign3A_768 : vector<16xi1> to vector<16xi32>
    %sign3A_770 = arith.subi %sign3A_765, %sign3A_769 : vector<16xi32>
    %sign3A_771 = arith.constant 0 : i32
    %sign3A_772 = arith.cmpi sgt, %jit3A_759, %sign3A_771 : i32
    %sign3A_773 = arith.extui %sign3A_772 : i1 to i32
    %sign3A_774 = arith.constant 0 : i32
    %sign3A_775 = arith.cmpi slt, %jit3A_759, %sign3A_774 : i32
    %sign3A_776 = arith.extui %sign3A_775 : i1 to i32
    %sign3A_777 = arith.subi %sign3A_773, %sign3A_776 : i32
    %ne3A_778 = vector.broadcast %sign3A_777 : i32 to vector<16xi32>
    %ne3A_779 = arith.cmpi ne, %sign3A_770, %ne3A_778 : vector<16xi32>
    %rem3A_780 = vector.broadcast %jit3A_759 : i32 to vector<16xi32>
    %rem3A_781 = arith.remsi %iota3A, %rem3A_780 : vector<16xi32>
    %ne3A_782 = arith.constant 0 : i32
    %ne3A_783 = vector.broadcast %ne3A_782 : i32 to vector<16xi32>
    %ne3A_784 = arith.cmpi ne, %rem3A_781, %ne3A_783 : vector<16xi32>
    %and3A_785 = arith.andi %ne3A_779, %ne3A_784 : vector<16xi1>
    %sub3A_786 = arith.constant 1 : i32
    %sub3A_787 = vector.broadcast %sub3A_786 : i32 to vector<16xi32>
    %sub3A_788 = arith.subi %div3A_761, %sub3A_787 : vector<16xi32>
    %select_n3A_789 = arith.select %and3A_785, %sub3A_788, %div3A_761 : vector<16xi1>, vector<16xi32>
    %mul3A_790 = arith.constant 8192 : i32
    %mul3A_791 = vector.broadcast %mul3A_790 : i32 to vector<16xi32>
    %mul3A_792 = arith.muli %select_n3A_789, %mul3A_791 : vector<16xi32>
    %jit3A_793 = arith.constant 8 : i32
    %eq3A_794 = arith.constant 0 : i32
    %eq3A_795 = arith.cmpi eq, %jit3A_793, %eq3A_794 : i32
    %jit3A_796 = arith.constant 1 : i32
    %select_n3A_797 = arith.select %eq3A_795, %jit3A_796, %jit3A_793 : i32
    %rem3A_798 = vector.broadcast %select_n3A_797 : i32 to vector<16xi32>
    %rem3A_799 = arith.remsi %iota3A, %rem3A_798 : vector<16xi32>
    %ne3A_800 = arith.constant 0 : i32
    %ne3A_801 = vector.broadcast %ne3A_800 : i32 to vector<16xi32>
    %ne3A_802 = arith.cmpi ne, %rem3A_799, %ne3A_801 : vector<16xi32>
    %lt3A_803 = arith.constant 0 : i32
    %lt3A_804 = vector.broadcast %lt3A_803 : i32 to vector<16xi32>
    %lt3A_805 = arith.cmpi slt, %rem3A_799, %lt3A_804 : vector<16xi32>
    %lt3A_806 = arith.constant 0 : i32
    %lt3A_807 = arith.cmpi slt, %select_n3A_797, %lt3A_806 : i32
    %ne3A_808 = vector.broadcast %lt3A_807 : i1 to vector<16xi1>
    %ne3A_809 = vector.broadcast %ne3A_808 : vector<16xi1> to vector<16xi1>
    %ne3A_810 = arith.xori %lt3A_805, %ne3A_809 : vector<16xi1>
    %and3A_811 = arith.andi %ne3A_810, %ne3A_802 : vector<16xi1>
    %add3A_812 = vector.broadcast %select_n3A_797 : i32 to vector<16xi32>
    %add3A_813 = arith.addi %rem3A_799, %add3A_812 : vector<16xi32>
    %select_n3A_814 = arith.select %and3A_811, %add3A_813, %rem3A_799 : vector<16xi1>, vector<16xi32>
    %mul3A_815 = arith.constant 128 : i32
    %mul3A_816 = vector.broadcast %mul3A_815 : i32 to vector<16xi32>
    %mul3A_817 = arith.muli %select_n3A_814, %mul3A_816 : vector<16xi32>
    %add3A_818 = arith.addi %mul3A_792, %mul3A_817 : vector<16xi32>
    %add3A_819 = arith.addi %add3A_818, %select_n3A_170 : vector<16xi32>
    %jit3A_820 = arith.constant 8 : i32
    %div3A_821 = vector.broadcast %jit3A_820 : i32 to vector<16xi32>
    %div3A_822 = arith.divsi %iota3A, %div3A_821 : vector<16xi32>
    %sign3A_823 = arith.constant 0 : i32
    %sign3A_824 = vector.broadcast %sign3A_823 : i32 to vector<16xi32>
    %sign3A_825 = arith.cmpi sgt, %iota3A, %sign3A_824 : vector<16xi32>
    %sign3A_826 = arith.extui %sign3A_825 : vector<16xi1> to vector<16xi32>
    %sign3A_827 = arith.constant 0 : i32
    %sign3A_828 = vector.broadcast %sign3A_827 : i32 to vector<16xi32>
    %sign3A_829 = arith.cmpi slt, %iota3A, %sign3A_828 : vector<16xi32>
    %sign3A_830 = arith.extui %sign3A_829 : vector<16xi1> to vector<16xi32>
    %sign3A_831 = arith.subi %sign3A_826, %sign3A_830 : vector<16xi32>
    %sign3A_832 = arith.constant 0 : i32
    %sign3A_833 = arith.cmpi sgt, %jit3A_820, %sign3A_832 : i32
    %sign3A_834 = arith.extui %sign3A_833 : i1 to i32
    %sign3A_835 = arith.constant 0 : i32
    %sign3A_836 = arith.cmpi slt, %jit3A_820, %sign3A_835 : i32
    %sign3A_837 = arith.extui %sign3A_836 : i1 to i32
    %sign3A_838 = arith.subi %sign3A_834, %sign3A_837 : i32
    %ne3A_839 = vector.broadcast %sign3A_838 : i32 to vector<16xi32>
    %ne3A_840 = arith.cmpi ne, %sign3A_831, %ne3A_839 : vector<16xi32>
    %rem3A_841 = vector.broadcast %jit3A_820 : i32 to vector<16xi32>
    %rem3A_842 = arith.remsi %iota3A, %rem3A_841 : vector<16xi32>
    %ne3A_843 = arith.constant 0 : i32
    %ne3A_844 = vector.broadcast %ne3A_843 : i32 to vector<16xi32>
    %ne3A_845 = arith.cmpi ne, %rem3A_842, %ne3A_844 : vector<16xi32>
    %and3A_846 = arith.andi %ne3A_840, %ne3A_845 : vector<16xi1>
    %sub3A_847 = arith.constant 1 : i32
    %sub3A_848 = vector.broadcast %sub3A_847 : i32 to vector<16xi32>
    %sub3A_849 = arith.subi %div3A_822, %sub3A_848 : vector<16xi32>
    %select_n3A_850 = arith.select %and3A_846, %sub3A_849, %div3A_822 : vector<16xi1>, vector<16xi32>
    %mul3A_851 = arith.constant 8192 : i32
    %mul3A_852 = vector.broadcast %mul3A_851 : i32 to vector<16xi32>
    %mul3A_853 = arith.muli %select_n3A_850, %mul3A_852 : vector<16xi32>
    %jit3A_854 = arith.constant 8 : i32
    %eq3A_855 = arith.constant 0 : i32
    %eq3A_856 = arith.cmpi eq, %jit3A_854, %eq3A_855 : i32
    %jit3A_857 = arith.constant 1 : i32
    %select_n3A_858 = arith.select %eq3A_856, %jit3A_857, %jit3A_854 : i32
    %rem3A_859 = vector.broadcast %select_n3A_858 : i32 to vector<16xi32>
    %rem3A_860 = arith.remsi %iota3A, %rem3A_859 : vector<16xi32>
    %ne3A_861 = arith.constant 0 : i32
    %ne3A_862 = vector.broadcast %ne3A_861 : i32 to vector<16xi32>
    %ne3A_863 = arith.cmpi ne, %rem3A_860, %ne3A_862 : vector<16xi32>
    %lt3A_864 = arith.constant 0 : i32
    %lt3A_865 = vector.broadcast %lt3A_864 : i32 to vector<16xi32>
    %lt3A_866 = arith.cmpi slt, %rem3A_860, %lt3A_865 : vector<16xi32>
    %lt3A_867 = arith.constant 0 : i32
    %lt3A_868 = arith.cmpi slt, %select_n3A_858, %lt3A_867 : i32
    %ne3A_869 = vector.broadcast %lt3A_868 : i1 to vector<16xi1>
    %ne3A_870 = vector.broadcast %ne3A_869 : vector<16xi1> to vector<16xi1>
    %ne3A_871 = arith.xori %lt3A_866, %ne3A_870 : vector<16xi1>
    %and3A_872 = arith.andi %ne3A_871, %ne3A_863 : vector<16xi1>
    %add3A_873 = vector.broadcast %select_n3A_858 : i32 to vector<16xi32>
    %add3A_874 = arith.addi %rem3A_860, %add3A_873 : vector<16xi32>
    %select_n3A_875 = arith.select %and3A_872, %add3A_874, %rem3A_860 : vector<16xi1>, vector<16xi32>
    %mul3A_876 = arith.constant 128 : i32
    %mul3A_877 = vector.broadcast %mul3A_876 : i32 to vector<16xi32>
    %mul3A_878 = arith.muli %select_n3A_875, %mul3A_877 : vector<16xi32>
    %add3A_879 = arith.addi %mul3A_853, %mul3A_878 : vector<16xi32>
    %add3A_880 = arith.addi %add3A_879, %select_n3A_195 : vector<16xi32>
    %jit3A_881 = arith.constant 8 : i32
    %div3A_882 = vector.broadcast %jit3A_881 : i32 to vector<16xi32>
    %div3A_883 = arith.divsi %iota3A, %div3A_882 : vector<16xi32>
    %sign3A_884 = arith.constant 0 : i32
    %sign3A_885 = vector.broadcast %sign3A_884 : i32 to vector<16xi32>
    %sign3A_886 = arith.cmpi sgt, %iota3A, %sign3A_885 : vector<16xi32>
    %sign3A_887 = arith.extui %sign3A_886 : vector<16xi1> to vector<16xi32>
    %sign3A_888 = arith.constant 0 : i32
    %sign3A_889 = vector.broadcast %sign3A_888 : i32 to vector<16xi32>
    %sign3A_890 = arith.cmpi slt, %iota3A, %sign3A_889 : vector<16xi32>
    %sign3A_891 = arith.extui %sign3A_890 : vector<16xi1> to vector<16xi32>
    %sign3A_892 = arith.subi %sign3A_887, %sign3A_891 : vector<16xi32>
    %sign3A_893 = arith.constant 0 : i32
    %sign3A_894 = arith.cmpi sgt, %jit3A_881, %sign3A_893 : i32
    %sign3A_895 = arith.extui %sign3A_894 : i1 to i32
    %sign3A_896 = arith.constant 0 : i32
    %sign3A_897 = arith.cmpi slt, %jit3A_881, %sign3A_896 : i32
    %sign3A_898 = arith.extui %sign3A_897 : i1 to i32
    %sign3A_899 = arith.subi %sign3A_895, %sign3A_898 : i32
    %ne3A_900 = vector.broadcast %sign3A_899 : i32 to vector<16xi32>
    %ne3A_901 = arith.cmpi ne, %sign3A_892, %ne3A_900 : vector<16xi32>
    %rem3A_902 = vector.broadcast %jit3A_881 : i32 to vector<16xi32>
    %rem3A_903 = arith.remsi %iota3A, %rem3A_902 : vector<16xi32>
    %ne3A_904 = arith.constant 0 : i32
    %ne3A_905 = vector.broadcast %ne3A_904 : i32 to vector<16xi32>
    %ne3A_906 = arith.cmpi ne, %rem3A_903, %ne3A_905 : vector<16xi32>
    %and3A_907 = arith.andi %ne3A_901, %ne3A_906 : vector<16xi1>
    %sub3A_908 = arith.constant 1 : i32
    %sub3A_909 = vector.broadcast %sub3A_908 : i32 to vector<16xi32>
    %sub3A_910 = arith.subi %div3A_883, %sub3A_909 : vector<16xi32>
    %select_n3A_911 = arith.select %and3A_907, %sub3A_910, %div3A_883 : vector<16xi1>, vector<16xi32>
    %mul3A_912 = arith.constant 8192 : i32
    %mul3A_913 = vector.broadcast %mul3A_912 : i32 to vector<16xi32>
    %mul3A_914 = arith.muli %select_n3A_911, %mul3A_913 : vector<16xi32>
    %jit3A_915 = arith.constant 8 : i32
    %eq3A_916 = arith.constant 0 : i32
    %eq3A_917 = arith.cmpi eq, %jit3A_915, %eq3A_916 : i32
    %jit3A_918 = arith.constant 1 : i32
    %select_n3A_919 = arith.select %eq3A_917, %jit3A_918, %jit3A_915 : i32
    %rem3A_920 = vector.broadcast %select_n3A_919 : i32 to vector<16xi32>
    %rem3A_921 = arith.remsi %iota3A, %rem3A_920 : vector<16xi32>
    %ne3A_922 = arith.constant 0 : i32
    %ne3A_923 = vector.broadcast %ne3A_922 : i32 to vector<16xi32>
    %ne3A_924 = arith.cmpi ne, %rem3A_921, %ne3A_923 : vector<16xi32>
    %lt3A_925 = arith.constant 0 : i32
    %lt3A_926 = vector.broadcast %lt3A_925 : i32 to vector<16xi32>
    %lt3A_927 = arith.cmpi slt, %rem3A_921, %lt3A_926 : vector<16xi32>
    %lt3A_928 = arith.constant 0 : i32
    %lt3A_929 = arith.cmpi slt, %select_n3A_919, %lt3A_928 : i32
    %ne3A_930 = vector.broadcast %lt3A_929 : i1 to vector<16xi1>
    %ne3A_931 = vector.broadcast %ne3A_930 : vector<16xi1> to vector<16xi1>
    %ne3A_932 = arith.xori %lt3A_927, %ne3A_931 : vector<16xi1>
    %and3A_933 = arith.andi %ne3A_932, %ne3A_924 : vector<16xi1>
    %add3A_934 = vector.broadcast %select_n3A_919 : i32 to vector<16xi32>
    %add3A_935 = arith.addi %rem3A_921, %add3A_934 : vector<16xi32>
    %select_n3A_936 = arith.select %and3A_933, %add3A_935, %rem3A_921 : vector<16xi1>, vector<16xi32>
    %mul3A_937 = arith.constant 128 : i32
    %mul3A_938 = vector.broadcast %mul3A_937 : i32 to vector<16xi32>
    %mul3A_939 = arith.muli %select_n3A_936, %mul3A_938 : vector<16xi32>
    %add3A_940 = arith.addi %mul3A_914, %mul3A_939 : vector<16xi32>
    %add3A_941 = arith.addi %add3A_940, %select_n3A_220 : vector<16xi32>
    %jit3A_942 = arith.constant 8 : i32
    %div3A_943 = vector.broadcast %jit3A_942 : i32 to vector<16xi32>
    %div3A_944 = arith.divsi %iota3A, %div3A_943 : vector<16xi32>
    %sign3A_945 = arith.constant 0 : i32
    %sign3A_946 = vector.broadcast %sign3A_945 : i32 to vector<16xi32>
    %sign3A_947 = arith.cmpi sgt, %iota3A, %sign3A_946 : vector<16xi32>
    %sign3A_948 = arith.extui %sign3A_947 : vector<16xi1> to vector<16xi32>
    %sign3A_949 = arith.constant 0 : i32
    %sign3A_950 = vector.broadcast %sign3A_949 : i32 to vector<16xi32>
    %sign3A_951 = arith.cmpi slt, %iota3A, %sign3A_950 : vector<16xi32>
    %sign3A_952 = arith.extui %sign3A_951 : vector<16xi1> to vector<16xi32>
    %sign3A_953 = arith.subi %sign3A_948, %sign3A_952 : vector<16xi32>
    %sign3A_954 = arith.constant 0 : i32
    %sign3A_955 = arith.cmpi sgt, %jit3A_942, %sign3A_954 : i32
    %sign3A_956 = arith.extui %sign3A_955 : i1 to i32
    %sign3A_957 = arith.constant 0 : i32
    %sign3A_958 = arith.cmpi slt, %jit3A_942, %sign3A_957 : i32
    %sign3A_959 = arith.extui %sign3A_958 : i1 to i32
    %sign3A_960 = arith.subi %sign3A_956, %sign3A_959 : i32
    %ne3A_961 = vector.broadcast %sign3A_960 : i32 to vector<16xi32>
    %ne3A_962 = arith.cmpi ne, %sign3A_953, %ne3A_961 : vector<16xi32>
    %rem3A_963 = vector.broadcast %jit3A_942 : i32 to vector<16xi32>
    %rem3A_964 = arith.remsi %iota3A, %rem3A_963 : vector<16xi32>
    %ne3A_965 = arith.constant 0 : i32
    %ne3A_966 = vector.broadcast %ne3A_965 : i32 to vector<16xi32>
    %ne3A_967 = arith.cmpi ne, %rem3A_964, %ne3A_966 : vector<16xi32>
    %and3A_968 = arith.andi %ne3A_962, %ne3A_967 : vector<16xi1>
    %sub3A_969 = arith.constant 1 : i32
    %sub3A_970 = vector.broadcast %sub3A_969 : i32 to vector<16xi32>
    %sub3A_971 = arith.subi %div3A_944, %sub3A_970 : vector<16xi32>
    %select_n3A_972 = arith.select %and3A_968, %sub3A_971, %div3A_944 : vector<16xi1>, vector<16xi32>
    %mul3A_973 = arith.constant 8192 : i32
    %mul3A_974 = vector.broadcast %mul3A_973 : i32 to vector<16xi32>
    %mul3A_975 = arith.muli %select_n3A_972, %mul3A_974 : vector<16xi32>
    %jit3A_976 = arith.constant 8 : i32
    %eq3A_977 = arith.constant 0 : i32
    %eq3A_978 = arith.cmpi eq, %jit3A_976, %eq3A_977 : i32
    %jit3A_979 = arith.constant 1 : i32
    %select_n3A_980 = arith.select %eq3A_978, %jit3A_979, %jit3A_976 : i32
    %rem3A_981 = vector.broadcast %select_n3A_980 : i32 to vector<16xi32>
    %rem3A_982 = arith.remsi %iota3A, %rem3A_981 : vector<16xi32>
    %ne3A_983 = arith.constant 0 : i32
    %ne3A_984 = vector.broadcast %ne3A_983 : i32 to vector<16xi32>
    %ne3A_985 = arith.cmpi ne, %rem3A_982, %ne3A_984 : vector<16xi32>
    %lt3A_986 = arith.constant 0 : i32
    %lt3A_987 = vector.broadcast %lt3A_986 : i32 to vector<16xi32>
    %lt3A_988 = arith.cmpi slt, %rem3A_982, %lt3A_987 : vector<16xi32>
    %lt3A_989 = arith.constant 0 : i32
    %lt3A_990 = arith.cmpi slt, %select_n3A_980, %lt3A_989 : i32
    %ne3A_991 = vector.broadcast %lt3A_990 : i1 to vector<16xi1>
    %ne3A_992 = vector.broadcast %ne3A_991 : vector<16xi1> to vector<16xi1>
    %ne3A_993 = arith.xori %lt3A_988, %ne3A_992 : vector<16xi1>
    %and3A_994 = arith.andi %ne3A_993, %ne3A_985 : vector<16xi1>
    %add3A_995 = vector.broadcast %select_n3A_980 : i32 to vector<16xi32>
    %add3A_996 = arith.addi %rem3A_982, %add3A_995 : vector<16xi32>
    %select_n3A_997 = arith.select %and3A_994, %add3A_996, %rem3A_982 : vector<16xi1>, vector<16xi32>
    %mul3A_998 = arith.constant 128 : i32
    %mul3A_999 = vector.broadcast %mul3A_998 : i32 to vector<16xi32>
    %mul3A_1000 = arith.muli %select_n3A_997, %mul3A_999 : vector<16xi32>
    %add3A_1001 = arith.addi %mul3A_975, %mul3A_1000 : vector<16xi32>
    %add3A_1002 = arith.addi %add3A_1001, %select_n3A_245 : vector<16xi32>
    %jit3A_1003 = arith.constant 8 : i32
    %div3A_1004 = vector.broadcast %jit3A_1003 : i32 to vector<16xi32>
    %div3A_1005 = arith.divsi %iota3A, %div3A_1004 : vector<16xi32>
    %sign3A_1006 = arith.constant 0 : i32
    %sign3A_1007 = vector.broadcast %sign3A_1006 : i32 to vector<16xi32>
    %sign3A_1008 = arith.cmpi sgt, %iota3A, %sign3A_1007 : vector<16xi32>
    %sign3A_1009 = arith.extui %sign3A_1008 : vector<16xi1> to vector<16xi32>
    %sign3A_1010 = arith.constant 0 : i32
    %sign3A_1011 = vector.broadcast %sign3A_1010 : i32 to vector<16xi32>
    %sign3A_1012 = arith.cmpi slt, %iota3A, %sign3A_1011 : vector<16xi32>
    %sign3A_1013 = arith.extui %sign3A_1012 : vector<16xi1> to vector<16xi32>
    %sign3A_1014 = arith.subi %sign3A_1009, %sign3A_1013 : vector<16xi32>
    %sign3A_1015 = arith.constant 0 : i32
    %sign3A_1016 = arith.cmpi sgt, %jit3A_1003, %sign3A_1015 : i32
    %sign3A_1017 = arith.extui %sign3A_1016 : i1 to i32
    %sign3A_1018 = arith.constant 0 : i32
    %sign3A_1019 = arith.cmpi slt, %jit3A_1003, %sign3A_1018 : i32
    %sign3A_1020 = arith.extui %sign3A_1019 : i1 to i32
    %sign3A_1021 = arith.subi %sign3A_1017, %sign3A_1020 : i32
    %ne3A_1022 = vector.broadcast %sign3A_1021 : i32 to vector<16xi32>
    %ne3A_1023 = arith.cmpi ne, %sign3A_1014, %ne3A_1022 : vector<16xi32>
    %rem3A_1024 = vector.broadcast %jit3A_1003 : i32 to vector<16xi32>
    %rem3A_1025 = arith.remsi %iota3A, %rem3A_1024 : vector<16xi32>
    %ne3A_1026 = arith.constant 0 : i32
    %ne3A_1027 = vector.broadcast %ne3A_1026 : i32 to vector<16xi32>
    %ne3A_1028 = arith.cmpi ne, %rem3A_1025, %ne3A_1027 : vector<16xi32>
    %and3A_1029 = arith.andi %ne3A_1023, %ne3A_1028 : vector<16xi1>
    %sub3A_1030 = arith.constant 1 : i32
    %sub3A_1031 = vector.broadcast %sub3A_1030 : i32 to vector<16xi32>
    %sub3A_1032 = arith.subi %div3A_1005, %sub3A_1031 : vector<16xi32>
    %select_n3A_1033 = arith.select %and3A_1029, %sub3A_1032, %div3A_1005 : vector<16xi1>, vector<16xi32>
    %mul3A_1034 = arith.constant 8192 : i32
    %mul3A_1035 = vector.broadcast %mul3A_1034 : i32 to vector<16xi32>
    %mul3A_1036 = arith.muli %select_n3A_1033, %mul3A_1035 : vector<16xi32>
    %jit3A_1037 = arith.constant 8 : i32
    %eq3A_1038 = arith.constant 0 : i32
    %eq3A_1039 = arith.cmpi eq, %jit3A_1037, %eq3A_1038 : i32
    %jit3A_1040 = arith.constant 1 : i32
    %select_n3A_1041 = arith.select %eq3A_1039, %jit3A_1040, %jit3A_1037 : i32
    %rem3A_1042 = vector.broadcast %select_n3A_1041 : i32 to vector<16xi32>
    %rem3A_1043 = arith.remsi %iota3A, %rem3A_1042 : vector<16xi32>
    %ne3A_1044 = arith.constant 0 : i32
    %ne3A_1045 = vector.broadcast %ne3A_1044 : i32 to vector<16xi32>
    %ne3A_1046 = arith.cmpi ne, %rem3A_1043, %ne3A_1045 : vector<16xi32>
    %lt3A_1047 = arith.constant 0 : i32
    %lt3A_1048 = vector.broadcast %lt3A_1047 : i32 to vector<16xi32>
    %lt3A_1049 = arith.cmpi slt, %rem3A_1043, %lt3A_1048 : vector<16xi32>
    %lt3A_1050 = arith.constant 0 : i32
    %lt3A_1051 = arith.cmpi slt, %select_n3A_1041, %lt3A_1050 : i32
    %ne3A_1052 = vector.broadcast %lt3A_1051 : i1 to vector<16xi1>
    %ne3A_1053 = vector.broadcast %ne3A_1052 : vector<16xi1> to vector<16xi1>
    %ne3A_1054 = arith.xori %lt3A_1049, %ne3A_1053 : vector<16xi1>
    %and3A_1055 = arith.andi %ne3A_1054, %ne3A_1046 : vector<16xi1>
    %add3A_1056 = vector.broadcast %select_n3A_1041 : i32 to vector<16xi32>
    %add3A_1057 = arith.addi %rem3A_1043, %add3A_1056 : vector<16xi32>
    %select_n3A_1058 = arith.select %and3A_1055, %add3A_1057, %rem3A_1043 : vector<16xi1>, vector<16xi32>
    %mul3A_1059 = arith.constant 128 : i32
    %mul3A_1060 = vector.broadcast %mul3A_1059 : i32 to vector<16xi32>
    %mul3A_1061 = arith.muli %select_n3A_1058, %mul3A_1060 : vector<16xi32>
    %add3A_1062 = arith.addi %mul3A_1036, %mul3A_1061 : vector<16xi32>
    %add3A_1063 = arith.addi %add3A_1062, %select_n3A_270 : vector<16xi32>
    %jit3A_1064 = arith.constant 8 : i32
    %div3A_1065 = vector.broadcast %jit3A_1064 : i32 to vector<16xi32>
    %div3A_1066 = arith.divsi %iota3A, %div3A_1065 : vector<16xi32>
    %sign3A_1067 = arith.constant 0 : i32
    %sign3A_1068 = vector.broadcast %sign3A_1067 : i32 to vector<16xi32>
    %sign3A_1069 = arith.cmpi sgt, %iota3A, %sign3A_1068 : vector<16xi32>
    %sign3A_1070 = arith.extui %sign3A_1069 : vector<16xi1> to vector<16xi32>
    %sign3A_1071 = arith.constant 0 : i32
    %sign3A_1072 = vector.broadcast %sign3A_1071 : i32 to vector<16xi32>
    %sign3A_1073 = arith.cmpi slt, %iota3A, %sign3A_1072 : vector<16xi32>
    %sign3A_1074 = arith.extui %sign3A_1073 : vector<16xi1> to vector<16xi32>
    %sign3A_1075 = arith.subi %sign3A_1070, %sign3A_1074 : vector<16xi32>
    %sign3A_1076 = arith.constant 0 : i32
    %sign3A_1077 = arith.cmpi sgt, %jit3A_1064, %sign3A_1076 : i32
    %sign3A_1078 = arith.extui %sign3A_1077 : i1 to i32
    %sign3A_1079 = arith.constant 0 : i32
    %sign3A_1080 = arith.cmpi slt, %jit3A_1064, %sign3A_1079 : i32
    %sign3A_1081 = arith.extui %sign3A_1080 : i1 to i32
    %sign3A_1082 = arith.subi %sign3A_1078, %sign3A_1081 : i32
    %ne3A_1083 = vector.broadcast %sign3A_1082 : i32 to vector<16xi32>
    %ne3A_1084 = arith.cmpi ne, %sign3A_1075, %ne3A_1083 : vector<16xi32>
    %rem3A_1085 = vector.broadcast %jit3A_1064 : i32 to vector<16xi32>
    %rem3A_1086 = arith.remsi %iota3A, %rem3A_1085 : vector<16xi32>
    %ne3A_1087 = arith.constant 0 : i32
    %ne3A_1088 = vector.broadcast %ne3A_1087 : i32 to vector<16xi32>
    %ne3A_1089 = arith.cmpi ne, %rem3A_1086, %ne3A_1088 : vector<16xi32>
    %and3A_1090 = arith.andi %ne3A_1084, %ne3A_1089 : vector<16xi1>
    %sub3A_1091 = arith.constant 1 : i32
    %sub3A_1092 = vector.broadcast %sub3A_1091 : i32 to vector<16xi32>
    %sub3A_1093 = arith.subi %div3A_1066, %sub3A_1092 : vector<16xi32>
    %select_n3A_1094 = arith.select %and3A_1090, %sub3A_1093, %div3A_1066 : vector<16xi1>, vector<16xi32>
    %mul3A_1095 = arith.constant 8192 : i32
    %mul3A_1096 = vector.broadcast %mul3A_1095 : i32 to vector<16xi32>
    %mul3A_1097 = arith.muli %select_n3A_1094, %mul3A_1096 : vector<16xi32>
    %jit3A_1098 = arith.constant 8 : i32
    %eq3A_1099 = arith.constant 0 : i32
    %eq3A_1100 = arith.cmpi eq, %jit3A_1098, %eq3A_1099 : i32
    %jit3A_1101 = arith.constant 1 : i32
    %select_n3A_1102 = arith.select %eq3A_1100, %jit3A_1101, %jit3A_1098 : i32
    %rem3A_1103 = vector.broadcast %select_n3A_1102 : i32 to vector<16xi32>
    %rem3A_1104 = arith.remsi %iota3A, %rem3A_1103 : vector<16xi32>
    %ne3A_1105 = arith.constant 0 : i32
    %ne3A_1106 = vector.broadcast %ne3A_1105 : i32 to vector<16xi32>
    %ne3A_1107 = arith.cmpi ne, %rem3A_1104, %ne3A_1106 : vector<16xi32>
    %lt3A_1108 = arith.constant 0 : i32
    %lt3A_1109 = vector.broadcast %lt3A_1108 : i32 to vector<16xi32>
    %lt3A_1110 = arith.cmpi slt, %rem3A_1104, %lt3A_1109 : vector<16xi32>
    %lt3A_1111 = arith.constant 0 : i32
    %lt3A_1112 = arith.cmpi slt, %select_n3A_1102, %lt3A_1111 : i32
    %ne3A_1113 = vector.broadcast %lt3A_1112 : i1 to vector<16xi1>
    %ne3A_1114 = vector.broadcast %ne3A_1113 : vector<16xi1> to vector<16xi1>
    %ne3A_1115 = arith.xori %lt3A_1110, %ne3A_1114 : vector<16xi1>
    %and3A_1116 = arith.andi %ne3A_1115, %ne3A_1107 : vector<16xi1>
    %add3A_1117 = vector.broadcast %select_n3A_1102 : i32 to vector<16xi32>
    %add3A_1118 = arith.addi %rem3A_1104, %add3A_1117 : vector<16xi32>
    %select_n3A_1119 = arith.select %and3A_1116, %add3A_1118, %rem3A_1104 : vector<16xi1>, vector<16xi32>
    %mul3A_1120 = arith.constant 128 : i32
    %mul3A_1121 = vector.broadcast %mul3A_1120 : i32 to vector<16xi32>
    %mul3A_1122 = arith.muli %select_n3A_1119, %mul3A_1121 : vector<16xi32>
    %add3A_1123 = arith.addi %mul3A_1097, %mul3A_1122 : vector<16xi32>
    %add3A_1124 = arith.addi %add3A_1123, %select_n3A_295 : vector<16xi32>
    %jit3A_1125 = arith.constant 8 : i32
    %div3A_1126 = vector.broadcast %jit3A_1125 : i32 to vector<16xi32>
    %div3A_1127 = arith.divsi %iota3A, %div3A_1126 : vector<16xi32>
    %sign3A_1128 = arith.constant 0 : i32
    %sign3A_1129 = vector.broadcast %sign3A_1128 : i32 to vector<16xi32>
    %sign3A_1130 = arith.cmpi sgt, %iota3A, %sign3A_1129 : vector<16xi32>
    %sign3A_1131 = arith.extui %sign3A_1130 : vector<16xi1> to vector<16xi32>
    %sign3A_1132 = arith.constant 0 : i32
    %sign3A_1133 = vector.broadcast %sign3A_1132 : i32 to vector<16xi32>
    %sign3A_1134 = arith.cmpi slt, %iota3A, %sign3A_1133 : vector<16xi32>
    %sign3A_1135 = arith.extui %sign3A_1134 : vector<16xi1> to vector<16xi32>
    %sign3A_1136 = arith.subi %sign3A_1131, %sign3A_1135 : vector<16xi32>
    %sign3A_1137 = arith.constant 0 : i32
    %sign3A_1138 = arith.cmpi sgt, %jit3A_1125, %sign3A_1137 : i32
    %sign3A_1139 = arith.extui %sign3A_1138 : i1 to i32
    %sign3A_1140 = arith.constant 0 : i32
    %sign3A_1141 = arith.cmpi slt, %jit3A_1125, %sign3A_1140 : i32
    %sign3A_1142 = arith.extui %sign3A_1141 : i1 to i32
    %sign3A_1143 = arith.subi %sign3A_1139, %sign3A_1142 : i32
    %ne3A_1144 = vector.broadcast %sign3A_1143 : i32 to vector<16xi32>
    %ne3A_1145 = arith.cmpi ne, %sign3A_1136, %ne3A_1144 : vector<16xi32>
    %rem3A_1146 = vector.broadcast %jit3A_1125 : i32 to vector<16xi32>
    %rem3A_1147 = arith.remsi %iota3A, %rem3A_1146 : vector<16xi32>
    %ne3A_1148 = arith.constant 0 : i32
    %ne3A_1149 = vector.broadcast %ne3A_1148 : i32 to vector<16xi32>
    %ne3A_1150 = arith.cmpi ne, %rem3A_1147, %ne3A_1149 : vector<16xi32>
    %and3A_1151 = arith.andi %ne3A_1145, %ne3A_1150 : vector<16xi1>
    %sub3A_1152 = arith.constant 1 : i32
    %sub3A_1153 = vector.broadcast %sub3A_1152 : i32 to vector<16xi32>
    %sub3A_1154 = arith.subi %div3A_1127, %sub3A_1153 : vector<16xi32>
    %select_n3A_1155 = arith.select %and3A_1151, %sub3A_1154, %div3A_1127 : vector<16xi1>, vector<16xi32>
    %mul3A_1156 = arith.constant 8192 : i32
    %mul3A_1157 = vector.broadcast %mul3A_1156 : i32 to vector<16xi32>
    %mul3A_1158 = arith.muli %select_n3A_1155, %mul3A_1157 : vector<16xi32>
    %jit3A_1159 = arith.constant 8 : i32
    %eq3A_1160 = arith.constant 0 : i32
    %eq3A_1161 = arith.cmpi eq, %jit3A_1159, %eq3A_1160 : i32
    %jit3A_1162 = arith.constant 1 : i32
    %select_n3A_1163 = arith.select %eq3A_1161, %jit3A_1162, %jit3A_1159 : i32
    %rem3A_1164 = vector.broadcast %select_n3A_1163 : i32 to vector<16xi32>
    %rem3A_1165 = arith.remsi %iota3A, %rem3A_1164 : vector<16xi32>
    %ne3A_1166 = arith.constant 0 : i32
    %ne3A_1167 = vector.broadcast %ne3A_1166 : i32 to vector<16xi32>
    %ne3A_1168 = arith.cmpi ne, %rem3A_1165, %ne3A_1167 : vector<16xi32>
    %lt3A_1169 = arith.constant 0 : i32
    %lt3A_1170 = vector.broadcast %lt3A_1169 : i32 to vector<16xi32>
    %lt3A_1171 = arith.cmpi slt, %rem3A_1165, %lt3A_1170 : vector<16xi32>
    %lt3A_1172 = arith.constant 0 : i32
    %lt3A_1173 = arith.cmpi slt, %select_n3A_1163, %lt3A_1172 : i32
    %ne3A_1174 = vector.broadcast %lt3A_1173 : i1 to vector<16xi1>
    %ne3A_1175 = vector.broadcast %ne3A_1174 : vector<16xi1> to vector<16xi1>
    %ne3A_1176 = arith.xori %lt3A_1171, %ne3A_1175 : vector<16xi1>
    %and3A_1177 = arith.andi %ne3A_1176, %ne3A_1168 : vector<16xi1>
    %add3A_1178 = vector.broadcast %select_n3A_1163 : i32 to vector<16xi32>
    %add3A_1179 = arith.addi %rem3A_1165, %add3A_1178 : vector<16xi32>
    %select_n3A_1180 = arith.select %and3A_1177, %add3A_1179, %rem3A_1165 : vector<16xi1>, vector<16xi32>
    %mul3A_1181 = arith.constant 128 : i32
    %mul3A_1182 = vector.broadcast %mul3A_1181 : i32 to vector<16xi32>
    %mul3A_1183 = arith.muli %select_n3A_1180, %mul3A_1182 : vector<16xi32>
    %add3A_1184 = arith.addi %mul3A_1158, %mul3A_1183 : vector<16xi32>
    %add3A_1185 = arith.addi %add3A_1184, %select_n3A_320 : vector<16xi32>
    %jit3A_1186 = arith.constant 8 : i32
    %div3A_1187 = vector.broadcast %jit3A_1186 : i32 to vector<16xi32>
    %div3A_1188 = arith.divsi %iota3A, %div3A_1187 : vector<16xi32>
    %sign3A_1189 = arith.constant 0 : i32
    %sign3A_1190 = vector.broadcast %sign3A_1189 : i32 to vector<16xi32>
    %sign3A_1191 = arith.cmpi sgt, %iota3A, %sign3A_1190 : vector<16xi32>
    %sign3A_1192 = arith.extui %sign3A_1191 : vector<16xi1> to vector<16xi32>
    %sign3A_1193 = arith.constant 0 : i32
    %sign3A_1194 = vector.broadcast %sign3A_1193 : i32 to vector<16xi32>
    %sign3A_1195 = arith.cmpi slt, %iota3A, %sign3A_1194 : vector<16xi32>
    %sign3A_1196 = arith.extui %sign3A_1195 : vector<16xi1> to vector<16xi32>
    %sign3A_1197 = arith.subi %sign3A_1192, %sign3A_1196 : vector<16xi32>
    %sign3A_1198 = arith.constant 0 : i32
    %sign3A_1199 = arith.cmpi sgt, %jit3A_1186, %sign3A_1198 : i32
    %sign3A_1200 = arith.extui %sign3A_1199 : i1 to i32
    %sign3A_1201 = arith.constant 0 : i32
    %sign3A_1202 = arith.cmpi slt, %jit3A_1186, %sign3A_1201 : i32
    %sign3A_1203 = arith.extui %sign3A_1202 : i1 to i32
    %sign3A_1204 = arith.subi %sign3A_1200, %sign3A_1203 : i32
    %ne3A_1205 = vector.broadcast %sign3A_1204 : i32 to vector<16xi32>
    %ne3A_1206 = arith.cmpi ne, %sign3A_1197, %ne3A_1205 : vector<16xi32>
    %rem3A_1207 = vector.broadcast %jit3A_1186 : i32 to vector<16xi32>
    %rem3A_1208 = arith.remsi %iota3A, %rem3A_1207 : vector<16xi32>
    %ne3A_1209 = arith.constant 0 : i32
    %ne3A_1210 = vector.broadcast %ne3A_1209 : i32 to vector<16xi32>
    %ne3A_1211 = arith.cmpi ne, %rem3A_1208, %ne3A_1210 : vector<16xi32>
    %and3A_1212 = arith.andi %ne3A_1206, %ne3A_1211 : vector<16xi1>
    %sub3A_1213 = arith.constant 1 : i32
    %sub3A_1214 = vector.broadcast %sub3A_1213 : i32 to vector<16xi32>
    %sub3A_1215 = arith.subi %div3A_1188, %sub3A_1214 : vector<16xi32>
    %select_n3A_1216 = arith.select %and3A_1212, %sub3A_1215, %div3A_1188 : vector<16xi1>, vector<16xi32>
    %mul3A_1217 = arith.constant 8192 : i32
    %mul3A_1218 = vector.broadcast %mul3A_1217 : i32 to vector<16xi32>
    %mul3A_1219 = arith.muli %select_n3A_1216, %mul3A_1218 : vector<16xi32>
    %jit3A_1220 = arith.constant 8 : i32
    %eq3A_1221 = arith.constant 0 : i32
    %eq3A_1222 = arith.cmpi eq, %jit3A_1220, %eq3A_1221 : i32
    %jit3A_1223 = arith.constant 1 : i32
    %select_n3A_1224 = arith.select %eq3A_1222, %jit3A_1223, %jit3A_1220 : i32
    %rem3A_1225 = vector.broadcast %select_n3A_1224 : i32 to vector<16xi32>
    %rem3A_1226 = arith.remsi %iota3A, %rem3A_1225 : vector<16xi32>
    %ne3A_1227 = arith.constant 0 : i32
    %ne3A_1228 = vector.broadcast %ne3A_1227 : i32 to vector<16xi32>
    %ne3A_1229 = arith.cmpi ne, %rem3A_1226, %ne3A_1228 : vector<16xi32>
    %lt3A_1230 = arith.constant 0 : i32
    %lt3A_1231 = vector.broadcast %lt3A_1230 : i32 to vector<16xi32>
    %lt3A_1232 = arith.cmpi slt, %rem3A_1226, %lt3A_1231 : vector<16xi32>
    %lt3A_1233 = arith.constant 0 : i32
    %lt3A_1234 = arith.cmpi slt, %select_n3A_1224, %lt3A_1233 : i32
    %ne3A_1235 = vector.broadcast %lt3A_1234 : i1 to vector<16xi1>
    %ne3A_1236 = vector.broadcast %ne3A_1235 : vector<16xi1> to vector<16xi1>
    %ne3A_1237 = arith.xori %lt3A_1232, %ne3A_1236 : vector<16xi1>
    %and3A_1238 = arith.andi %ne3A_1237, %ne3A_1229 : vector<16xi1>
    %add3A_1239 = vector.broadcast %select_n3A_1224 : i32 to vector<16xi32>
    %add3A_1240 = arith.addi %rem3A_1226, %add3A_1239 : vector<16xi32>
    %select_n3A_1241 = arith.select %and3A_1238, %add3A_1240, %rem3A_1226 : vector<16xi1>, vector<16xi32>
    %mul3A_1242 = arith.constant 128 : i32
    %mul3A_1243 = vector.broadcast %mul3A_1242 : i32 to vector<16xi32>
    %mul3A_1244 = arith.muli %select_n3A_1241, %mul3A_1243 : vector<16xi32>
    %add3A_1245 = arith.addi %mul3A_1219, %mul3A_1244 : vector<16xi32>
    %add3A_1246 = arith.addi %add3A_1245, %select_n3A_345 : vector<16xi32>
    %jit3A_1247 = arith.constant 8 : i32
    %div3A_1248 = vector.broadcast %jit3A_1247 : i32 to vector<16xi32>
    %div3A_1249 = arith.divsi %iota3A, %div3A_1248 : vector<16xi32>
    %sign3A_1250 = arith.constant 0 : i32
    %sign3A_1251 = vector.broadcast %sign3A_1250 : i32 to vector<16xi32>
    %sign3A_1252 = arith.cmpi sgt, %iota3A, %sign3A_1251 : vector<16xi32>
    %sign3A_1253 = arith.extui %sign3A_1252 : vector<16xi1> to vector<16xi32>
    %sign3A_1254 = arith.constant 0 : i32
    %sign3A_1255 = vector.broadcast %sign3A_1254 : i32 to vector<16xi32>
    %sign3A_1256 = arith.cmpi slt, %iota3A, %sign3A_1255 : vector<16xi32>
    %sign3A_1257 = arith.extui %sign3A_1256 : vector<16xi1> to vector<16xi32>
    %sign3A_1258 = arith.subi %sign3A_1253, %sign3A_1257 : vector<16xi32>
    %sign3A_1259 = arith.constant 0 : i32
    %sign3A_1260 = arith.cmpi sgt, %jit3A_1247, %sign3A_1259 : i32
    %sign3A_1261 = arith.extui %sign3A_1260 : i1 to i32
    %sign3A_1262 = arith.constant 0 : i32
    %sign3A_1263 = arith.cmpi slt, %jit3A_1247, %sign3A_1262 : i32
    %sign3A_1264 = arith.extui %sign3A_1263 : i1 to i32
    %sign3A_1265 = arith.subi %sign3A_1261, %sign3A_1264 : i32
    %ne3A_1266 = vector.broadcast %sign3A_1265 : i32 to vector<16xi32>
    %ne3A_1267 = arith.cmpi ne, %sign3A_1258, %ne3A_1266 : vector<16xi32>
    %rem3A_1268 = vector.broadcast %jit3A_1247 : i32 to vector<16xi32>
    %rem3A_1269 = arith.remsi %iota3A, %rem3A_1268 : vector<16xi32>
    %ne3A_1270 = arith.constant 0 : i32
    %ne3A_1271 = vector.broadcast %ne3A_1270 : i32 to vector<16xi32>
    %ne3A_1272 = arith.cmpi ne, %rem3A_1269, %ne3A_1271 : vector<16xi32>
    %and3A_1273 = arith.andi %ne3A_1267, %ne3A_1272 : vector<16xi1>
    %sub3A_1274 = arith.constant 1 : i32
    %sub3A_1275 = vector.broadcast %sub3A_1274 : i32 to vector<16xi32>
    %sub3A_1276 = arith.subi %div3A_1249, %sub3A_1275 : vector<16xi32>
    %select_n3A_1277 = arith.select %and3A_1273, %sub3A_1276, %div3A_1249 : vector<16xi1>, vector<16xi32>
    %mul3A_1278 = arith.constant 8192 : i32
    %mul3A_1279 = vector.broadcast %mul3A_1278 : i32 to vector<16xi32>
    %mul3A_1280 = arith.muli %select_n3A_1277, %mul3A_1279 : vector<16xi32>
    %jit3A_1281 = arith.constant 8 : i32
    %eq3A_1282 = arith.constant 0 : i32
    %eq3A_1283 = arith.cmpi eq, %jit3A_1281, %eq3A_1282 : i32
    %jit3A_1284 = arith.constant 1 : i32
    %select_n3A_1285 = arith.select %eq3A_1283, %jit3A_1284, %jit3A_1281 : i32
    %rem3A_1286 = vector.broadcast %select_n3A_1285 : i32 to vector<16xi32>
    %rem3A_1287 = arith.remsi %iota3A, %rem3A_1286 : vector<16xi32>
    %ne3A_1288 = arith.constant 0 : i32
    %ne3A_1289 = vector.broadcast %ne3A_1288 : i32 to vector<16xi32>
    %ne3A_1290 = arith.cmpi ne, %rem3A_1287, %ne3A_1289 : vector<16xi32>
    %lt3A_1291 = arith.constant 0 : i32
    %lt3A_1292 = vector.broadcast %lt3A_1291 : i32 to vector<16xi32>
    %lt3A_1293 = arith.cmpi slt, %rem3A_1287, %lt3A_1292 : vector<16xi32>
    %lt3A_1294 = arith.constant 0 : i32
    %lt3A_1295 = arith.cmpi slt, %select_n3A_1285, %lt3A_1294 : i32
    %ne3A_1296 = vector.broadcast %lt3A_1295 : i1 to vector<16xi1>
    %ne3A_1297 = vector.broadcast %ne3A_1296 : vector<16xi1> to vector<16xi1>
    %ne3A_1298 = arith.xori %lt3A_1293, %ne3A_1297 : vector<16xi1>
    %and3A_1299 = arith.andi %ne3A_1298, %ne3A_1290 : vector<16xi1>
    %add3A_1300 = vector.broadcast %select_n3A_1285 : i32 to vector<16xi32>
    %add3A_1301 = arith.addi %rem3A_1287, %add3A_1300 : vector<16xi32>
    %select_n3A_1302 = arith.select %and3A_1299, %add3A_1301, %rem3A_1287 : vector<16xi1>, vector<16xi32>
    %mul3A_1303 = arith.constant 128 : i32
    %mul3A_1304 = vector.broadcast %mul3A_1303 : i32 to vector<16xi32>
    %mul3A_1305 = arith.muli %select_n3A_1302, %mul3A_1304 : vector<16xi32>
    %add3A_1306 = arith.addi %mul3A_1280, %mul3A_1305 : vector<16xi32>
    %add3A_1307 = arith.addi %add3A_1306, %select_n3A_370 : vector<16xi32>
    %jit3A_1308 = arith.constant 8 : i32
    %div3A_1309 = vector.broadcast %jit3A_1308 : i32 to vector<16xi32>
    %div3A_1310 = arith.divsi %iota3A, %div3A_1309 : vector<16xi32>
    %sign3A_1311 = arith.constant 0 : i32
    %sign3A_1312 = vector.broadcast %sign3A_1311 : i32 to vector<16xi32>
    %sign3A_1313 = arith.cmpi sgt, %iota3A, %sign3A_1312 : vector<16xi32>
    %sign3A_1314 = arith.extui %sign3A_1313 : vector<16xi1> to vector<16xi32>
    %sign3A_1315 = arith.constant 0 : i32
    %sign3A_1316 = vector.broadcast %sign3A_1315 : i32 to vector<16xi32>
    %sign3A_1317 = arith.cmpi slt, %iota3A, %sign3A_1316 : vector<16xi32>
    %sign3A_1318 = arith.extui %sign3A_1317 : vector<16xi1> to vector<16xi32>
    %sign3A_1319 = arith.subi %sign3A_1314, %sign3A_1318 : vector<16xi32>
    %sign3A_1320 = arith.constant 0 : i32
    %sign3A_1321 = arith.cmpi sgt, %jit3A_1308, %sign3A_1320 : i32
    %sign3A_1322 = arith.extui %sign3A_1321 : i1 to i32
    %sign3A_1323 = arith.constant 0 : i32
    %sign3A_1324 = arith.cmpi slt, %jit3A_1308, %sign3A_1323 : i32
    %sign3A_1325 = arith.extui %sign3A_1324 : i1 to i32
    %sign3A_1326 = arith.subi %sign3A_1322, %sign3A_1325 : i32
    %ne3A_1327 = vector.broadcast %sign3A_1326 : i32 to vector<16xi32>
    %ne3A_1328 = arith.cmpi ne, %sign3A_1319, %ne3A_1327 : vector<16xi32>
    %rem3A_1329 = vector.broadcast %jit3A_1308 : i32 to vector<16xi32>
    %rem3A_1330 = arith.remsi %iota3A, %rem3A_1329 : vector<16xi32>
    %ne3A_1331 = arith.constant 0 : i32
    %ne3A_1332 = vector.broadcast %ne3A_1331 : i32 to vector<16xi32>
    %ne3A_1333 = arith.cmpi ne, %rem3A_1330, %ne3A_1332 : vector<16xi32>
    %and3A_1334 = arith.andi %ne3A_1328, %ne3A_1333 : vector<16xi1>
    %sub3A_1335 = arith.constant 1 : i32
    %sub3A_1336 = vector.broadcast %sub3A_1335 : i32 to vector<16xi32>
    %sub3A_1337 = arith.subi %div3A_1310, %sub3A_1336 : vector<16xi32>
    %select_n3A_1338 = arith.select %and3A_1334, %sub3A_1337, %div3A_1310 : vector<16xi1>, vector<16xi32>
    %mul3A_1339 = arith.constant 8192 : i32
    %mul3A_1340 = vector.broadcast %mul3A_1339 : i32 to vector<16xi32>
    %mul3A_1341 = arith.muli %select_n3A_1338, %mul3A_1340 : vector<16xi32>
    %jit3A_1342 = arith.constant 8 : i32
    %eq3A_1343 = arith.constant 0 : i32
    %eq3A_1344 = arith.cmpi eq, %jit3A_1342, %eq3A_1343 : i32
    %jit3A_1345 = arith.constant 1 : i32
    %select_n3A_1346 = arith.select %eq3A_1344, %jit3A_1345, %jit3A_1342 : i32
    %rem3A_1347 = vector.broadcast %select_n3A_1346 : i32 to vector<16xi32>
    %rem3A_1348 = arith.remsi %iota3A, %rem3A_1347 : vector<16xi32>
    %ne3A_1349 = arith.constant 0 : i32
    %ne3A_1350 = vector.broadcast %ne3A_1349 : i32 to vector<16xi32>
    %ne3A_1351 = arith.cmpi ne, %rem3A_1348, %ne3A_1350 : vector<16xi32>
    %lt3A_1352 = arith.constant 0 : i32
    %lt3A_1353 = vector.broadcast %lt3A_1352 : i32 to vector<16xi32>
    %lt3A_1354 = arith.cmpi slt, %rem3A_1348, %lt3A_1353 : vector<16xi32>
    %lt3A_1355 = arith.constant 0 : i32
    %lt3A_1356 = arith.cmpi slt, %select_n3A_1346, %lt3A_1355 : i32
    %ne3A_1357 = vector.broadcast %lt3A_1356 : i1 to vector<16xi1>
    %ne3A_1358 = vector.broadcast %ne3A_1357 : vector<16xi1> to vector<16xi1>
    %ne3A_1359 = arith.xori %lt3A_1354, %ne3A_1358 : vector<16xi1>
    %and3A_1360 = arith.andi %ne3A_1359, %ne3A_1351 : vector<16xi1>
    %add3A_1361 = vector.broadcast %select_n3A_1346 : i32 to vector<16xi32>
    %add3A_1362 = arith.addi %rem3A_1348, %add3A_1361 : vector<16xi32>
    %select_n3A_1363 = arith.select %and3A_1360, %add3A_1362, %rem3A_1348 : vector<16xi1>, vector<16xi32>
    %mul3A_1364 = arith.constant 128 : i32
    %mul3A_1365 = vector.broadcast %mul3A_1364 : i32 to vector<16xi32>
    %mul3A_1366 = arith.muli %select_n3A_1363, %mul3A_1365 : vector<16xi32>
    %add3A_1367 = arith.addi %mul3A_1341, %mul3A_1366 : vector<16xi32>
    %add3A_1368 = arith.addi %add3A_1367, %select_n3A_395 : vector<16xi32>
    %add3A_1369 = arith.constant 0 : i32
    %add3A_1370 = arith.addi %mul3A_2, %add3A_1369 : i32
    %jit3A_1371 = arith.constant 16 : i32
    %div3A_1372 = arith.divsi %add3A_1370, %jit3A_1371 : i32
    %sign3A_1373 = arith.constant 0 : i32
    %sign3A_1374 = arith.cmpi sgt, %add3A_1370, %sign3A_1373 : i32
    %sign3A_1375 = arith.extui %sign3A_1374 : i1 to i32
    %sign3A_1376 = arith.constant 0 : i32
    %sign3A_1377 = arith.cmpi slt, %add3A_1370, %sign3A_1376 : i32
    %sign3A_1378 = arith.extui %sign3A_1377 : i1 to i32
    %sign3A_1379 = arith.subi %sign3A_1375, %sign3A_1378 : i32
    %sign3A_1380 = arith.constant 0 : i32
    %sign3A_1381 = arith.cmpi sgt, %jit3A_1371, %sign3A_1380 : i32
    %sign3A_1382 = arith.extui %sign3A_1381 : i1 to i32
    %sign3A_1383 = arith.constant 0 : i32
    %sign3A_1384 = arith.cmpi slt, %jit3A_1371, %sign3A_1383 : i32
    %sign3A_1385 = arith.extui %sign3A_1384 : i1 to i32
    %sign3A_1386 = arith.subi %sign3A_1382, %sign3A_1385 : i32
    %ne3A_1387 = arith.cmpi ne, %sign3A_1379, %sign3A_1386 : i32
    %rem3A_1388 = arith.remsi %add3A_1370, %jit3A_1371 : i32
    %ne3A_1389 = arith.constant 0 : i32
    %ne3A_1390 = arith.cmpi ne, %rem3A_1388, %ne3A_1389 : i32
    %and3A_1391 = arith.andi %ne3A_1387, %ne3A_1390 : i1
    %sub3A_1392 = arith.constant 1 : i32
    %sub3A_1393 = arith.subi %div3A_1372, %sub3A_1392 : i32
    %select_n3A_1394 = arith.select %and3A_1391, %sub3A_1393, %div3A_1372 : i32
    %jit3A_1395 = arith.constant 16 : i32
    %eq3A_1396 = arith.constant 0 : i32
    %eq3A_1397 = arith.cmpi eq, %jit3A_1395, %eq3A_1396 : i32
    %jit3A_1398 = arith.constant 1 : i32
    %select_n3A_1399 = arith.select %eq3A_1397, %jit3A_1398, %jit3A_1395 : i32
    %rem3A_1400 = arith.remsi %add3A_1370, %select_n3A_1399 : i32
    %ne3A_1401 = arith.constant 0 : i32
    %ne3A_1402 = arith.cmpi ne, %rem3A_1400, %ne3A_1401 : i32
    %lt3A_1403 = arith.constant 0 : i32
    %lt3A_1404 = arith.cmpi slt, %rem3A_1400, %lt3A_1403 : i32
    %lt3A_1405 = arith.constant 0 : i32
    %lt3A_1406 = arith.cmpi slt, %select_n3A_1399, %lt3A_1405 : i32
    %ne3A_1407 = arith.xori %lt3A_1404, %lt3A_1406 : i1
    %and3A_1408 = arith.andi %ne3A_1407, %ne3A_1402 : i1
    %add3A_1409 = arith.addi %rem3A_1400, %select_n3A_1399 : i32
    %select_n3A_1410 = arith.select %and3A_1408, %add3A_1409, %rem3A_1400 : i32
    %mul3A_1411 = arith.constant 1024 : i32
    %mul3A_1412 = arith.muli %select_n3A_1410, %mul3A_1411 : i32
    %dma_start3A = tpu.memref_slice %arg2[%select_n3A_1394, %mul3A_1412] : memref<200x16384xi32, #tpu.memory_space<hbm>> -> memref<1x1024xi32, #tpu.memory_space<hbm>>
    %dma_start3A_1413 = tpu.memref_squeeze %dma_start3A : memref<1x1024xi32, #tpu.memory_space<hbm>> -> memref<1024xi32, #tpu.memory_space<hbm>>
    %dma_start3A_1414 = tpu.memref_slice %arg2[%select_n3A_1394, %mul3A_1412] : memref<200x16384xi32, #tpu.memory_space<hbm>> -> memref<1x1024xi32, #tpu.memory_space<hbm>>
    %dma_start3A_1415 = tpu.memref_squeeze %dma_start3A_1414 : memref<1x1024xi32, #tpu.memory_space<hbm>> -> memref<1024xi32, #tpu.memory_space<hbm>>
    tpu.enqueue_dma source(%dma_start3A_1415 : memref<1024xi32, #tpu.memory_space<hbm>>) target(%arg5 : memref<1024xi32, #tpu.memory_space<vmem>>) target_semaphore(%arg11 : memref<!tpu.dma_semaphore, #tpu.memory_space<semaphore_mem>>)
    %add3A_1416 = arith.constant 1 : i32
    %add3A_1417 = arith.addi %mul3A_2, %add3A_1416 : i32
    %jit3A_1418 = arith.constant 16 : i32
    %div3A_1419 = arith.divsi %add3A_1417, %jit3A_1418 : i32
    %sign3A_1420 = arith.constant 0 : i32
    %sign3A_1421 = arith.cmpi sgt, %add3A_1417, %sign3A_1420 : i32
    %sign3A_1422 = arith.extui %sign3A_1421 : i1 to i32
    %sign3A_1423 = arith.constant 0 : i32
    %sign3A_1424 = arith.cmpi slt, %add3A_1417, %sign3A_1423 : i32
    %sign3A_1425 = arith.extui %sign3A_1424 : i1 to i32
    %sign3A_1426 = arith.subi %sign3A_1422, %sign3A_1425 : i32
    %sign3A_1427 = arith.constant 0 : i32
    %sign3A_1428 = arith.cmpi sgt, %jit3A_1418, %sign3A_1427 : i32
    %sign3A_1429 = arith.extui %sign3A_1428 : i1 to i32
    %sign3A_1430 = arith.constant 0 : i32
    %sign3A_1431 = arith.cmpi slt, %jit3A_1418, %sign3A_1430 : i32
    %sign3A_1432 = arith.extui %sign3A_1431 : i1 to i32
    %sign3A_1433 = arith.subi %sign3A_1429, %sign3A_1432 : i32
    %ne3A_1434 = arith.cmpi ne, %sign3A_1426, %sign3A_1433 : i32
    %rem3A_1435 = arith.remsi %add3A_1417, %jit3A_1418 : i32
    %ne3A_1436 = arith.constant 0 : i32
    %ne3A_1437 = arith.cmpi ne, %rem3A_1435, %ne3A_1436 : i32
    %and3A_1438 = arith.andi %ne3A_1434, %ne3A_1437 : i1
    %sub3A_1439 = arith.constant 1 : i32
    %sub3A_1440 = arith.subi %div3A_1419, %sub3A_1439 : i32
    %select_n3A_1441 = arith.select %and3A_1438, %sub3A_1440, %div3A_1419 : i32
    %jit3A_1442 = arith.constant 16 : i32
    %eq3A_1443 = arith.constant 0 : i32
    %eq3A_1444 = arith.cmpi eq, %jit3A_1442, %eq3A_1443 : i32
    %jit3A_1445 = arith.constant 1 : i32
    %select_n3A_1446 = arith.select %eq3A_1444, %jit3A_1445, %jit3A_1442 : i32
    %rem3A_1447 = arith.remsi %add3A_1417, %select_n3A_1446 : i32
    %ne3A_1448 = arith.constant 0 : i32
    %ne3A_1449 = arith.cmpi ne, %rem3A_1447, %ne3A_1448 : i32
    %lt3A_1450 = arith.constant 0 : i32
    %lt3A_1451 = arith.cmpi slt, %rem3A_1447, %lt3A_1450 : i32
    %lt3A_1452 = arith.constant 0 : i32
    %lt3A_1453 = arith.cmpi slt, %select_n3A_1446, %lt3A_1452 : i32
    %ne3A_1454 = arith.xori %lt3A_1451, %lt3A_1453 : i1
    %and3A_1455 = arith.andi %ne3A_1454, %ne3A_1449 : i1
    %add3A_1456 = arith.addi %rem3A_1447, %select_n3A_1446 : i32
    %select_n3A_1457 = arith.select %and3A_1455, %add3A_1456, %rem3A_1447 : i32
    %mul3A_1458 = arith.constant 1024 : i32
    %mul3A_1459 = arith.muli %select_n3A_1457, %mul3A_1458 : i32
    %dma_start3A_1460 = tpu.memref_slice %arg2[%select_n3A_1441, %mul3A_1459] : memref<200x16384xi32, #tpu.memory_space<hbm>> -> memref<1x1024xi32, #tpu.memory_space<hbm>>
    %dma_start3A_1461 = tpu.memref_squeeze %dma_start3A_1460 : memref<1x1024xi32, #tpu.memory_space<hbm>> -> memref<1024xi32, #tpu.memory_space<hbm>>
    %dma_start3A_1462 = tpu.memref_slice %arg2[%select_n3A_1441, %mul3A_1459] : memref<200x16384xi32, #tpu.memory_space<hbm>> -> memref<1x1024xi32, #tpu.memory_space<hbm>>
    %dma_start3A_1463 = tpu.memref_squeeze %dma_start3A_1462 : memref<1x1024xi32, #tpu.memory_space<hbm>> -> memref<1024xi32, #tpu.memory_space<hbm>>
    tpu.enqueue_dma source(%dma_start3A_1463 : memref<1024xi32, #tpu.memory_space<hbm>>) target(%arg6 : memref<1024xi32, #tpu.memory_space<vmem>>) target_semaphore(%arg12 : memref<!tpu.dma_semaphore, #tpu.memory_space<semaphore_mem>>)
    %dma_wait3A = arith.constant 0 : i32
    %dma_wait3A_1464 = arith.constant 0 : i32
    %dma_wait3A_1465 = tpu.memref_slice %arg2[%dma_wait3A, %dma_wait3A_1464] : memref<200x16384xi32, #tpu.memory_space<hbm>> -> memref<1x1024xi32, #tpu.memory_space<hbm>>
    %dma_wait3A_1466 = tpu.memref_squeeze %dma_wait3A_1465 : memref<1x1024xi32, #tpu.memory_space<hbm>> -> memref<1024xi32, #tpu.memory_space<hbm>>
    %dma_wait3A_1467 = arith.constant 0 : i32
    %dma_wait3A_1468 = tpu.memref_slice %arg2[%dma_wait3A, %dma_wait3A_1467] : memref<200x16384xi32, #tpu.memory_space<hbm>> -> memref<1x1024xi32, #tpu.memory_space<hbm>>
    %dma_wait3A_1469 = tpu.memref_squeeze %dma_wait3A_1468 : memref<1x1024xi32, #tpu.memory_space<hbm>> -> memref<1024xi32, #tpu.memory_space<hbm>>
    tpu.wait_dma2 semaphore(%arg11 : memref<!tpu.dma_semaphore, #tpu.memory_space<semaphore_mem>>) src(%dma_wait3A_1469 : memref<1024xi32, #tpu.memory_space<hbm>>) dst(%arg5 : memref<1024xi32, #tpu.memory_space<vmem>>)
    %dma_start3A_1470 = arith.constant 0 : i32
    %dma_start3A_1471 = arith.constant 0 : i32
    %dma_start3A_1472 = tpu.memref_slice %arg3[%dma_start3A_1470, %dma_start3A_1471] : memref<1000000x16xf32, #tpu.memory_space<hbm>> -> memref<1000000x16xf32, #tpu.memory_space<hbm>>
    tpu.enqueue_indirect_dma source(%dma_start3A_1472 : memref<1000000x16xf32, #tpu.memory_space<hbm>>) target(%arg7 : memref<1024x16xf32, #tpu.memory_space<vmem>>) offsets(%arg5 : memref<1024xi32, #tpu.memory_space<vmem>>) semaphore(%arg13 : memref<!tpu.dma_semaphore, #tpu.memory_space<semaphore_mem>>)
    %scan3A = arith.constant 0 : i32
    %scan3A_1473 = arith.constant 0 : i32
    %scan3A_1474 = arith.constant 50 : i32
    %scan3A_1475 = arith.addi %scan3A_1473, %scan3A_1474 : i32
    %scan3A_1476 = arith.constant 1 : i32
    scf.for %scan3A_1522 = %scan3A_1473 to %scan3A_1475 step %scan3A_1476  : i32 {
      %mul3A_1523 = arith.constant 2 : i32
      %mul3A_1524 = arith.muli %mul3A_1523, %scan3A_1522 : i32
      %add3A_1525 = arith.constant 0 : i32
      %add3A_1526 = arith.addi %mul3A_1524, %add3A_1525 : i32
      %add3A_1527 = arith.addi %mul3A_2, %add3A_1526 : i32
      %jit3A_1528 = arith.constant 16 : i32
      %div3A_1529 = arith.divsi %add3A_1527, %jit3A_1528 : i32
      %sign3A_1530 = arith.constant 0 : i32
      %sign3A_1531 = arith.cmpi sgt, %add3A_1527, %sign3A_1530 : i32
      %sign3A_1532 = arith.extui %sign3A_1531 : i1 to i32
      %sign3A_1533 = arith.constant 0 : i32
      %sign3A_1534 = arith.cmpi slt, %add3A_1527, %sign3A_1533 : i32
      %sign3A_1535 = arith.extui %sign3A_1534 : i1 to i32
      %sign3A_1536 = arith.subi %sign3A_1532, %sign3A_1535 : i32
      %sign3A_1537 = arith.constant 0 : i32
      %sign3A_1538 = arith.cmpi sgt, %jit3A_1528, %sign3A_1537 : i32
      %sign3A_1539 = arith.extui %sign3A_1538 : i1 to i32
      %sign3A_1540 = arith.constant 0 : i32
      %sign3A_1541 = arith.cmpi slt, %jit3A_1528, %sign3A_1540 : i32
      %sign3A_1542 = arith.extui %sign3A_1541 : i1 to i32
      %sign3A_1543 = arith.subi %sign3A_1539, %sign3A_1542 : i32
      %ne3A_1544 = arith.cmpi ne, %sign3A_1536, %sign3A_1543 : i32
      %rem3A_1545 = arith.remsi %add3A_1527, %jit3A_1528 : i32
      %ne3A_1546 = arith.constant 0 : i32
      %ne3A_1547 = arith.cmpi ne, %rem3A_1545, %ne3A_1546 : i32
      %and3A_1548 = arith.andi %ne3A_1544, %ne3A_1547 : i1
      %sub3A_1549 = arith.constant 1 : i32
      %sub3A_1550 = arith.subi %div3A_1529, %sub3A_1549 : i32
      %select_n3A_1551 = arith.select %and3A_1548, %sub3A_1550, %div3A_1529 : i32
      %jit3A_1552 = arith.constant 16 : i32
      %eq3A_1553 = arith.constant 0 : i32
      %eq3A_1554 = arith.cmpi eq, %jit3A_1552, %eq3A_1553 : i32
      %jit3A_1555 = arith.constant 1 : i32
      %select_n3A_1556 = arith.select %eq3A_1554, %jit3A_1555, %jit3A_1552 : i32
      %rem3A_1557 = arith.remsi %add3A_1527, %select_n3A_1556 : i32
      %ne3A_1558 = arith.constant 0 : i32
      %ne3A_1559 = arith.cmpi ne, %rem3A_1557, %ne3A_1558 : i32
      %lt3A_1560 = arith.constant 0 : i32
      %lt3A_1561 = arith.cmpi slt, %rem3A_1557, %lt3A_1560 : i32
      %lt3A_1562 = arith.constant 0 : i32
      %lt3A_1563 = arith.cmpi slt, %select_n3A_1556, %lt3A_1562 : i32
      %ne3A_1564 = arith.xori %lt3A_1561, %lt3A_1563 : i1
      %and3A_1565 = arith.andi %ne3A_1564, %ne3A_1559 : i1
      %add3A_1566 = arith.addi %rem3A_1557, %select_n3A_1556 : i32
      %select_n3A_1567 = arith.select %and3A_1565, %add3A_1566, %rem3A_1557 : i32
      %dma_wait3A_1568 = arith.constant 0 : i32
      %dma_wait3A_1569 = arith.constant 0 : i32
      %dma_wait3A_1570 = tpu.memref_slice %arg3[%dma_wait3A_1568, %dma_wait3A_1569] : memref<1000000x16xf32, #tpu.memory_space<hbm>> -> memref<1000000x16xf32, #tpu.memory_space<hbm>>
      tpu.wait_indirect_dma semaphore(%arg13 : memref<!tpu.dma_semaphore, #tpu.memory_space<semaphore_mem>>) src(%dma_wait3A_1570 : memref<1000000x16xf32, #tpu.memory_space<hbm>>) dst(%arg7 : memref<1024x16xf32, #tpu.memory_space<vmem>>)
      %add3A_1571 = arith.constant 2 : i32
      %add3A_1572 = arith.addi %add3A_1526, %add3A_1571 : i32
      %lt3A_1573 = arith.constant 100 : i32
      %lt3A_1574 = arith.cmpi slt, %add3A_1572, %lt3A_1573 : i32
      %convert_element_type3A = arith.extui %lt3A_1574 : i1 to i32
      %cond3A = arith.constant 0 : i32
      %cond3A_1575 = arith.cmpi ne, %convert_element_type3A, %cond3A : i32
      scf.if %cond3A_1575 {
        %add3A_1720 = arith.constant 2 : i32
        %add3A_1721 = arith.addi %add3A_1526, %add3A_1720 : i32
        %add3A_1722 = arith.addi %mul3A_2, %add3A_1721 : i32
        %jit3A_1723 = arith.constant 16 : i32
        %div3A_1724 = arith.divsi %add3A_1722, %jit3A_1723 : i32
        %sign3A_1725 = arith.constant 0 : i32
        %sign3A_1726 = arith.cmpi sgt, %add3A_1722, %sign3A_1725 : i32
        %sign3A_1727 = arith.extui %sign3A_1726 : i1 to i32
        %sign3A_1728 = arith.constant 0 : i32
        %sign3A_1729 = arith.cmpi slt, %add3A_1722, %sign3A_1728 : i32
        %sign3A_1730 = arith.extui %sign3A_1729 : i1 to i32
        %sign3A_1731 = arith.subi %sign3A_1727, %sign3A_1730 : i32
        %sign3A_1732 = arith.constant 0 : i32
        %sign3A_1733 = arith.cmpi sgt, %jit3A_1723, %sign3A_1732 : i32
        %sign3A_1734 = arith.extui %sign3A_1733 : i1 to i32
        %sign3A_1735 = arith.constant 0 : i32
        %sign3A_1736 = arith.cmpi slt, %jit3A_1723, %sign3A_1735 : i32
        %sign3A_1737 = arith.extui %sign3A_1736 : i1 to i32
        %sign3A_1738 = arith.subi %sign3A_1734, %sign3A_1737 : i32
        %ne3A_1739 = arith.cmpi ne, %sign3A_1731, %sign3A_1738 : i32
        %rem3A_1740 = arith.remsi %add3A_1722, %jit3A_1723 : i32
        %ne3A_1741 = arith.constant 0 : i32
        %ne3A_1742 = arith.cmpi ne, %rem3A_1740, %ne3A_1741 : i32
        %and3A_1743 = arith.andi %ne3A_1739, %ne3A_1742 : i1
        %sub3A_1744 = arith.constant 1 : i32
        %sub3A_1745 = arith.subi %div3A_1724, %sub3A_1744 : i32
        %select_n3A_1746 = arith.select %and3A_1743, %sub3A_1745, %div3A_1724 : i32
        %jit3A_1747 = arith.constant 16 : i32
        %eq3A_1748 = arith.constant 0 : i32
        %eq3A_1749 = arith.cmpi eq, %jit3A_1747, %eq3A_1748 : i32
        %jit3A_1750 = arith.constant 1 : i32
        %select_n3A_1751 = arith.select %eq3A_1749, %jit3A_1750, %jit3A_1747 : i32
        %rem3A_1752 = arith.remsi %add3A_1722, %select_n3A_1751 : i32
        %ne3A_1753 = arith.constant 0 : i32
        %ne3A_1754 = arith.cmpi ne, %rem3A_1752, %ne3A_1753 : i32
        %lt3A_1755 = arith.constant 0 : i32
        %lt3A_1756 = arith.cmpi slt, %rem3A_1752, %lt3A_1755 : i32
        %lt3A_1757 = arith.constant 0 : i32
        %lt3A_1758 = arith.cmpi slt, %select_n3A_1751, %lt3A_1757 : i32
        %ne3A_1759 = arith.xori %lt3A_1756, %lt3A_1758 : i1
        %and3A_1760 = arith.andi %ne3A_1759, %ne3A_1754 : i1
        %add3A_1761 = arith.addi %rem3A_1752, %select_n3A_1751 : i32
        %select_n3A_1762 = arith.select %and3A_1760, %add3A_1761, %rem3A_1752 : i32
        %mul3A_1763 = arith.constant 1024 : i32
        %mul3A_1764 = arith.muli %select_n3A_1762, %mul3A_1763 : i32
        %dma_start3A_1765 = tpu.memref_slice %arg2[%select_n3A_1746, %mul3A_1764] : memref<200x16384xi32, #tpu.memory_space<hbm>> -> memref<1x1024xi32, #tpu.memory_space<hbm>>
        %dma_start3A_1766 = tpu.memref_squeeze %dma_start3A_1765 : memref<1x1024xi32, #tpu.memory_space<hbm>> -> memref<1024xi32, #tpu.memory_space<hbm>>
        %dma_start3A_1767 = tpu.memref_slice %arg2[%select_n3A_1746, %mul3A_1764] : memref<200x16384xi32, #tpu.memory_space<hbm>> -> memref<1x1024xi32, #tpu.memory_space<hbm>>
        %dma_start3A_1768 = tpu.memref_squeeze %dma_start3A_1767 : memref<1x1024xi32, #tpu.memory_space<hbm>> -> memref<1024xi32, #tpu.memory_space<hbm>>
        tpu.enqueue_dma source(%dma_start3A_1768 : memref<1024xi32, #tpu.memory_space<hbm>>) target(%arg5 : memref<1024xi32, #tpu.memory_space<vmem>>) target_semaphore(%arg11 : memref<!tpu.dma_semaphore, #tpu.memory_space<semaphore_mem>>)
      } else {
      }
      %add3A_1576 = arith.constant 1 : i32
      %add3A_1577 = arith.addi %add3A_1526, %add3A_1576 : i32
      %lt3A_1578 = arith.constant 100 : i32
      %lt3A_1579 = arith.cmpi slt, %add3A_1577, %lt3A_1578 : i32
      %convert_element_type3A_1580 = arith.extui %lt3A_1579 : i1 to i32
      %cond3A_1581 = arith.constant 0 : i32
      %cond3A_1582 = arith.cmpi ne, %convert_element_type3A_1580, %cond3A_1581 : i32
      scf.if %cond3A_1582 {
        %dma_wait3A_1720 = arith.constant 0 : i32
        %dma_wait3A_1721 = arith.constant 0 : i32
        %dma_wait3A_1722 = tpu.memref_slice %arg2[%dma_wait3A_1720, %dma_wait3A_1721] : memref<200x16384xi32, #tpu.memory_space<hbm>> -> memref<1x1024xi32, #tpu.memory_space<hbm>>
        %dma_wait3A_1723 = tpu.memref_squeeze %dma_wait3A_1722 : memref<1x1024xi32, #tpu.memory_space<hbm>> -> memref<1024xi32, #tpu.memory_space<hbm>>
        %dma_wait3A_1724 = arith.constant 0 : i32
        %dma_wait3A_1725 = tpu.memref_slice %arg2[%dma_wait3A_1720, %dma_wait3A_1724] : memref<200x16384xi32, #tpu.memory_space<hbm>> -> memref<1x1024xi32, #tpu.memory_space<hbm>>
        %dma_wait3A_1726 = tpu.memref_squeeze %dma_wait3A_1725 : memref<1x1024xi32, #tpu.memory_space<hbm>> -> memref<1024xi32, #tpu.memory_space<hbm>>
        tpu.wait_dma2 semaphore(%arg12 : memref<!tpu.dma_semaphore, #tpu.memory_space<semaphore_mem>>) src(%dma_wait3A_1726 : memref<1024xi32, #tpu.memory_space<hbm>>) dst(%arg6 : memref<1024xi32, #tpu.memory_space<vmem>>)
        %dma_start3A_1727 = arith.constant 0 : i32
        %dma_start3A_1728 = arith.constant 0 : i32
        %dma_start3A_1729 = tpu.memref_slice %arg3[%dma_start3A_1727, %dma_start3A_1728] : memref<1000000x16xf32, #tpu.memory_space<hbm>> -> memref<1000000x16xf32, #tpu.memory_space<hbm>>
        tpu.enqueue_indirect_dma source(%dma_start3A_1729 : memref<1000000x16xf32, #tpu.memory_space<hbm>>) target(%arg8 : memref<1024x16xf32, #tpu.memory_space<vmem>>) offsets(%arg6 : memref<1024xi32, #tpu.memory_space<vmem>>) semaphore(%arg14 : memref<!tpu.dma_semaphore, #tpu.memory_space<semaphore_mem>>)
      } else {
      }
      %gt3A = arith.constant 0 : i32
      %gt3A_1583 = arith.cmpi sgt, %scan3A_1522, %gt3A : i32
      %convert_element_type3A_1584 = arith.extui %gt3A_1583 : i1 to i32
      %cond3A_1585 = arith.constant 0 : i32
      %cond3A_1586 = arith.cmpi ne, %convert_element_type3A_1584, %cond3A_1585 : i32
      scf.if %cond3A_1586 {
        %dma_wait3A_1720 = arith.constant 0 : i32
        %dma_wait3A_1721 = arith.constant 0 : i32
        %dma_wait3A_1722 = tpu.memref_slice %arg9[%dma_wait3A_1721] : memref<16384xf32, #tpu.memory_space<vmem>> -> memref<8192xf32, #tpu.memory_space<vmem>>
        %dma_wait3A_1723 = arith.constant 0 : i32
        %dma_wait3A_1724 = tpu.memref_slice %arg4[%dma_wait3A_1720, %dma_wait3A_1723] : memref<400x131072xf32, #tpu.memory_space<hbm>> -> memref<1x8192xf32, #tpu.memory_space<hbm>>
        %dma_wait3A_1725 = tpu.memref_squeeze %dma_wait3A_1724 : memref<1x8192xf32, #tpu.memory_space<hbm>> -> memref<8192xf32, #tpu.memory_space<hbm>>
        %dma_wait3A_1726 = arith.constant 0 : i32
        %dma_wait3A_1727 = tpu.memref_slice %arg4[%dma_wait3A_1720, %dma_wait3A_1726] : memref<400x131072xf32, #tpu.memory_space<hbm>> -> memref<1x8192xf32, #tpu.memory_space<hbm>>
        %dma_wait3A_1728 = tpu.memref_squeeze %dma_wait3A_1727 : memref<1x8192xf32, #tpu.memory_space<hbm>> -> memref<8192xf32, #tpu.memory_space<hbm>>
        %dma_wait3A_1729 = arith.constant 0 : i32
        %dma_wait3A_1730 = tpu.memref_slice %arg9[%dma_wait3A_1729] : memref<16384xf32, #tpu.memory_space<vmem>> -> memref<8192xf32, #tpu.memory_space<vmem>>
        tpu.wait_dma2 semaphore(%arg15 : memref<!tpu.dma_semaphore, #tpu.memory_space<semaphore_mem>>) src(%dma_wait3A_1730 : memref<8192xf32, #tpu.memory_space<vmem>>) dst(%dma_wait3A_1728 : memref<8192xf32, #tpu.memory_space<hbm>>)
        %dma_wait3A_1731 = arith.constant 0 : i32
        %dma_wait3A_1732 = arith.constant 8192 : i32
        %dma_wait3A_1733 = tpu.memref_slice %arg9[%dma_wait3A_1732] : memref<16384xf32, #tpu.memory_space<vmem>> -> memref<8192xf32, #tpu.memory_space<vmem>>
        %dma_wait3A_1734 = arith.constant 0 : i32
        %dma_wait3A_1735 = tpu.memref_slice %arg4[%dma_wait3A_1731, %dma_wait3A_1734] : memref<400x131072xf32, #tpu.memory_space<hbm>> -> memref<1x8192xf32, #tpu.memory_space<hbm>>
        %dma_wait3A_1736 = tpu.memref_squeeze %dma_wait3A_1735 : memref<1x8192xf32, #tpu.memory_space<hbm>> -> memref<8192xf32, #tpu.memory_space<hbm>>
        %dma_wait3A_1737 = arith.constant 0 : i32
        %dma_wait3A_1738 = tpu.memref_slice %arg4[%dma_wait3A_1731, %dma_wait3A_1737] : memref<400x131072xf32, #tpu.memory_space<hbm>> -> memref<1x8192xf32, #tpu.memory_space<hbm>>
        %dma_wait3A_1739 = tpu.memref_squeeze %dma_wait3A_1738 : memref<1x8192xf32, #tpu.memory_space<hbm>> -> memref<8192xf32, #tpu.memory_space<hbm>>
        %dma_wait3A_1740 = arith.constant 8192 : i32
        %dma_wait3A_1741 = tpu.memref_slice %arg9[%dma_wait3A_1740] : memref<16384xf32, #tpu.memory_space<vmem>> -> memref<8192xf32, #tpu.memory_space<vmem>>
        tpu.wait_dma2 semaphore(%arg15 : memref<!tpu.dma_semaphore, #tpu.memory_space<semaphore_mem>>) src(%dma_wait3A_1741 : memref<8192xf32, #tpu.memory_space<vmem>>) dst(%dma_wait3A_1739 : memref<8192xf32, #tpu.memory_space<hbm>>)
      } else {
      }
      %scan3A_1587 = arith.constant 0 : i32
      %scan3A_1588 = arith.constant 64 : i32
      %scan3A_1589 = arith.addi %scan3A_1587, %scan3A_1588 : i32
      %scan3A_1590 = arith.constant 1 : i32
      scf.for %scan3A_1720 = %scan3A_1587 to %scan3A_1589 step %scan3A_1590  : i32 {
        %mul3A_1721 = arith.constant 16 : i32
        %mul3A_1722 = arith.muli %scan3A_1720, %mul3A_1721 : i32
        %add3A_1723 = arith.constant 0 : i32
        %add3A_1724 = arith.addi %add3A_1723, %mul3A_1722 : i32
        %jit3A_1725 = arith.constant 128 : i32
        %div3A_1726 = arith.divsi %add3A_1724, %jit3A_1725 : i32
        %sign3A_1727 = arith.constant 0 : i32
        %sign3A_1728 = arith.cmpi sgt, %add3A_1724, %sign3A_1727 : i32
        %sign3A_1729 = arith.extui %sign3A_1728 : i1 to i32
        %sign3A_1730 = arith.constant 0 : i32
        %sign3A_1731 = arith.cmpi slt, %add3A_1724, %sign3A_1730 : i32
        %sign3A_1732 = arith.extui %sign3A_1731 : i1 to i32
        %sign3A_1733 = arith.subi %sign3A_1729, %sign3A_1732 : i32
        %sign3A_1734 = arith.constant 0 : i32
        %sign3A_1735 = arith.cmpi sgt, %jit3A_1725, %sign3A_1734 : i32
        %sign3A_1736 = arith.extui %sign3A_1735 : i1 to i32
        %sign3A_1737 = arith.constant 0 : i32
        %sign3A_1738 = arith.cmpi slt, %jit3A_1725, %sign3A_1737 : i32
        %sign3A_1739 = arith.extui %sign3A_1738 : i1 to i32
        %sign3A_1740 = arith.subi %sign3A_1736, %sign3A_1739 : i32
        %ne3A_1741 = arith.cmpi ne, %sign3A_1733, %sign3A_1740 : i32
        %rem3A_1742 = arith.remsi %add3A_1724, %jit3A_1725 : i32
        %ne3A_1743 = arith.constant 0 : i32
        %ne3A_1744 = arith.cmpi ne, %rem3A_1742, %ne3A_1743 : i32
        %and3A_1745 = arith.andi %ne3A_1741, %ne3A_1744 : i1
        %sub3A_1746 = arith.constant 1 : i32
        %sub3A_1747 = arith.subi %div3A_1726, %sub3A_1746 : i32
        %select_n3A_1748 = arith.select %and3A_1745, %sub3A_1747, %div3A_1726 : i32
        %mul3A_1749 = arith.constant 1024 : i32
        %mul3A_1750 = arith.muli %select_n3A_1748, %mul3A_1749 : i32
        %jit3A_1751 = arith.constant 128 : i32
        %eq3A_1752 = arith.constant 0 : i32
        %eq3A_1753 = arith.cmpi eq, %jit3A_1751, %eq3A_1752 : i32
        %jit3A_1754 = arith.constant 1 : i32
        %select_n3A_1755 = arith.select %eq3A_1753, %jit3A_1754, %jit3A_1751 : i32
        %rem3A_1756 = arith.remsi %add3A_1724, %select_n3A_1755 : i32
        %ne3A_1757 = arith.constant 0 : i32
        %ne3A_1758 = arith.cmpi ne, %rem3A_1756, %ne3A_1757 : i32
        %lt3A_1759 = arith.constant 0 : i32
        %lt3A_1760 = arith.cmpi slt, %rem3A_1756, %lt3A_1759 : i32
        %lt3A_1761 = arith.constant 0 : i32
        %lt3A_1762 = arith.cmpi slt, %select_n3A_1755, %lt3A_1761 : i32
        %ne3A_1763 = arith.xori %lt3A_1760, %lt3A_1762 : i1
        %and3A_1764 = arith.andi %ne3A_1763, %ne3A_1758 : i1
        %add3A_1765 = arith.addi %rem3A_1756, %select_n3A_1755 : i32
        %select_n3A_1766 = arith.select %and3A_1764, %add3A_1765, %rem3A_1756 : i32
        %add3A_1767 = arith.addi %mul3A_1750, %select_n3A_1766 : i32
        %add3A_1768 = vector.broadcast %add3A_1724 : i32 to vector<16xi32>
        %add3A_1769 = arith.addi %select_n3A_20, %add3A_1768 : vector<16xi32>
        %gather3A = tpu.vector_load_idx %arg7[%add3A_1769, %iota3A] : memref<1024x16xf32, #tpu.memory_space<vmem>>[vector<16xi32>, vector<16xi32>], vector<16xf32>,
        %add3A_1770 = vector.broadcast %add3A_1767 : i32 to vector<16xi32>
        %add3A_1771 = arith.addi %add3A_453, %add3A_1770 : vector<16xi32>
        tpu.vector_store_idx %arg9[%add3A_1771], %gather3A : memref<16384xf32, #tpu.memory_space<vmem>>[vector<16xi32>], vector<16xf32>,
        %add3A_1772 = vector.broadcast %add3A_1724 : i32 to vector<16xi32>
        %add3A_1773 = arith.addi %select_n3A_45, %add3A_1772 : vector<16xi32>
        %gather3A_1774 = tpu.vector_load_idx %arg7[%add3A_1773, %iota3A] : memref<1024x16xf32, #tpu.memory_space<vmem>>[vector<16xi32>, vector<16xi32>], vector<16xf32>,
        %add3A_1775 = vector.broadcast %add3A_1767 : i32 to vector<16xi32>
        %add3A_1776 = arith.addi %add3A_514, %add3A_1775 : vector<16xi32>
        tpu.vector_store_idx %arg9[%add3A_1776], %gather3A_1774 : memref<16384xf32, #tpu.memory_space<vmem>>[vector<16xi32>], vector<16xf32>,
        %add3A_1777 = vector.broadcast %add3A_1724 : i32 to vector<16xi32>
        %add3A_1778 = arith.addi %select_n3A_70, %add3A_1777 : vector<16xi32>
        %gather3A_1779 = tpu.vector_load_idx %arg7[%add3A_1778, %iota3A] : memref<1024x16xf32, #tpu.memory_space<vmem>>[vector<16xi32>, vector<16xi32>], vector<16xf32>,
        %add3A_1780 = vector.broadcast %add3A_1767 : i32 to vector<16xi32>
        %add3A_1781 = arith.addi %add3A_575, %add3A_1780 : vector<16xi32>
        tpu.vector_store_idx %arg9[%add3A_1781], %gather3A_1779 : memref<16384xf32, #tpu.memory_space<vmem>>[vector<16xi32>], vector<16xf32>,
        %add3A_1782 = vector.broadcast %add3A_1724 : i32 to vector<16xi32>
        %add3A_1783 = arith.addi %select_n3A_95, %add3A_1782 : vector<16xi32>
        %gather3A_1784 = tpu.vector_load_idx %arg7[%add3A_1783, %iota3A] : memref<1024x16xf32, #tpu.memory_space<vmem>>[vector<16xi32>, vector<16xi32>], vector<16xf32>,
        %add3A_1785 = vector.broadcast %add3A_1767 : i32 to vector<16xi32>
        %add3A_1786 = arith.addi %add3A_636, %add3A_1785 : vector<16xi32>
        tpu.vector_store_idx %arg9[%add3A_1786], %gather3A_1784 : memref<16384xf32, #tpu.memory_space<vmem>>[vector<16xi32>], vector<16xf32>,
        %add3A_1787 = vector.broadcast %add3A_1724 : i32 to vector<16xi32>
        %add3A_1788 = arith.addi %select_n3A_120, %add3A_1787 : vector<16xi32>
        %gather3A_1789 = tpu.vector_load_idx %arg7[%add3A_1788, %iota3A] : memref<1024x16xf32, #tpu.memory_space<vmem>>[vector<16xi32>, vector<16xi32>], vector<16xf32>,
        %add3A_1790 = vector.broadcast %add3A_1767 : i32 to vector<16xi32>
        %add3A_1791 = arith.addi %add3A_697, %add3A_1790 : vector<16xi32>
        tpu.vector_store_idx %arg9[%add3A_1791], %gather3A_1789 : memref<16384xf32, #tpu.memory_space<vmem>>[vector<16xi32>], vector<16xf32>,
        %add3A_1792 = vector.broadcast %add3A_1724 : i32 to vector<16xi32>
        %add3A_1793 = arith.addi %select_n3A_145, %add3A_1792 : vector<16xi32>
        %gather3A_1794 = tpu.vector_load_idx %arg7[%add3A_1793, %iota3A] : memref<1024x16xf32, #tpu.memory_space<vmem>>[vector<16xi32>, vector<16xi32>], vector<16xf32>,
        %add3A_1795 = vector.broadcast %add3A_1767 : i32 to vector<16xi32>
        %add3A_1796 = arith.addi %add3A_758, %add3A_1795 : vector<16xi32>
        tpu.vector_store_idx %arg9[%add3A_1796], %gather3A_1794 : memref<16384xf32, #tpu.memory_space<vmem>>[vector<16xi32>], vector<16xf32>,
        %add3A_1797 = vector.broadcast %add3A_1724 : i32 to vector<16xi32>
        %add3A_1798 = arith.addi %select_n3A_170, %add3A_1797 : vector<16xi32>
        %gather3A_1799 = tpu.vector_load_idx %arg7[%add3A_1798, %iota3A] : memref<1024x16xf32, #tpu.memory_space<vmem>>[vector<16xi32>, vector<16xi32>], vector<16xf32>,
        %add3A_1800 = vector.broadcast %add3A_1767 : i32 to vector<16xi32>
        %add3A_1801 = arith.addi %add3A_819, %add3A_1800 : vector<16xi32>
        tpu.vector_store_idx %arg9[%add3A_1801], %gather3A_1799 : memref<16384xf32, #tpu.memory_space<vmem>>[vector<16xi32>], vector<16xf32>,
        %add3A_1802 = vector.broadcast %add3A_1724 : i32 to vector<16xi32>
        %add3A_1803 = arith.addi %select_n3A_195, %add3A_1802 : vector<16xi32>
        %gather3A_1804 = tpu.vector_load_idx %arg7[%add3A_1803, %iota3A] : memref<1024x16xf32, #tpu.memory_space<vmem>>[vector<16xi32>, vector<16xi32>], vector<16xf32>,
        %add3A_1805 = vector.broadcast %add3A_1767 : i32 to vector<16xi32>
        %add3A_1806 = arith.addi %add3A_880, %add3A_1805 : vector<16xi32>
        tpu.vector_store_idx %arg9[%add3A_1806], %gather3A_1804 : memref<16384xf32, #tpu.memory_space<vmem>>[vector<16xi32>], vector<16xf32>,
        %add3A_1807 = vector.broadcast %add3A_1724 : i32 to vector<16xi32>
        %add3A_1808 = arith.addi %select_n3A_220, %add3A_1807 : vector<16xi32>
        %gather3A_1809 = tpu.vector_load_idx %arg7[%add3A_1808, %iota3A] : memref<1024x16xf32, #tpu.memory_space<vmem>>[vector<16xi32>, vector<16xi32>], vector<16xf32>,
        %add3A_1810 = vector.broadcast %add3A_1767 : i32 to vector<16xi32>
        %add3A_1811 = arith.addi %add3A_941, %add3A_1810 : vector<16xi32>
        tpu.vector_store_idx %arg9[%add3A_1811], %gather3A_1809 : memref<16384xf32, #tpu.memory_space<vmem>>[vector<16xi32>], vector<16xf32>,
        %add3A_1812 = vector.broadcast %add3A_1724 : i32 to vector<16xi32>
        %add3A_1813 = arith.addi %select_n3A_245, %add3A_1812 : vector<16xi32>
        %gather3A_1814 = tpu.vector_load_idx %arg7[%add3A_1813, %iota3A] : memref<1024x16xf32, #tpu.memory_space<vmem>>[vector<16xi32>, vector<16xi32>], vector<16xf32>,
        %add3A_1815 = vector.broadcast %add3A_1767 : i32 to vector<16xi32>
        %add3A_1816 = arith.addi %add3A_1002, %add3A_1815 : vector<16xi32>
        tpu.vector_store_idx %arg9[%add3A_1816], %gather3A_1814 : memref<16384xf32, #tpu.memory_space<vmem>>[vector<16xi32>], vector<16xf32>,
        %add3A_1817 = vector.broadcast %add3A_1724 : i32 to vector<16xi32>
        %add3A_1818 = arith.addi %select_n3A_270, %add3A_1817 : vector<16xi32>
        %gather3A_1819 = tpu.vector_load_idx %arg7[%add3A_1818, %iota3A] : memref<1024x16xf32, #tpu.memory_space<vmem>>[vector<16xi32>, vector<16xi32>], vector<16xf32>,
        %add3A_1820 = vector.broadcast %add3A_1767 : i32 to vector<16xi32>
        %add3A_1821 = arith.addi %add3A_1063, %add3A_1820 : vector<16xi32>
        tpu.vector_store_idx %arg9[%add3A_1821], %gather3A_1819 : memref<16384xf32, #tpu.memory_space<vmem>>[vector<16xi32>], vector<16xf32>,
        %add3A_1822 = vector.broadcast %add3A_1724 : i32 to vector<16xi32>
        %add3A_1823 = arith.addi %select_n3A_295, %add3A_1822 : vector<16xi32>
        %gather3A_1824 = tpu.vector_load_idx %arg7[%add3A_1823, %iota3A] : memref<1024x16xf32, #tpu.memory_space<vmem>>[vector<16xi32>, vector<16xi32>], vector<16xf32>,
        %add3A_1825 = vector.broadcast %add3A_1767 : i32 to vector<16xi32>
        %add3A_1826 = arith.addi %add3A_1124, %add3A_1825 : vector<16xi32>
        tpu.vector_store_idx %arg9[%add3A_1826], %gather3A_1824 : memref<16384xf32, #tpu.memory_space<vmem>>[vector<16xi32>], vector<16xf32>,
        %add3A_1827 = vector.broadcast %add3A_1724 : i32 to vector<16xi32>
        %add3A_1828 = arith.addi %select_n3A_320, %add3A_1827 : vector<16xi32>
        %gather3A_1829 = tpu.vector_load_idx %arg7[%add3A_1828, %iota3A] : memref<1024x16xf32, #tpu.memory_space<vmem>>[vector<16xi32>, vector<16xi32>], vector<16xf32>,
        %add3A_1830 = vector.broadcast %add3A_1767 : i32 to vector<16xi32>
        %add3A_1831 = arith.addi %add3A_1185, %add3A_1830 : vector<16xi32>
        tpu.vector_store_idx %arg9[%add3A_1831], %gather3A_1829 : memref<16384xf32, #tpu.memory_space<vmem>>[vector<16xi32>], vector<16xf32>,
        %add3A_1832 = vector.broadcast %add3A_1724 : i32 to vector<16xi32>
        %add3A_1833 = arith.addi %select_n3A_345, %add3A_1832 : vector<16xi32>
        %gather3A_1834 = tpu.vector_load_idx %arg7[%add3A_1833, %iota3A] : memref<1024x16xf32, #tpu.memory_space<vmem>>[vector<16xi32>, vector<16xi32>], vector<16xf32>,
        %add3A_1835 = vector.broadcast %add3A_1767 : i32 to vector<16xi32>
        %add3A_1836 = arith.addi %add3A_1246, %add3A_1835 : vector<16xi32>
        tpu.vector_store_idx %arg9[%add3A_1836], %gather3A_1834 : memref<16384xf32, #tpu.memory_space<vmem>>[vector<16xi32>], vector<16xf32>,
        %add3A_1837 = vector.broadcast %add3A_1724 : i32 to vector<16xi32>
        %add3A_1838 = arith.addi %select_n3A_370, %add3A_1837 : vector<16xi32>
        %gather3A_1839 = tpu.vector_load_idx %arg7[%add3A_1838, %iota3A] : memref<1024x16xf32, #tpu.memory_space<vmem>>[vector<16xi32>, vector<16xi32>], vector<16xf32>,
        %add3A_1840 = vector.broadcast %add3A_1767 : i32 to vector<16xi32>
        %add3A_1841 = arith.addi %add3A_1307, %add3A_1840 : vector<16xi32>
        tpu.vector_store_idx %arg9[%add3A_1841], %gather3A_1839 : memref<16384xf32, #tpu.memory_space<vmem>>[vector<16xi32>], vector<16xf32>,
        %add3A_1842 = vector.broadcast %add3A_1724 : i32 to vector<16xi32>
        %add3A_1843 = arith.addi %select_n3A_395, %add3A_1842 : vector<16xi32>
        %gather3A_1844 = tpu.vector_load_idx %arg7[%add3A_1843, %iota3A] : memref<1024x16xf32, #tpu.memory_space<vmem>>[vector<16xi32>, vector<16xi32>], vector<16xf32>,
        %add3A_1845 = vector.broadcast %add3A_1767 : i32 to vector<16xi32>
        %add3A_1846 = arith.addi %add3A_1368, %add3A_1845 : vector<16xi32>
        tpu.vector_store_idx %arg9[%add3A_1846], %gather3A_1844 : memref<16384xf32, #tpu.memory_space<vmem>>[vector<16xi32>], vector<16xf32>,
      }
      %scan3A_1591 = arith.constant 64 : i32
      %mul3A_1592 = arith.constant 2 : i32
      %mul3A_1593 = arith.muli %select_n3A_1551, %mul3A_1592 : i32
      %add3A_1594 = arith.constant 0 : i32
      %add3A_1595 = arith.addi %mul3A_1593, %add3A_1594 : i32
      %mul3A_1596 = arith.constant 8192 : i32
      %mul3A_1597 = arith.muli %select_n3A_1567, %mul3A_1596 : i32
      %dma_start3A_1598 = arith.constant 0 : i32
      %dma_start3A_1599 = tpu.memref_slice %arg9[%dma_start3A_1598] : memref<16384xf32, #tpu.memory_space<vmem>> -> memref<8192xf32, #tpu.memory_space<vmem>>
      %dma_start3A_1600 = tpu.memref_slice %arg4[%add3A_1595, %mul3A_1597] : memref<400x131072xf32, #tpu.memory_space<hbm>> -> memref<1x8192xf32, #tpu.memory_space<hbm>>
      %dma_start3A_1601 = tpu.memref_squeeze %dma_start3A_1600 : memref<1x8192xf32, #tpu.memory_space<hbm>> -> memref<8192xf32, #tpu.memory_space<hbm>>
      %dma_start3A_1602 = tpu.memref_slice %arg4[%add3A_1595, %mul3A_1597] : memref<400x131072xf32, #tpu.memory_space<hbm>> -> memref<1x8192xf32, #tpu.memory_space<hbm>>
      %dma_start3A_1603 = tpu.memref_squeeze %dma_start3A_1602 : memref<1x8192xf32, #tpu.memory_space<hbm>> -> memref<8192xf32, #tpu.memory_space<hbm>>
      %dma_start3A_1604 = arith.constant 0 : i32
      %dma_start3A_1605 = tpu.memref_slice %arg9[%dma_start3A_1604] : memref<16384xf32, #tpu.memory_space<vmem>> -> memref<8192xf32, #tpu.memory_space<vmem>>
      tpu.enqueue_dma source(%dma_start3A_1605 : memref<8192xf32, #tpu.memory_space<vmem>>) target(%dma_start3A_1603 : memref<8192xf32, #tpu.memory_space<hbm>>) target_semaphore(%arg15 : memref<!tpu.dma_semaphore, #tpu.memory_space<semaphore_mem>>)
      %mul3A_1606 = arith.constant 2 : i32
      %mul3A_1607 = arith.muli %select_n3A_1551, %mul3A_1606 : i32
      %add3A_1608 = arith.constant 1 : i32
      %add3A_1609 = arith.addi %mul3A_1607, %add3A_1608 : i32
      %mul3A_1610 = arith.constant 8192 : i32
      %mul3A_1611 = arith.muli %select_n3A_1567, %mul3A_1610 : i32
      %dma_start3A_1612 = arith.constant 8192 : i32
      %dma_start3A_1613 = tpu.memref_slice %arg9[%dma_start3A_1612] : memref<16384xf32, #tpu.memory_space<vmem>> -> memref<8192xf32, #tpu.memory_space<vmem>>
      %dma_start3A_1614 = tpu.memref_slice %arg4[%add3A_1609, %mul3A_1611] : memref<400x131072xf32, #tpu.memory_space<hbm>> -> memref<1x8192xf32, #tpu.memory_space<hbm>>
      %dma_start3A_1615 = tpu.memref_squeeze %dma_start3A_1614 : memref<1x8192xf32, #tpu.memory_space<hbm>> -> memref<8192xf32, #tpu.memory_space<hbm>>
      %dma_start3A_1616 = tpu.memref_slice %arg4[%add3A_1609, %mul3A_1611] : memref<400x131072xf32, #tpu.memory_space<hbm>> -> memref<1x8192xf32, #tpu.memory_space<hbm>>
      %dma_start3A_1617 = tpu.memref_squeeze %dma_start3A_1616 : memref<1x8192xf32, #tpu.memory_space<hbm>> -> memref<8192xf32, #tpu.memory_space<hbm>>
      %dma_start3A_1618 = arith.constant 8192 : i32
      %dma_start3A_1619 = tpu.memref_slice %arg9[%dma_start3A_1618] : memref<16384xf32, #tpu.memory_space<vmem>> -> memref<8192xf32, #tpu.memory_space<vmem>>
      tpu.enqueue_dma source(%dma_start3A_1619 : memref<8192xf32, #tpu.memory_space<vmem>>) target(%dma_start3A_1617 : memref<8192xf32, #tpu.memory_space<hbm>>) target_semaphore(%arg15 : memref<!tpu.dma_semaphore, #tpu.memory_space<semaphore_mem>>)
      %mul3A_1620 = arith.constant 2 : i32
      %mul3A_1621 = arith.muli %mul3A_1620, %scan3A_1522 : i32
      %add3A_1622 = arith.constant 1 : i32
      %add3A_1623 = arith.addi %mul3A_1621, %add3A_1622 : i32
      %add3A_1624 = arith.addi %mul3A_2, %add3A_1623 : i32
      %jit3A_1625 = arith.constant 16 : i32
      %div3A_1626 = arith.divsi %add3A_1624, %jit3A_1625 : i32
      %sign3A_1627 = arith.constant 0 : i32
      %sign3A_1628 = arith.cmpi sgt, %add3A_1624, %sign3A_1627 : i32
      %sign3A_1629 = arith.extui %sign3A_1628 : i1 to i32
      %sign3A_1630 = arith.constant 0 : i32
      %sign3A_1631 = arith.cmpi slt, %add3A_1624, %sign3A_1630 : i32
      %sign3A_1632 = arith.extui %sign3A_1631 : i1 to i32
      %sign3A_1633 = arith.subi %sign3A_1629, %sign3A_1632 : i32
      %sign3A_1634 = arith.constant 0 : i32
      %sign3A_1635 = arith.cmpi sgt, %jit3A_1625, %sign3A_1634 : i32
      %sign3A_1636 = arith.extui %sign3A_1635 : i1 to i32
      %sign3A_1637 = arith.constant 0 : i32
      %sign3A_1638 = arith.cmpi slt, %jit3A_1625, %sign3A_1637 : i32
      %sign3A_1639 = arith.extui %sign3A_1638 : i1 to i32
      %sign3A_1640 = arith.subi %sign3A_1636, %sign3A_1639 : i32
      %ne3A_1641 = arith.cmpi ne, %sign3A_1633, %sign3A_1640 : i32
      %rem3A_1642 = arith.remsi %add3A_1624, %jit3A_1625 : i32
      %ne3A_1643 = arith.constant 0 : i32
      %ne3A_1644 = arith.cmpi ne, %rem3A_1642, %ne3A_1643 : i32
      %and3A_1645 = arith.andi %ne3A_1641, %ne3A_1644 : i1
      %sub3A_1646 = arith.constant 1 : i32
      %sub3A_1647 = arith.subi %div3A_1626, %sub3A_1646 : i32
      %select_n3A_1648 = arith.select %and3A_1645, %sub3A_1647, %div3A_1626 : i32
      %jit3A_1649 = arith.constant 16 : i32
      %eq3A_1650 = arith.constant 0 : i32
      %eq3A_1651 = arith.cmpi eq, %jit3A_1649, %eq3A_1650 : i32
      %jit3A_1652 = arith.constant 1 : i32
      %select_n3A_1653 = arith.select %eq3A_1651, %jit3A_1652, %jit3A_1649 : i32
      %rem3A_1654 = arith.remsi %add3A_1624, %select_n3A_1653 : i32
      %ne3A_1655 = arith.constant 0 : i32
      %ne3A_1656 = arith.cmpi ne, %rem3A_1654, %ne3A_1655 : i32
      %lt3A_1657 = arith.constant 0 : i32
      %lt3A_1658 = arith.cmpi slt, %rem3A_1654, %lt3A_1657 : i32
      %lt3A_1659 = arith.constant 0 : i32
      %lt3A_1660 = arith.cmpi slt, %select_n3A_1653, %lt3A_1659 : i32
      %ne3A_1661 = arith.xori %lt3A_1658, %lt3A_1660 : i1
      %and3A_1662 = arith.andi %ne3A_1661, %ne3A_1656 : i1
      %add3A_1663 = arith.addi %rem3A_1654, %select_n3A_1653 : i32
      %select_n3A_1664 = arith.select %and3A_1662, %add3A_1663, %rem3A_1654 : i32
      %dma_wait3A_1665 = arith.constant 0 : i32
      %dma_wait3A_1666 = arith.constant 0 : i32
      %dma_wait3A_1667 = tpu.memref_slice %arg3[%dma_wait3A_1665, %dma_wait3A_1666] : memref<1000000x16xf32, #tpu.memory_space<hbm>> -> memref<1000000x16xf32, #tpu.memory_space<hbm>>
      tpu.wait_indirect_dma semaphore(%arg14 : memref<!tpu.dma_semaphore, #tpu.memory_space<semaphore_mem>>) src(%dma_wait3A_1667 : memref<1000000x16xf32, #tpu.memory_space<hbm>>) dst(%arg8 : memref<1024x16xf32, #tpu.memory_space<vmem>>)
      %add3A_1668 = arith.constant 2 : i32
      %add3A_1669 = arith.addi %add3A_1623, %add3A_1668 : i32
      %lt3A_1670 = arith.constant 100 : i32
      %lt3A_1671 = arith.cmpi slt, %add3A_1669, %lt3A_1670 : i32
      %convert_element_type3A_1672 = arith.extui %lt3A_1671 : i1 to i32
      %cond3A_1673 = arith.constant 0 : i32
      %cond3A_1674 = arith.cmpi ne, %convert_element_type3A_1672, %cond3A_1673 : i32
      scf.if %cond3A_1674 {
        %add3A_1720 = arith.constant 2 : i32
        %add3A_1721 = arith.addi %add3A_1623, %add3A_1720 : i32
        %add3A_1722 = arith.addi %mul3A_2, %add3A_1721 : i32
        %jit3A_1723 = arith.constant 16 : i32
        %div3A_1724 = arith.divsi %add3A_1722, %jit3A_1723 : i32
        %sign3A_1725 = arith.constant 0 : i32
        %sign3A_1726 = arith.cmpi sgt, %add3A_1722, %sign3A_1725 : i32
        %sign3A_1727 = arith.extui %sign3A_1726 : i1 to i32
        %sign3A_1728 = arith.constant 0 : i32
        %sign3A_1729 = arith.cmpi slt, %add3A_1722, %sign3A_1728 : i32
        %sign3A_1730 = arith.extui %sign3A_1729 : i1 to i32
        %sign3A_1731 = arith.subi %sign3A_1727, %sign3A_1730 : i32
        %sign3A_1732 = arith.constant 0 : i32
        %sign3A_1733 = arith.cmpi sgt, %jit3A_1723, %sign3A_1732 : i32
        %sign3A_1734 = arith.extui %sign3A_1733 : i1 to i32
        %sign3A_1735 = arith.constant 0 : i32
        %sign3A_1736 = arith.cmpi slt, %jit3A_1723, %sign3A_1735 : i32
        %sign3A_1737 = arith.extui %sign3A_1736 : i1 to i32
        %sign3A_1738 = arith.subi %sign3A_1734, %sign3A_1737 : i32
        %ne3A_1739 = arith.cmpi ne, %sign3A_1731, %sign3A_1738 : i32
        %rem3A_1740 = arith.remsi %add3A_1722, %jit3A_1723 : i32
        %ne3A_1741 = arith.constant 0 : i32
        %ne3A_1742 = arith.cmpi ne, %rem3A_1740, %ne3A_1741 : i32
        %and3A_1743 = arith.andi %ne3A_1739, %ne3A_1742 : i1
        %sub3A_1744 = arith.constant 1 : i32
        %sub3A_1745 = arith.subi %div3A_1724, %sub3A_1744 : i32
        %select_n3A_1746 = arith.select %and3A_1743, %sub3A_1745, %div3A_1724 : i32
        %jit3A_1747 = arith.constant 16 : i32
        %eq3A_1748 = arith.constant 0 : i32
        %eq3A_1749 = arith.cmpi eq, %jit3A_1747, %eq3A_1748 : i32
        %jit3A_1750 = arith.constant 1 : i32
        %select_n3A_1751 = arith.select %eq3A_1749, %jit3A_1750, %jit3A_1747 : i32
        %rem3A_1752 = arith.remsi %add3A_1722, %select_n3A_1751 : i32
        %ne3A_1753 = arith.constant 0 : i32
        %ne3A_1754 = arith.cmpi ne, %rem3A_1752, %ne3A_1753 : i32
        %lt3A_1755 = arith.constant 0 : i32
        %lt3A_1756 = arith.cmpi slt, %rem3A_1752, %lt3A_1755 : i32
        %lt3A_1757 = arith.constant 0 : i32
        %lt3A_1758 = arith.cmpi slt, %select_n3A_1751, %lt3A_1757 : i32
        %ne3A_1759 = arith.xori %lt3A_1756, %lt3A_1758 : i1
        %and3A_1760 = arith.andi %ne3A_1759, %ne3A_1754 : i1
        %add3A_1761 = arith.addi %rem3A_1752, %select_n3A_1751 : i32
        %select_n3A_1762 = arith.select %and3A_1760, %add3A_1761, %rem3A_1752 : i32
        %mul3A_1763 = arith.constant 1024 : i32
        %mul3A_1764 = arith.muli %select_n3A_1762, %mul3A_1763 : i32
        %dma_start3A_1765 = tpu.memref_slice %arg2[%select_n3A_1746, %mul3A_1764] : memref<200x16384xi32, #tpu.memory_space<hbm>> -> memref<1x1024xi32, #tpu.memory_space<hbm>>
        %dma_start3A_1766 = tpu.memref_squeeze %dma_start3A_1765 : memref<1x1024xi32, #tpu.memory_space<hbm>> -> memref<1024xi32, #tpu.memory_space<hbm>>
        %dma_start3A_1767 = tpu.memref_slice %arg2[%select_n3A_1746, %mul3A_1764] : memref<200x16384xi32, #tpu.memory_space<hbm>> -> memref<1x1024xi32, #tpu.memory_space<hbm>>
        %dma_start3A_1768 = tpu.memref_squeeze %dma_start3A_1767 : memref<1x1024xi32, #tpu.memory_space<hbm>> -> memref<1024xi32, #tpu.memory_space<hbm>>
        tpu.enqueue_dma source(%dma_start3A_1768 : memref<1024xi32, #tpu.memory_space<hbm>>) target(%arg6 : memref<1024xi32, #tpu.memory_space<vmem>>) target_semaphore(%arg12 : memref<!tpu.dma_semaphore, #tpu.memory_space<semaphore_mem>>)
      } else {
      }
      %add3A_1675 = arith.constant 1 : i32
      %add3A_1676 = arith.addi %add3A_1623, %add3A_1675 : i32
      %lt3A_1677 = arith.constant 100 : i32
      %lt3A_1678 = arith.cmpi slt, %add3A_1676, %lt3A_1677 : i32
      %convert_element_type3A_1679 = arith.extui %lt3A_1678 : i1 to i32
      %cond3A_1680 = arith.constant 0 : i32
      %cond3A_1681 = arith.cmpi ne, %convert_element_type3A_1679, %cond3A_1680 : i32
      scf.if %cond3A_1681 {
        %dma_wait3A_1720 = arith.constant 0 : i32
        %dma_wait3A_1721 = arith.constant 0 : i32
        %dma_wait3A_1722 = tpu.memref_slice %arg2[%dma_wait3A_1720, %dma_wait3A_1721] : memref<200x16384xi32, #tpu.memory_space<hbm>> -> memref<1x1024xi32, #tpu.memory_space<hbm>>
        %dma_wait3A_1723 = tpu.memref_squeeze %dma_wait3A_1722 : memref<1x1024xi32, #tpu.memory_space<hbm>> -> memref<1024xi32, #tpu.memory_space<hbm>>
        %dma_wait3A_1724 = arith.constant 0 : i32
        %dma_wait3A_1725 = tpu.memref_slice %arg2[%dma_wait3A_1720, %dma_wait3A_1724] : memref<200x16384xi32, #tpu.memory_space<hbm>> -> memref<1x1024xi32, #tpu.memory_space<hbm>>
        %dma_wait3A_1726 = tpu.memref_squeeze %dma_wait3A_1725 : memref<1x1024xi32, #tpu.memory_space<hbm>> -> memref<1024xi32, #tpu.memory_space<hbm>>
        tpu.wait_dma2 semaphore(%arg11 : memref<!tpu.dma_semaphore, #tpu.memory_space<semaphore_mem>>) src(%dma_wait3A_1726 : memref<1024xi32, #tpu.memory_space<hbm>>) dst(%arg5 : memref<1024xi32, #tpu.memory_space<vmem>>)
        %dma_start3A_1727 = arith.constant 0 : i32
        %dma_start3A_1728 = arith.constant 0 : i32
        %dma_start3A_1729 = tpu.memref_slice %arg3[%dma_start3A_1727, %dma_start3A_1728] : memref<1000000x16xf32, #tpu.memory_space<hbm>> -> memref<1000000x16xf32, #tpu.memory_space<hbm>>
        tpu.enqueue_indirect_dma source(%dma_start3A_1729 : memref<1000000x16xf32, #tpu.memory_space<hbm>>) target(%arg7 : memref<1024x16xf32, #tpu.memory_space<vmem>>) offsets(%arg5 : memref<1024xi32, #tpu.memory_space<vmem>>) semaphore(%arg13 : memref<!tpu.dma_semaphore, #tpu.memory_space<semaphore_mem>>)
      } else {
      }
      %gt3A_1682 = arith.constant 0 : i32
      %gt3A_1683 = arith.cmpi sgt, %scan3A_1522, %gt3A_1682 : i32
      %convert_element_type3A_1684 = arith.extui %gt3A_1683 : i1 to i32
      %cond3A_1685 = arith.constant 0 : i32
      %cond3A_1686 = arith.cmpi ne, %convert_element_type3A_1684, %cond3A_1685 : i32
      scf.if %cond3A_1686 {
        %dma_wait3A_1720 = arith.constant 0 : i32
        %dma_wait3A_1721 = arith.constant 0 : i32
        %dma_wait3A_1722 = tpu.memref_slice %arg10[%dma_wait3A_1721] : memref<16384xf32, #tpu.memory_space<vmem>> -> memref<8192xf32, #tpu.memory_space<vmem>>
        %dma_wait3A_1723 = arith.constant 0 : i32
        %dma_wait3A_1724 = tpu.memref_slice %arg4[%dma_wait3A_1720, %dma_wait3A_1723] : memref<400x131072xf32, #tpu.memory_space<hbm>> -> memref<1x8192xf32, #tpu.memory_space<hbm>>
        %dma_wait3A_1725 = tpu.memref_squeeze %dma_wait3A_1724 : memref<1x8192xf32, #tpu.memory_space<hbm>> -> memref<8192xf32, #tpu.memory_space<hbm>>
        %dma_wait3A_1726 = arith.constant 0 : i32
        %dma_wait3A_1727 = tpu.memref_slice %arg4[%dma_wait3A_1720, %dma_wait3A_1726] : memref<400x131072xf32, #tpu.memory_space<hbm>> -> memref<1x8192xf32, #tpu.memory_space<hbm>>
        %dma_wait3A_1728 = tpu.memref_squeeze %dma_wait3A_1727 : memref<1x8192xf32, #tpu.memory_space<hbm>> -> memref<8192xf32, #tpu.memory_space<hbm>>
        %dma_wait3A_1729 = arith.constant 0 : i32
        %dma_wait3A_1730 = tpu.memref_slice %arg10[%dma_wait3A_1729] : memref<16384xf32, #tpu.memory_space<vmem>> -> memref<8192xf32, #tpu.memory_space<vmem>>
        tpu.wait_dma2 semaphore(%arg16 : memref<!tpu.dma_semaphore, #tpu.memory_space<semaphore_mem>>) src(%dma_wait3A_1730 : memref<8192xf32, #tpu.memory_space<vmem>>) dst(%dma_wait3A_1728 : memref<8192xf32, #tpu.memory_space<hbm>>)
        %dma_wait3A_1731 = arith.constant 0 : i32
        %dma_wait3A_1732 = arith.constant 8192 : i32
        %dma_wait3A_1733 = tpu.memref_slice %arg10[%dma_wait3A_1732] : memref<16384xf32, #tpu.memory_space<vmem>> -> memref<8192xf32, #tpu.memory_space<vmem>>
        %dma_wait3A_1734 = arith.constant 0 : i32
        %dma_wait3A_1735 = tpu.memref_slice %arg4[%dma_wait3A_1731, %dma_wait3A_1734] : memref<400x131072xf32, #tpu.memory_space<hbm>> -> memref<1x8192xf32, #tpu.memory_space<hbm>>
        %dma_wait3A_1736 = tpu.memref_squeeze %dma_wait3A_1735 : memref<1x8192xf32, #tpu.memory_space<hbm>> -> memref<8192xf32, #tpu.memory_space<hbm>>
        %dma_wait3A_1737 = arith.constant 0 : i32
        %dma_wait3A_1738 = tpu.memref_slice %arg4[%dma_wait3A_1731, %dma_wait3A_1737] : memref<400x131072xf32, #tpu.memory_space<hbm>> -> memref<1x8192xf32, #tpu.memory_space<hbm>>
        %dma_wait3A_1739 = tpu.memref_squeeze %dma_wait3A_1738 : memref<1x8192xf32, #tpu.memory_space<hbm>> -> memref<8192xf32, #tpu.memory_space<hbm>>
        %dma_wait3A_1740 = arith.constant 8192 : i32
        %dma_wait3A_1741 = tpu.memref_slice %arg10[%dma_wait3A_1740] : memref<16384xf32, #tpu.memory_space<vmem>> -> memref<8192xf32, #tpu.memory_space<vmem>>
        tpu.wait_dma2 semaphore(%arg16 : memref<!tpu.dma_semaphore, #tpu.memory_space<semaphore_mem>>) src(%dma_wait3A_1741 : memref<8192xf32, #tpu.memory_space<vmem>>) dst(%dma_wait3A_1739 : memref<8192xf32, #tpu.memory_space<hbm>>)
      } else {
      }
      %scan3A_1687 = arith.constant 0 : i32
      %scan3A_1688 = arith.constant 64 : i32
      %scan3A_1689 = arith.addi %scan3A_1687, %scan3A_1688 : i32
      %scan3A_1690 = arith.constant 1 : i32
      scf.for %scan3A_1720 = %scan3A_1687 to %scan3A_1689 step %scan3A_1690  : i32 {
        %mul3A_1721 = arith.constant 16 : i32
        %mul3A_1722 = arith.muli %scan3A_1720, %mul3A_1721 : i32
        %add3A_1723 = arith.constant 0 : i32
        %add3A_1724 = arith.addi %add3A_1723, %mul3A_1722 : i32
        %jit3A_1725 = arith.constant 128 : i32
        %div3A_1726 = arith.divsi %add3A_1724, %jit3A_1725 : i32
        %sign3A_1727 = arith.constant 0 : i32
        %sign3A_1728 = arith.cmpi sgt, %add3A_1724, %sign3A_1727 : i32
        %sign3A_1729 = arith.extui %sign3A_1728 : i1 to i32
        %sign3A_1730 = arith.constant 0 : i32
        %sign3A_1731 = arith.cmpi slt, %add3A_1724, %sign3A_1730 : i32
        %sign3A_1732 = arith.extui %sign3A_1731 : i1 to i32
        %sign3A_1733 = arith.subi %sign3A_1729, %sign3A_1732 : i32
        %sign3A_1734 = arith.constant 0 : i32
        %sign3A_1735 = arith.cmpi sgt, %jit3A_1725, %sign3A_1734 : i32
        %sign3A_1736 = arith.extui %sign3A_1735 : i1 to i32
        %sign3A_1737 = arith.constant 0 : i32
        %sign3A_1738 = arith.cmpi slt, %jit3A_1725, %sign3A_1737 : i32
        %sign3A_1739 = arith.extui %sign3A_1738 : i1 to i32
        %sign3A_1740 = arith.subi %sign3A_1736, %sign3A_1739 : i32
        %ne3A_1741 = arith.cmpi ne, %sign3A_1733, %sign3A_1740 : i32
        %rem3A_1742 = arith.remsi %add3A_1724, %jit3A_1725 : i32
        %ne3A_1743 = arith.constant 0 : i32
        %ne3A_1744 = arith.cmpi ne, %rem3A_1742, %ne3A_1743 : i32
        %and3A_1745 = arith.andi %ne3A_1741, %ne3A_1744 : i1
        %sub3A_1746 = arith.constant 1 : i32
        %sub3A_1747 = arith.subi %div3A_1726, %sub3A_1746 : i32
        %select_n3A_1748 = arith.select %and3A_1745, %sub3A_1747, %div3A_1726 : i32
        %mul3A_1749 = arith.constant 1024 : i32
        %mul3A_1750 = arith.muli %select_n3A_1748, %mul3A_1749 : i32
        %jit3A_1751 = arith.constant 128 : i32
        %eq3A_1752 = arith.constant 0 : i32
        %eq3A_1753 = arith.cmpi eq, %jit3A_1751, %eq3A_1752 : i32
        %jit3A_1754 = arith.constant 1 : i32
        %select_n3A_1755 = arith.select %eq3A_1753, %jit3A_1754, %jit3A_1751 : i32
        %rem3A_1756 = arith.remsi %add3A_1724, %select_n3A_1755 : i32
        %ne3A_1757 = arith.constant 0 : i32
        %ne3A_1758 = arith.cmpi ne, %rem3A_1756, %ne3A_1757 : i32
        %lt3A_1759 = arith.constant 0 : i32
        %lt3A_1760 = arith.cmpi slt, %rem3A_1756, %lt3A_1759 : i32
        %lt3A_1761 = arith.constant 0 : i32
        %lt3A_1762 = arith.cmpi slt, %select_n3A_1755, %lt3A_1761 : i32
        %ne3A_1763 = arith.xori %lt3A_1760, %lt3A_1762 : i1
        %and3A_1764 = arith.andi %ne3A_1763, %ne3A_1758 : i1
        %add3A_1765 = arith.addi %rem3A_1756, %select_n3A_1755 : i32
        %select_n3A_1766 = arith.select %and3A_1764, %add3A_1765, %rem3A_1756 : i32
        %add3A_1767 = arith.addi %mul3A_1750, %select_n3A_1766 : i32
        %add3A_1768 = vector.broadcast %add3A_1724 : i32 to vector<16xi32>
        %add3A_1769 = arith.addi %select_n3A_20, %add3A_1768 : vector<16xi32>
        %gather3A = tpu.vector_load_idx %arg8[%add3A_1769, %iota3A] : memref<1024x16xf32, #tpu.memory_space<vmem>>[vector<16xi32>, vector<16xi32>], vector<16xf32>,
        %add3A_1770 = vector.broadcast %add3A_1767 : i32 to vector<16xi32>
        %add3A_1771 = arith.addi %add3A_453, %add3A_1770 : vector<16xi32>
        tpu.vector_store_idx %arg10[%add3A_1771], %gather3A : memref<16384xf32, #tpu.memory_space<vmem>>[vector<16xi32>], vector<16xf32>,
        %add3A_1772 = vector.broadcast %add3A_1724 : i32 to vector<16xi32>
        %add3A_1773 = arith.addi %select_n3A_45, %add3A_1772 : vector<16xi32>
        %gather3A_1774 = tpu.vector_load_idx %arg8[%add3A_1773, %iota3A] : memref<1024x16xf32, #tpu.memory_space<vmem>>[vector<16xi32>, vector<16xi32>], vector<16xf32>,
        %add3A_1775 = vector.broadcast %add3A_1767 : i32 to vector<16xi32>
        %add3A_1776 = arith.addi %add3A_514, %add3A_1775 : vector<16xi32>
        tpu.vector_store_idx %arg10[%add3A_1776], %gather3A_1774 : memref<16384xf32, #tpu.memory_space<vmem>>[vector<16xi32>], vector<16xf32>,
        %add3A_1777 = vector.broadcast %add3A_1724 : i32 to vector<16xi32>
        %add3A_1778 = arith.addi %select_n3A_70, %add3A_1777 : vector<16xi32>
        %gather3A_1779 = tpu.vector_load_idx %arg8[%add3A_1778, %iota3A] : memref<1024x16xf32, #tpu.memory_space<vmem>>[vector<16xi32>, vector<16xi32>], vector<16xf32>,
        %add3A_1780 = vector.broadcast %add3A_1767 : i32 to vector<16xi32>
        %add3A_1781 = arith.addi %add3A_575, %add3A_1780 : vector<16xi32>
        tpu.vector_store_idx %arg10[%add3A_1781], %gather3A_1779 : memref<16384xf32, #tpu.memory_space<vmem>>[vector<16xi32>], vector<16xf32>,
        %add3A_1782 = vector.broadcast %add3A_1724 : i32 to vector<16xi32>
        %add3A_1783 = arith.addi %select_n3A_95, %add3A_1782 : vector<16xi32>
        %gather3A_1784 = tpu.vector_load_idx %arg8[%add3A_1783, %iota3A] : memref<1024x16xf32, #tpu.memory_space<vmem>>[vector<16xi32>, vector<16xi32>], vector<16xf32>,
        %add3A_1785 = vector.broadcast %add3A_1767 : i32 to vector<16xi32>
        %add3A_1786 = arith.addi %add3A_636, %add3A_1785 : vector<16xi32>
        tpu.vector_store_idx %arg10[%add3A_1786], %gather3A_1784 : memref<16384xf32, #tpu.memory_space<vmem>>[vector<16xi32>], vector<16xf32>,
        %add3A_1787 = vector.broadcast %add3A_1724 : i32 to vector<16xi32>
        %add3A_1788 = arith.addi %select_n3A_120, %add3A_1787 : vector<16xi32>
        %gather3A_1789 = tpu.vector_load_idx %arg8[%add3A_1788, %iota3A] : memref<1024x16xf32, #tpu.memory_space<vmem>>[vector<16xi32>, vector<16xi32>], vector<16xf32>,
        %add3A_1790 = vector.broadcast %add3A_1767 : i32 to vector<16xi32>
        %add3A_1791 = arith.addi %add3A_697, %add3A_1790 : vector<16xi32>
        tpu.vector_store_idx %arg10[%add3A_1791], %gather3A_1789 : memref<16384xf32, #tpu.memory_space<vmem>>[vector<16xi32>], vector<16xf32>,
        %add3A_1792 = vector.broadcast %add3A_1724 : i32 to vector<16xi32>
        %add3A_1793 = arith.addi %select_n3A_145, %add3A_1792 : vector<16xi32>
        %gather3A_1794 = tpu.vector_load_idx %arg8[%add3A_1793, %iota3A] : memref<1024x16xf32, #tpu.memory_space<vmem>>[vector<16xi32>, vector<16xi32>], vector<16xf32>,
        %add3A_1795 = vector.broadcast %add3A_1767 : i32 to vector<16xi32>
        %add3A_1796 = arith.addi %add3A_758, %add3A_1795 : vector<16xi32>
        tpu.vector_store_idx %arg10[%add3A_1796], %gather3A_1794 : memref<16384xf32, #tpu.memory_space<vmem>>[vector<16xi32>], vector<16xf32>,
        %add3A_1797 = vector.broadcast %add3A_1724 : i32 to vector<16xi32>
        %add3A_1798 = arith.addi %select_n3A_170, %add3A_1797 : vector<16xi32>
        %gather3A_1799 = tpu.vector_load_idx %arg8[%add3A_1798, %iota3A] : memref<1024x16xf32, #tpu.memory_space<vmem>>[vector<16xi32>, vector<16xi32>], vector<16xf32>,
        %add3A_1800 = vector.broadcast %add3A_1767 : i32 to vector<16xi32>
        %add3A_1801 = arith.addi %add3A_819, %add3A_1800 : vector<16xi32>
        tpu.vector_store_idx %arg10[%add3A_1801], %gather3A_1799 : memref<16384xf32, #tpu.memory_space<vmem>>[vector<16xi32>], vector<16xf32>,
        %add3A_1802 = vector.broadcast %add3A_1724 : i32 to vector<16xi32>
        %add3A_1803 = arith.addi %select_n3A_195, %add3A_1802 : vector<16xi32>
        %gather3A_1804 = tpu.vector_load_idx %arg8[%add3A_1803, %iota3A] : memref<1024x16xf32, #tpu.memory_space<vmem>>[vector<16xi32>, vector<16xi32>], vector<16xf32>,
        %add3A_1805 = vector.broadcast %add3A_1767 : i32 to vector<16xi32>
        %add3A_1806 = arith.addi %add3A_880, %add3A_1805 : vector<16xi32>
        tpu.vector_store_idx %arg10[%add3A_1806], %gather3A_1804 : memref<16384xf32, #tpu.memory_space<vmem>>[vector<16xi32>], vector<16xf32>,
        %add3A_1807 = vector.broadcast %add3A_1724 : i32 to vector<16xi32>
        %add3A_1808 = arith.addi %select_n3A_220, %add3A_1807 : vector<16xi32>
        %gather3A_1809 = tpu.vector_load_idx %arg8[%add3A_1808, %iota3A] : memref<1024x16xf32, #tpu.memory_space<vmem>>[vector<16xi32>, vector<16xi32>], vector<16xf32>,
        %add3A_1810 = vector.broadcast %add3A_1767 : i32 to vector<16xi32>
        %add3A_1811 = arith.addi %add3A_941, %add3A_1810 : vector<16xi32>
        tpu.vector_store_idx %arg10[%add3A_1811], %gather3A_1809 : memref<16384xf32, #tpu.memory_space<vmem>>[vector<16xi32>], vector<16xf32>,
        %add3A_1812 = vector.broadcast %add3A_1724 : i32 to vector<16xi32>
        %add3A_1813 = arith.addi %select_n3A_245, %add3A_1812 : vector<16xi32>
        %gather3A_1814 = tpu.vector_load_idx %arg8[%add3A_1813, %iota3A] : memref<1024x16xf32, #tpu.memory_space<vmem>>[vector<16xi32>, vector<16xi32>], vector<16xf32>,
        %add3A_1815 = vector.broadcast %add3A_1767 : i32 to vector<16xi32>
        %add3A_1816 = arith.addi %add3A_1002, %add3A_1815 : vector<16xi32>
        tpu.vector_store_idx %arg10[%add3A_1816], %gather3A_1814 : memref<16384xf32, #tpu.memory_space<vmem>>[vector<16xi32>], vector<16xf32>,
        %add3A_1817 = vector.broadcast %add3A_1724 : i32 to vector<16xi32>
        %add3A_1818 = arith.addi %select_n3A_270, %add3A_1817 : vector<16xi32>
        %gather3A_1819 = tpu.vector_load_idx %arg8[%add3A_1818, %iota3A] : memref<1024x16xf32, #tpu.memory_space<vmem>>[vector<16xi32>, vector<16xi32>], vector<16xf32>,
        %add3A_1820 = vector.broadcast %add3A_1767 : i32 to vector<16xi32>
        %add3A_1821 = arith.addi %add3A_1063, %add3A_1820 : vector<16xi32>
        tpu.vector_store_idx %arg10[%add3A_1821], %gather3A_1819 : memref<16384xf32, #tpu.memory_space<vmem>>[vector<16xi32>], vector<16xf32>,
        %add3A_1822 = vector.broadcast %add3A_1724 : i32 to vector<16xi32>
        %add3A_1823 = arith.addi %select_n3A_295, %add3A_1822 : vector<16xi32>
        %gather3A_1824 = tpu.vector_load_idx %arg8[%add3A_1823, %iota3A] : memref<1024x16xf32, #tpu.memory_space<vmem>>[vector<16xi32>, vector<16xi32>], vector<16xf32>,
        %add3A_1825 = vector.broadcast %add3A_1767 : i32 to vector<16xi32>
        %add3A_1826 = arith.addi %add3A_1124, %add3A_1825 : vector<16xi32>
        tpu.vector_store_idx %arg10[%add3A_1826], %gather3A_1824 : memref<16384xf32, #tpu.memory_space<vmem>>[vector<16xi32>], vector<16xf32>,
        %add3A_1827 = vector.broadcast %add3A_1724 : i32 to vector<16xi32>
        %add3A_1828 = arith.addi %select_n3A_320, %add3A_1827 : vector<16xi32>
        %gather3A_1829 = tpu.vector_load_idx %arg8[%add3A_1828, %iota3A] : memref<1024x16xf32, #tpu.memory_space<vmem>>[vector<16xi32>, vector<16xi32>], vector<16xf32>,
        %add3A_1830 = vector.broadcast %add3A_1767 : i32 to vector<16xi32>
        %add3A_1831 = arith.addi %add3A_1185, %add3A_1830 : vector<16xi32>
        tpu.vector_store_idx %arg10[%add3A_1831], %gather3A_1829 : memref<16384xf32, #tpu.memory_space<vmem>>[vector<16xi32>], vector<16xf32>,
        %add3A_1832 = vector.broadcast %add3A_1724 : i32 to vector<16xi32>
        %add3A_1833 = arith.addi %select_n3A_345, %add3A_1832 : vector<16xi32>
        %gather3A_1834 = tpu.vector_load_idx %arg8[%add3A_1833, %iota3A] : memref<1024x16xf32, #tpu.memory_space<vmem>>[vector<16xi32>, vector<16xi32>], vector<16xf32>,
        %add3A_1835 = vector.broadcast %add3A_1767 : i32 to vector<16xi32>
        %add3A_1836 = arith.addi %add3A_1246, %add3A_1835 : vector<16xi32>
        tpu.vector_store_idx %arg10[%add3A_1836], %gather3A_1834 : memref<16384xf32, #tpu.memory_space<vmem>>[vector<16xi32>], vector<16xf32>,
        %add3A_1837 = vector.broadcast %add3A_1724 : i32 to vector<16xi32>
        %add3A_1838 = arith.addi %select_n3A_370, %add3A_1837 : vector<16xi32>
        %gather3A_1839 = tpu.vector_load_idx %arg8[%add3A_1838, %iota3A] : memref<1024x16xf32, #tpu.memory_space<vmem>>[vector<16xi32>, vector<16xi32>], vector<16xf32>,
        %add3A_1840 = vector.broadcast %add3A_1767 : i32 to vector<16xi32>
        %add3A_1841 = arith.addi %add3A_1307, %add3A_1840 : vector<16xi32>
        tpu.vector_store_idx %arg10[%add3A_1841], %gather3A_1839 : memref<16384xf32, #tpu.memory_space<vmem>>[vector<16xi32>], vector<16xf32>,
        %add3A_1842 = vector.broadcast %add3A_1724 : i32 to vector<16xi32>
        %add3A_1843 = arith.addi %select_n3A_395, %add3A_1842 : vector<16xi32>
        %gather3A_1844 = tpu.vector_load_idx %arg8[%add3A_1843, %iota3A] : memref<1024x16xf32, #tpu.memory_space<vmem>>[vector<16xi32>, vector<16xi32>], vector<16xf32>,
        %add3A_1845 = vector.broadcast %add3A_1767 : i32 to vector<16xi32>
        %add3A_1846 = arith.addi %add3A_1368, %add3A_1845 : vector<16xi32>
        tpu.vector_store_idx %arg10[%add3A_1846], %gather3A_1844 : memref<16384xf32, #tpu.memory_space<vmem>>[vector<16xi32>], vector<16xf32>,
      }
      %scan3A_1691 = arith.constant 64 : i32
      %mul3A_1692 = arith.constant 2 : i32
      %mul3A_1693 = arith.muli %select_n3A_1648, %mul3A_1692 : i32
      %add3A_1694 = arith.constant 0 : i32
      %add3A_1695 = arith.addi %mul3A_1693, %add3A_1694 : i32
      %mul3A_1696 = arith.constant 8192 : i32
      %mul3A_1697 = arith.muli %select_n3A_1664, %mul3A_1696 : i32
      %dma_start3A_1698 = arith.constant 0 : i32
      %dma_start3A_1699 = tpu.memref_slice %arg10[%dma_start3A_1698] : memref<16384xf32, #tpu.memory_space<vmem>> -> memref<8192xf32, #tpu.memory_space<vmem>>
      %dma_start3A_1700 = tpu.memref_slice %arg4[%add3A_1695, %mul3A_1697] : memref<400x131072xf32, #tpu.memory_space<hbm>> -> memref<1x8192xf32, #tpu.memory_space<hbm>>
      %dma_start3A_1701 = tpu.memref_squeeze %dma_start3A_1700 : memref<1x8192xf32, #tpu.memory_space<hbm>> -> memref<8192xf32, #tpu.memory_space<hbm>>
      %dma_start3A_1702 = tpu.memref_slice %arg4[%add3A_1695, %mul3A_1697] : memref<400x131072xf32, #tpu.memory_space<hbm>> -> memref<1x8192xf32, #tpu.memory_space<hbm>>
      %dma_start3A_1703 = tpu.memref_squeeze %dma_start3A_1702 : memref<1x8192xf32, #tpu.memory_space<hbm>> -> memref<8192xf32, #tpu.memory_space<hbm>>
      %dma_start3A_1704 = arith.constant 0 : i32
      %dma_start3A_1705 = tpu.memref_slice %arg10[%dma_start3A_1704] : memref<16384xf32, #tpu.memory_space<vmem>> -> memref<8192xf32, #tpu.memory_space<vmem>>
      tpu.enqueue_dma source(%dma_start3A_1705 : memref<8192xf32, #tpu.memory_space<vmem>>) target(%dma_start3A_1703 : memref<8192xf32, #tpu.memory_space<hbm>>) target_semaphore(%arg16 : memref<!tpu.dma_semaphore, #tpu.memory_space<semaphore_mem>>)
      %mul3A_1706 = arith.constant 2 : i32
      %mul3A_1707 = arith.muli %select_n3A_1648, %mul3A_1706 : i32
      %add3A_1708 = arith.constant 1 : i32
      %add3A_1709 = arith.addi %mul3A_1707, %add3A_1708 : i32
      %mul3A_1710 = arith.constant 8192 : i32
      %mul3A_1711 = arith.muli %select_n3A_1664, %mul3A_1710 : i32
      %dma_start3A_1712 = arith.constant 8192 : i32
      %dma_start3A_1713 = tpu.memref_slice %arg10[%dma_start3A_1712] : memref<16384xf32, #tpu.memory_space<vmem>> -> memref<8192xf32, #tpu.memory_space<vmem>>
      %dma_start3A_1714 = tpu.memref_slice %arg4[%add3A_1709, %mul3A_1711] : memref<400x131072xf32, #tpu.memory_space<hbm>> -> memref<1x8192xf32, #tpu.memory_space<hbm>>
      %dma_start3A_1715 = tpu.memref_squeeze %dma_start3A_1714 : memref<1x8192xf32, #tpu.memory_space<hbm>> -> memref<8192xf32, #tpu.memory_space<hbm>>
      %dma_start3A_1716 = tpu.memref_slice %arg4[%add3A_1709, %mul3A_1711] : memref<400x131072xf32, #tpu.memory_space<hbm>> -> memref<1x8192xf32, #tpu.memory_space<hbm>>
      %dma_start3A_1717 = tpu.memref_squeeze %dma_start3A_1716 : memref<1x8192xf32, #tpu.memory_space<hbm>> -> memref<8192xf32, #tpu.memory_space<hbm>>
      %dma_start3A_1718 = arith.constant 8192 : i32
      %dma_start3A_1719 = tpu.memref_slice %arg10[%dma_start3A_1718] : memref<16384xf32, #tpu.memory_space<vmem>> -> memref<8192xf32, #tpu.memory_space<vmem>>
      tpu.enqueue_dma source(%dma_start3A_1719 : memref<8192xf32, #tpu.memory_space<vmem>>) target(%dma_start3A_1717 : memref<8192xf32, #tpu.memory_space<hbm>>) target_semaphore(%arg16 : memref<!tpu.dma_semaphore, #tpu.memory_space<semaphore_mem>>)
    }
    %scan3A_1477 = arith.constant 50 : i32
    %dma_wait3A_1478 = arith.constant 0 : i32
    %dma_wait3A_1479 = arith.constant 0 : i32
    %dma_wait3A_1480 = tpu.memref_slice %arg9[%dma_wait3A_1479] : memref<16384xf32, #tpu.memory_space<vmem>> -> memref<8192xf32, #tpu.memory_space<vmem>>
    %dma_wait3A_1481 = arith.constant 0 : i32
    %dma_wait3A_1482 = tpu.memref_slice %arg4[%dma_wait3A_1478, %dma_wait3A_1481] : memref<400x131072xf32, #tpu.memory_space<hbm>> -> memref<1x8192xf32, #tpu.memory_space<hbm>>
    %dma_wait3A_1483 = tpu.memref_squeeze %dma_wait3A_1482 : memref<1x8192xf32, #tpu.memory_space<hbm>> -> memref<8192xf32, #tpu.memory_space<hbm>>
    %dma_wait3A_1484 = arith.constant 0 : i32
    %dma_wait3A_1485 = tpu.memref_slice %arg4[%dma_wait3A_1478, %dma_wait3A_1484] : memref<400x131072xf32, #tpu.memory_space<hbm>> -> memref<1x8192xf32, #tpu.memory_space<hbm>>
    %dma_wait3A_1486 = tpu.memref_squeeze %dma_wait3A_1485 : memref<1x8192xf32, #tpu.memory_space<hbm>> -> memref<8192xf32, #tpu.memory_space<hbm>>
    %dma_wait3A_1487 = arith.constant 0 : i32
    %dma_wait3A_1488 = tpu.memref_slice %arg9[%dma_wait3A_1487] : memref<16384xf32, #tpu.memory_space<vmem>> -> memref<8192xf32, #tpu.memory_space<vmem>>
    tpu.wait_dma2 semaphore(%arg15 : memref<!tpu.dma_semaphore, #tpu.memory_space<semaphore_mem>>) src(%dma_wait3A_1488 : memref<8192xf32, #tpu.memory_space<vmem>>) dst(%dma_wait3A_1486 : memref<8192xf32, #tpu.memory_space<hbm>>)
    %dma_wait3A_1489 = arith.constant 0 : i32
    %dma_wait3A_1490 = arith.constant 8192 : i32
    %dma_wait3A_1491 = tpu.memref_slice %arg9[%dma_wait3A_1490] : memref<16384xf32, #tpu.memory_space<vmem>> -> memref<8192xf32, #tpu.memory_space<vmem>>
    %dma_wait3A_1492 = arith.constant 0 : i32
    %dma_wait3A_1493 = tpu.memref_slice %arg4[%dma_wait3A_1489, %dma_wait3A_1492] : memref<400x131072xf32, #tpu.memory_space<hbm>> -> memref<1x8192xf32, #tpu.memory_space<hbm>>
    %dma_wait3A_1494 = tpu.memref_squeeze %dma_wait3A_1493 : memref<1x8192xf32, #tpu.memory_space<hbm>> -> memref<8192xf32, #tpu.memory_space<hbm>>
    %dma_wait3A_1495 = arith.constant 0 : i32
    %dma_wait3A_1496 = tpu.memref_slice %arg4[%dma_wait3A_1489, %dma_wait3A_1495] : memref<400x131072xf32, #tpu.memory_space<hbm>> -> memref<1x8192xf32, #tpu.memory_space<hbm>>
    %dma_wait3A_1497 = tpu.memref_squeeze %dma_wait3A_1496 : memref<1x8192xf32, #tpu.memory_space<hbm>> -> memref<8192xf32, #tpu.memory_space<hbm>>
    %dma_wait3A_1498 = arith.constant 8192 : i32
    %dma_wait3A_1499 = tpu.memref_slice %arg9[%dma_wait3A_1498] : memref<16384xf32, #tpu.memory_space<vmem>> -> memref<8192xf32, #tpu.memory_space<vmem>>
    tpu.wait_dma2 semaphore(%arg15 : memref<!tpu.dma_semaphore, #tpu.memory_space<semaphore_mem>>) src(%dma_wait3A_1499 : memref<8192xf32, #tpu.memory_space<vmem>>) dst(%dma_wait3A_1497 : memref<8192xf32, #tpu.memory_space<hbm>>)
    %dma_wait3A_1500 = arith.constant 0 : i32
    %dma_wait3A_1501 = arith.constant 0 : i32
    %dma_wait3A_1502 = tpu.memref_slice %arg10[%dma_wait3A_1501] : memref<16384xf32, #tpu.memory_space<vmem>> -> memref<8192xf32, #tpu.memory_space<vmem>>
    %dma_wait3A_1503 = arith.constant 0 : i32
    %dma_wait3A_1504 = tpu.memref_slice %arg4[%dma_wait3A_1500, %dma_wait3A_1503] : memref<400x131072xf32, #tpu.memory_space<hbm>> -> memref<1x8192xf32, #tpu.memory_space<hbm>>
    %dma_wait3A_1505 = tpu.memref_squeeze %dma_wait3A_1504 : memref<1x8192xf32, #tpu.memory_space<hbm>> -> memref<8192xf32, #tpu.memory_space<hbm>>
    %dma_wait3A_1506 = arith.constant 0 : i32
    %dma_wait3A_1507 = tpu.memref_slice %arg4[%dma_wait3A_1500, %dma_wait3A_1506] : memref<400x131072xf32, #tpu.memory_space<hbm>> -> memref<1x8192xf32, #tpu.memory_space<hbm>>
    %dma_wait3A_1508 = tpu.memref_squeeze %dma_wait3A_1507 : memref<1x8192xf32, #tpu.memory_space<hbm>> -> memref<8192xf32, #tpu.memory_space<hbm>>
    %dma_wait3A_1509 = arith.constant 0 : i32
    %dma_wait3A_1510 = tpu.memref_slice %arg10[%dma_wait3A_1509] : memref<16384xf32, #tpu.memory_space<vmem>> -> memref<8192xf32, #tpu.memory_space<vmem>>
    tpu.wait_dma2 semaphore(%arg16 : memref<!tpu.dma_semaphore, #tpu.memory_space<semaphore_mem>>) src(%dma_wait3A_1510 : memref<8192xf32, #tpu.memory_space<vmem>>) dst(%dma_wait3A_1508 : memref<8192xf32, #tpu.memory_space<hbm>>)
    %dma_wait3A_1511 = arith.constant 0 : i32
    %dma_wait3A_1512 = arith.constant 8192 : i32
    %dma_wait3A_1513 = tpu.memref_slice %arg10[%dma_wait3A_1512] : memref<16384xf32, #tpu.memory_space<vmem>> -> memref<8192xf32, #tpu.memory_space<vmem>>
    %dma_wait3A_1514 = arith.constant 0 : i32
    %dma_wait3A_1515 = tpu.memref_slice %arg4[%dma_wait3A_1511, %dma_wait3A_1514] : memref<400x131072xf32, #tpu.memory_space<hbm>> -> memref<1x8192xf32, #tpu.memory_space<hbm>>
    %dma_wait3A_1516 = tpu.memref_squeeze %dma_wait3A_1515 : memref<1x8192xf32, #tpu.memory_space<hbm>> -> memref<8192xf32, #tpu.memory_space<hbm>>
    %dma_wait3A_1517 = arith.constant 0 : i32
    %dma_wait3A_1518 = tpu.memref_slice %arg4[%dma_wait3A_1511, %dma_wait3A_1517] : memref<400x131072xf32, #tpu.memory_space<hbm>> -> memref<1x8192xf32, #tpu.memory_space<hbm>>
    %dma_wait3A_1519 = tpu.memref_squeeze %dma_wait3A_1518 : memref<1x8192xf32, #tpu.memory_space<hbm>> -> memref<8192xf32, #tpu.memory_space<hbm>>
    %dma_wait3A_1520 = arith.constant 8192 : i32
    %dma_wait3A_1521 = tpu.memref_slice %arg10[%dma_wait3A_1520] : memref<16384xf32, #tpu.memory_space<vmem>> -> memref<8192xf32, #tpu.memory_space<vmem>>
    tpu.wait_dma2 semaphore(%arg16 : memref<!tpu.dma_semaphore, #tpu.memory_space<semaphore_mem>>) src(%dma_wait3A_1521 : memref<8192xf32, #tpu.memory_space<vmem>>) dst(%dma_wait3A_1519 : memref<8192xf32, #tpu.memory_space<hbm>>)
    return
  }
}

</mosaic_0001>

<sc_bundles>
// kernel: kernel.3.cloned.1.call-start
scs
__scs_entry_jumppad:
0x0: {  	(pc) =	sbr.rel $0x88, $3  }
0x1: {  	(tag) =	ssettag $0x0;
	lr =	simm.s32 $0x1  }
0x2: {  	[smem:$0x3F9F] =	sst lr;
	_ =	strace $0xD0000000  }
0x3: {  	_ = 	snop  }
0x4: {  	_ = 	snop  }
0x5: {  	_ = 	snop  }
0x6: {  	_ = 	snop  }
0x7: {  	_ = 	snop  }
__scs_overlays_trampoline_lowered:
0x8: {  	[smem:$0x3FAE] =	sst s0  }
0x9: {  	[smem:$0x3FAF] =	sst s1  }
0xa: {  	[smem:$0x3FB0] =	sst s2  }
0xb: {  	[smem:$0x3FB1] =	sst s3  }
0xc: {  	[smem:$0x3FB2] =	sst s4  }
0xd: {  	[smem:$0x3FB3] =	sst s5  }
0xe: {  	[smem:$0x3FB4] =	sst s6  }
0xf: {  	[smem:$0x3FB5] =	sst s7  }
0x10: {  	[smem:$0x3FB6] =	sst s8  }
0x11: {  	[smem:$0x3FB7] =	sst s9;
	s0 =	simm.s32 @!p0 $0x0  }
0x12: {  	s1 =	sld [smem:$0x3F9D];
	s0 =	simm.s32 @p0 $0x1  }
0x13: {  	[smem:$0x3FB8] =	sst s0;
	s0 =	simm.s32 @!p1 $0x0  }
0x14: {  	s2 =	sld [smem:$0x3F9C];
	s0 =	simm.s32 @p1 $0x1  }
0x15: {  	[smem:$0x3FB9] =	sst s0;
	s0 =	simm.s32 @!p2 $0x0  }
0x16: {  	s3 =	sld [smem:$0x3FDB];
	s0 =	simm.s32 @p2 $0x1  }
0x17: {  	s4 =	simm.s32 $0x1BF5;
	[smem:$0x3FBB] =	sst s0  }
0x18: {  	s0 =	sld [smem:$0x3F9E];
	_ =	swait.ge [sflag:s4], $0x0  }
0x19: {  	s7 =	sld [smem:$0x3F9F]  }
0x1a: {  	s8 =	sadd.s32 $0xFFFFE003, lr  }
0x1b: {  	s9 =	sadd.s32 $0xFFFFFEF7, lr;
	s5 =	simm.s32 $0xFFFFFFFF;
	p2 =	slt.u32 s8, $0xFFFFF086  }
0x1c: {  	p1 =	slt.u32 s9, $0xF7A;
	s5 =	simm.s32 @!p2 $0x0  }
0x1d: {  	s5 =	simm.s32 @p1 $0x1;
	p0 =	seq.s32 s7, s2  }
0x1e: {  	s7 =	smul.u32 @!p0 $0xF7A, s2;
	p2 =	seq.s32 @!p0 s5, $0x0  }
0x1f: {  	s9 =	smul.u32 $0xF7A, s1;
	s8 =	simm.s32 @!p0 $0x1BF5;
	p2 =	por !p2, p0  }
0x20: {  	[sflag:s8] =	ssyncset.s32 @!p0 $0xFFFFF086;
	s6 =	sadd.s32 @!p0 s3, s7;
	s7 =	simm.s32 @!p0 $0x108  }
0x21: {  	s3 =	sadd.s32 s3, s9;
	s6 =	sadd.s32 @!p0 $0x88, s6;
	s7 =	simm.s32 @p2 $0x1082  }
0x22: {  	[simem:s7], [sflag:s8] =	dma.local @!p0 [hbm:s6], $0xF7A  }
0x23: {  	s9 =	sor.u32 $0xD0000000, s2;
	s6 =	simm.s32 $0x108;
	_ =	swait.ge @!p0 [sflag:s8], $0x0  }
0x24: {  	s3 =	sadd.s32 $0x88, s3;
	s6 =	simm.s32 @!p1 $0x1082;
	[sflag:s4] =	ssyncset.s32 $0xFFFFF086  }
0x25: {  	[simem:s6], [sflag:s4] =	dma.local [hbm:s3], $0xF7A  }
0x26: {  	[smem:$0x3F9F] =	sst s1;
	(tag) =	ssettag s2;
	_ =	strace s9  }
0x27: {  	s1 =	sld [smem:$0x3FAF]  }
0x28: {  	s2 =	sld [smem:$0x3FB0]  }
0x29: {  	s4 =	sld [smem:$0x3FB2]  }
0x2a: {  	p0 =	seq.s32 s5, $0x0;
	s5 =	sld [smem:$0x3FB3]  }
0x2b: {  	s6 =	sld [smem:$0x3FB4]  }
0x2c: {  	s7 =	sld [smem:$0x3FB5]  }
0x2d: {  	s3 =	simm.s32 $0x108;
	s8 =	sld [smem:$0x3FB6]  }
0x2e: {  	s3 =	simm.s32 @!p0 $0x1082;
	s9 =	sld [smem:$0x3FB7]  }
0x2f: {  	lr =	sadd.s32 s0, s3;
	s0 =	sld [smem:$0x3FAE]  }
0x30: {  	s3 =	sld [smem:$0x3FB1]  }
0x31: {  	[smem:$0x3FBA] =	sst s10  }
0x32: {  	s10 =	sld [smem:$0x3FB8];
	_ =	sdelay $0x3  }
0x33: {  	p0 =	seq.s32 s10, $0x1;
	s10 =	sld [smem:$0x3FBA];
	_ =	sdelay $0x3  }
0x34: {  	[smem:$0x3FBA] =	sst s10  }
0x35: {  	s10 =	sld [smem:$0x3FB9];
	_ =	sdelay $0x3  }
0x36: {  	p1 =	seq.s32 s10, $0x1;
	s10 =	sld [smem:$0x3FBA];
	_ =	sdelay $0x3  }
0x37: {  	[smem:$0x3FBA] =	sst s10  }
0x38: {  	s10 =	sld [smem:$0x3FBB]  }
0x39: {  	_ = 	snop;
	(pc) =	sbr.ind lr, $3  }
0x3a: {  	_ = 	snop  }
0x3b: {  	_ = 	snop  }
0x3c: {  	p2 =	seq.s32 s10, $0x1;
	s10 =	sld [smem:$0x3FBA]  }
0x3d: {  	_ =	shalt  }
0x3e: {  	_ =	shalt  }
0x3f: {  	_ =	shalt  }
0x40: {  	_ =	shalt  }
0x41: {  	_ =	shalt  }
0x42: {  	_ =	shalt  }
0x43: {  	_ =	shalt  }
0x44: {  	_ =	shalt  }
0x45: {  	_ =	shalt  }
0x46: {  	_ =	shalt  }
0x47: {  	_ =	shalt  }
0x48: {  	_ =	shalt  }
0x49: {  	_ =	shalt  }
0x4a: {  	_ =	shalt  }
0x4b: {  	_ =	shalt  }
0x4c: {  	_ =	shalt  }
0x4d: {  	_ =	shalt  }
0x4e: {  	_ =	shalt  }
0x4f: {  	_ =	shalt  }
0x50: {  	_ =	shalt  }
0x51: {  	_ =	shalt  }
0x52: {  	_ =	shalt  }
0x53: {  	_ =	shalt  }
0x54: {  	_ =	shalt  }
0x55: {  	_ =	shalt  }
0x56: {  	_ =	shalt  }
0x57: {  	_ =	shalt  }
0x58: {  	_ =	shalt  }
0x59: {  	_ =	shalt  }
0x5a: {  	_ =	shalt  }
0x5b: {  	_ =	shalt  }
0x5c: {  	_ =	shalt  }
0x5d: {  	_ =	shalt  }
0x5e: {  	_ =	shalt  }
0x5f: {  	_ =	shalt  }
0x60: {  	_ =	shalt  }
0x61: {  	_ =	shalt  }
0x62: {  	_ =	shalt  }
0x63: {  	_ =	shalt  }
0x64: {  	_ =	shalt  }
0x65: {  	_ =	shalt  }
0x66: {  	_ =	shalt  }
0x67: {  	_ =	shalt  }
0x68: {  	_ =	shalt  }
0x69: {  	_ =	shalt  }
0x6a: {  	_ =	shalt  }
0x6b: {  	_ =	shalt  }
0x6c: {  	_ =	shalt  }
0x6d: {  	_ =	shalt  }
0x6e: {  	_ =	shalt  }
0x6f: {  	_ =	shalt  }
0x70: {  	_ =	shalt  }
0x71: {  	_ =	shalt  }
0x72: {  	_ =	shalt  }
0x73: {  	_ =	shalt  }
0x74: {  	_ =	shalt  }
0x75: {  	_ =	shalt  }
0x76: {  	_ =	shalt  }
0x77: {  	_ =	shalt  }
0x78: {  	_ =	shalt  }
0x79: {  	_ =	shalt  }
0x7a: {  	_ =	shalt  }
0x7b: {  	_ =	shalt  }
0x7c: {  	_ =	shalt  }
0x7d: {  	_ =	shalt  }
0x7e: {  	_ =	shalt  }
0x7f: {  	_ =	shalt  }
0x80: {  	_ =	shalt  }
0x81: {  	_ =	shalt  }
0x82: {  	_ =	shalt  }
0x83: {  	_ =	shalt  }
0x84: {  	_ =	shalt  }
0x85: {  	_ =	shalt  }
0x86: {  	_ =	shalt  }
0x87: {  	_ =	shalt  }
.Lfunc_end0:
.L_simem_size_0:
called_computation_lowered:
.L_overlay_start_0:
0x88: {  	s2 =	sld [smem:$0x3FD9]  }
0x89: {  	s3 =	sld [smem:$0x3FFE];
	_ =	sdelay $0x1  }
0x8a: {  	s1 =	srdreg.scid  }
0x8b: {  	s0 =	sand.u32 $0x1, s1  }
0x8c: {  	s17 =	sshll.u32 s0, $0xA;
	s2 =	sadd.s32 s3, s2  }
0x8d: {  	s2 =	sadd.s32 s2, s17  }
0x8e: {  	[smem:$0x3FC6] =	sst s2  }
0x8f: {  	_ = 	snop  }
0x90: {  	s2 =	sld [smem:$0x3FD0];
	(tm) =	ssettm $0x1  }
0x91: {  	s18 =	sld [smem:$0x3FFB];
	_ =	sdelay $0x3  }
0x92: {  	_ =	strace s18  }
0x93: {  	s3 =	sld [smem:$0x3FFC];
	_ =	sdelay $0x3  }
0x94: {  	_ =	strace s3  }
0x95: {  	s3 =	sld [smem:$0x3FFD];
	_ =	sdelay $0x3  }
0x96: {  	_ =	strace s3  }
0x97: {  	_ =	strace $0x8FFFFFFF  }
0x98: {  	s19 =	sld [smem:$0x3FDB];
	_ =	sdelay $0x1  }
0x99: {  	s4 =	simm.s32 $_scs_section_size  }
0x9a: {  	s5 =	simm.s32 $_size__tile_overlayer_lowered;
	s6 =	simm.s32 $_tile_overlayer_lowered  }
0x9b: {  	s22 =	simm.s32 $0x1BFF;
	s21 =	sshll.u32 s6, $0x1;
	s3 =	sadd.s32 s4, s19  }
0x9c: {  	s7 =	simm.s32 $0x0;
	s20 =	sshll.u32 s5, $0x1;
	s5 =	sadd.s32 s21, s3  }
0x9d: {  	[timem:s7], [sflag:s22] =	dma.local [hbm:s5], s20  }
0x9e: {  	_ =	swait.ge [sflag:s22], s20  }
0x9f: {  	s4 =	ssub.s32 $0x0, s20;
	[sflag:s22] =	ssyncset.done $0x0  }
0xa0: {  	[sflag:s22] =	ssyncadd.s32 s4;
	_ =	sdelay $0x1  }
0xa1: {  	s23 =	simm.s32 $0x1B8B  }
0xa2: {  	_ =	swait.ge [sflag:s23], $0x1  }
0xa3: {  	[sflag:s23] =	ssyncset.done $0x0  }
0xa4: {  	s25 =	simm.s32 $0x1B8E;
	s24 =	sld [smem:$0x3FFE];
	[sflag:s23] =	ssyncadd.s32 $0xFFFFFFFF  }
0xa5: {  	s26 =	simm.s32 $execute0_lowered;
	[smem:$0x3FD2] =	sst s25  }
0xa6: {  	s5 =	sshll.u32 s26, $0x1;
	_ =	strace $0x80000046;
	[dreg:$0x1] =	wrdreg $0xFFFFFFFF  }
0xa7: {  	s28 =	simm.s32 $_size_execute0_lowered;
	s3 =	sadd.s32 s3, s5;
	[dreg:$0x0] =	wrdreg $0x0  }
0xa8: {  	s5 =	sshll.u32 s28, $0x1;
	[dreg:$0x2] =	wrdreg s3  }
0xa9: {  	[dreg:$0x3] =	wrdreg s5  }
0xaa: {  	[dreg:$0x4] =	wrdreg $0xC0  }
0xab: {  	_ =	task [dreg:s7], $0x5FFFF  }
0xac: {  	[dreg:$0x1] =	wrdreg $0xFFFFFFFF  }
0xad: {  	[dreg:$0x0] =	wrdreg $0x60  }
0xae: {  	[dreg:$0x2] =	wrdreg s24  }
0xaf: {  	[dreg:$0x3] =	wrdreg s2  }
0xb0: {  	[dreg:$0x4] =	wrdreg $0x9  }
0xb1: {  	_ =	task.clear_ibuf [dreg:s7], $0x5FFFF;
	_ =	strace $0x90000046  }
0xb2: {  	s29 =	simm.s32 $0x9;
	_ =	strace $0x80000048  }
0xb3: {  	_ =	swait.ge [sflag:s29], $0x1  }
0xb4: {  	[sflag:s29] =	ssyncadd.s32 $0xFFFFFFFF  }
0xb5: {  	_ =	strace $0x90000048  }
0xb6: {  	_ =	sfence  }
0xb7: {  	s30 =	sld [smem:$0x0];
	_ =	sdelay $0x2  }
0xb8: {  	s31 =	sshll.u32 s1, $0xD;
	s1 =	sshrl.u32 s1, $0x2  }
0xb9: {  	s3 =	sand.u32 $0x4000, s31;
	s1 =	sadd.s32 s1, s30  }
0xba: {  	s0 =	sor.u32 s3, s0;
	s1 =	sshll.u32 s1, $0x11  }
0xbb: {  	s0 =	sor.u32 s1, s0  }
0xbc: {  	s0 =	sadd.s32 $0x8F2B, s0  }
0xbd: {  	[sflag:s0] =	ssyncadd.remote.s32 $0x1  }
0xbe: {  	_ =	sfence.sel $0xFFFF  }
0xbf: {  	[dreg:$0x0] =	wrdreg $0xFFFFFFFF;
	(pc) =	sbr.abs _section_cstart, $3  }
0xc0: {  	[dreg:$0x1] =	wrdreg $0xFFFFFFFF  }
0xc1: {  	_ =	task.clear_ibuf [dreg:s7], $0x2FFFF;
	_ =	strace $0x9FFFFFFF  }
0xc2: {  	(tm) =	ssettm $0x7FFFFFFF  }
0xc3: {  	_ =	shalt  }
tec
execute0_lowered:
.L_overlay_start_1:
0x0: {  	(tag) =	ssettag $0x1  }
0x1: {  	v0 =	vimm.s32 $0xA0908070  }
0x2: {  	v1 =	vimm.s32 $0x201000F0;
	v3 =	vimm.s32 $0x60504030;
	vm0 =	vcmask $0x1F10  }
0x3: {  	v11 =	vimm.s32 $0x1000F0E0;
	v12 =	vimm.s32 $0x50403020;
	v13 =	vimm.s32 $0x80706050  }
0x4: {  	v14 =	vimm.s32 $0xC0B0A090;
	v16 =	vimm.s32 $0xF0E0D0;
	v17 =	vimm.s32 $0x40302010  }
0x5: {  	v18 =	vimm.s32 $0x70605040;
	v19 =	vimm.s32 $0xB0A09080;
	v20 =	vimm.s32 $0xF0E0D0C0  }
0x6: {  	v21 =	vimm.s32 $0x30201000;
	vm14 =	vcmask $0x300;
	vm13 =	vcmask $0x704  }
0x7: {  	vm12 =	vcmask $0xB08;
	vm11 =	vcmask $0xF0C;
	vm10 =	vcmask $0x1310  }
0x8: {  	vm9 =	vcmask $0x1714;
	vm8 =	vcmask $0x1B18;
	vm7 =	vcmask $0x1F1C  }
0x9: {  	vm6 =	vcmask $0x2320;
	vm5 =	vcmask $0x2724;
	vm4 =	vcmask $0x2B28  }
0xa: {  	vm3 =	vcmask $0x2F2C;
	vm2 =	vcmask $0x3330;
	vm1 =	vcmask $0x3734  }
0xb: {  	vm15 =	vcmask $0x3B38;
	v63 =	vimm.s32 $0x238E;
	v2 =	vunpack.c.0.s8.s32 v0  }
0xc: {  	v0 =	vimm.s32 $0xE0D0C0B0;
	v5 =	vunpack.c.0.s8.s32 v1;
	v3 =	vunpack.c.0.s8.s32 v3  }
0xd: {  	v1 =	vimm.s32 $0x90807060;
	v13 =	vunpack.c.0.s8.s32 v13;
	v14 =	vunpack.c.0.s8.s32 v14  }
0xe: {  	v16 =	vunpack.c.0.s8.s32 v16;
	v17 =	vunpack.c.0.s8.s32 v17;
	v18 =	vunpack.c.0.s8.s32 v18  }
0xf: {  	v19 =	vunpack.c.0.s8.s32 v19;
	v20 =	vunpack.c.0.s8.s32 v20;
	v21 =	vunpack.c.0.s8.s32 v21  }
0x10: {  	v4 =	vunpack.c.0.s8.s32 v0;
	v7 =	vunpack.c.0.s8.s32 v1;
	v1 =	vimm.s32 $0xD0C0B0A0  }
0x11: {  	v0 =	vlaneseq.u32;
	v9 =	vsel vm0, v3, v5;
	v10 =	vunpack.c.0.s8.s32 v1  }
0x12: {  	v23 =	vsel vm0, v14, v13;
	v24 =	vsel vm0, v17, v16;
	v26 =	vsel vm0, v19, v18  }
0x13: {  	v27 =	vsel vm0, v21, v20;
	v29 =	vsel vm0, v2, v3;
	v17 =	vsel vm0, v13, v17  }
0x14: {  	v14 =	vsel vm0, v16, v14;
	v8 =	vsel vm0, v4, v2;
	v25 =	vcombine.low v24, v23  }
0x15: {  	v28 =	vcombine.low v27, v26;
	v30 =	vsel vm0, v5, v4;
	v6 =	vcombine.low v9, v8  }
0x16: {  	v5 =	vcombine.low v30, v29;
	v9 =	vcombine.low v8, v9;
	v3 =	vand.u32 $0xFF, v25  }
0x17: {  	v4 =	vand.u32 $0xFF, v28;
	v25 =	vimm.s32 $0x2387;
	v28 =	vimm.s32 $0x238A  }
0x18: {  	v1 =	vand.u32 $0xFF, v6;
	v6 =	vunpack.c.0.s8.s32 v11;
	v11 =	vunpack.c.0.s8.s32 v12  }
0x19: {  	v12 =	vsel vm0, v10, v7;
	v5 =	vand.u32 $0xFF, v5;
	v25 =	vsel vm14, $0x8, v25  }
0x1a: {  	v9 =	vand.u32 $0xFF, v9;
	v28 =	vsel vm14, $0xB, v28;
	v25 =	vsel vm13, $0x89, v25  }
0x1b: {  	v28 =	vsel vm13, $0x8C, v28;
	v15 =	vsel vm0, v11, v6;
	v31 =	vsel vm0, v7, v11  }
0x1c: {  	v32 =	vsel vm0, v6, v10;
	v7 =	vcombine.low v14, v17;
	v10 =	vsel vm0, v18, v21  }
0x1d: {  	v11 =	vsel vm0, v20, v19;
	v17 =	vcombine.low v17, v14;
	v19 =	vimm.s32 $0x2381  }
0x1e: {  	v20 =	vimm.s32 $0x2382;
	v21 =	vimm.s32 $0x2383;
	v25 =	vsel vm12, $0x10A, v25  }
0x1f: {  	v28 =	vsel vm12, $0x10D, v28;
	v22 =	vcombine.low v15, v12;
	v6 =	vcombine.low v32, v31  }
0x20: {  	v10 =	vcombine.low v11, v10;
	v11 =	vimm.s32 $0x238F;
	v19 =	vsel vm14, $0x2, v19  }
0x21: {  	v20 =	vsel vm14, $0x3, v20;
	v21 =	vsel vm14, $0x4, v21;
	v25 =	vsel vm11, $0x18B, v25  }
0x22: {  	v28 =	vsel vm11, $0x18E, v28;
	v7 =	vand.u32 $0xFF, v7;
	v11 =	vsel vm14, $0x0, v11  }
0x23: {  	v19 =	vsel vm13, $0x83, v19;
	v20 =	vsel vm13, $0x84, v20;
	v21 =	vsel vm13, $0x85, v21  }
0x24: {  	v25 =	vsel vm10, $0x20C, v25;
	v28 =	vsel vm10, $0x20F, v28;
	v2 =	vand.u32 $0xFF, v22  }
0x25: {  	v8 =	vand.u32 $0xFF, v10;
	v10 =	vsel vm13, $0x81, v11;
	v11 =	vcombine.low v12, v15  }
0x26: {  	v6 =	vand.u32 $0xFF, v6;
	v12 =	vcombine.low v23, v24;
	v15 =	vcombine.low v29, v30  }
0x27: {  	v19 =	vsel vm12, $0x104, v19;
	v20 =	vsel vm12, $0x105, v20;
	v22 =	vimm.s32 $0x2384  }
0x28: {  	v23 =	vimm.s32 $0x2385;
	v21 =	vsel vm12, $0x106, v21;
	v24 =	vimm.s32 $0x2386  }
0x29: {  	v25 =	vsel vm9, $0x28D, v25;
	v29 =	vimm.s32 $0x238B;
	v28 =	vsel vm9, $0x280, v28  }
0x2a: {  	v30 =	vimm.s32 $0x238C;
	v10 =	vsel vm12, $0x102, v10;
	v19 =	vsel vm11, $0x185, v19  }
0x2b: {  	v20 =	vsel vm11, $0x186, v20;
	v22 =	vsel vm14, $0x5, v22;
	v23 =	vsel vm14, $0x6, v23  }
0x2c: {  	v21 =	vsel vm11, $0x187, v21;
	v24 =	vsel vm14, $0x7, v24;
	v25 =	vsel vm8, $0x30E, v25  }
0x2d: {  	v29 =	vsel vm14, $0xC, v29;
	v28 =	vsel vm8, $0x301, v28;
	v30 =	vsel vm14, $0xD, v30  }
0x2e: {  	v10 =	vsel vm11, $0x183, v10;
	v19 =	vsel vm10, $0x206, v19;
	v20 =	vsel vm10, $0x207, v20  }
0x2f: {  	v22 =	vsel vm13, $0x86, v22;
	v23 =	vsel vm13, $0x87, v23;
	v21 =	vsel vm10, $0x208, v21  }
0x30: {  	v24 =	vsel vm13, $0x88, v24;
	v25 =	vsel vm7, $0x38F, v25;
	v29 =	vsel vm13, $0x8D, v29  }
0x31: {  	v28 =	vsel vm7, $0x382, v28;
	v30 =	vsel vm13, $0x8E, v30;
	v13 =	vsel vm10, $0x204, v10  }
0x32: {  	v10 =	vand.u32 $0xFF, v11;
	v11 =	vand.u32 $0xFF, v12;
	v19 =	vsel vm9, $0x287, v19  }
0x33: {  	v20 =	vsel vm9, $0x288, v20;
	v22 =	vsel vm12, $0x107, v22;
	v23 =	vsel vm12, $0x108, v23  }
0x34: {  	v21 =	vsel vm9, $0x289, v21;
	v24 =	vsel vm12, $0x109, v24;
	v25 =	vsel vm6, $0x2000, v25  }
0x35: {  	v29 =	vsel vm12, $0x10E, v29;
	v28 =	vsel vm6, $0x2003, v28;
	v30 =	vsel vm12, $0x10F, v30  }
0x36: {  	v13 =	vsel vm9, $0x285, v13;
	v19 =	vsel vm8, $0x308, v19;
	v20 =	vsel vm8, $0x309, v20  }
0x37: {  	v22 =	vsel vm11, $0x188, v22;
	v23 =	vsel vm11, $0x189, v23;
	v21 =	vsel vm8, $0x30A, v21  }
0x38: {  	v24 =	vsel vm11, $0x18A, v24;
	v25 =	vsel vm5, $0x2081, v25;
	v29 =	vsel vm11, $0x18F, v29  }
0x39: {  	v28 =	vsel vm5, $0x2084, v28;
	v30 =	vsel vm11, $0x180, v30;
	v12 =	vsel vm8, $0x306, v13  }
0x3a: {  	v13 =	vcombine.low v26, v27;
	v19 =	vsel vm7, $0x389, v19;
	v20 =	vsel vm7, $0x38A, v20  }
0x3b: {  	v22 =	vsel vm10, $0x209, v22;
	v23 =	vsel vm10, $0x20A, v23;
	v21 =	vsel vm7, $0x38B, v21  }
0x3c: {  	v26 =	vimm.s32 $0x2388;
	v24 =	vsel vm10, $0x20B, v24;
	v25 =	vsel vm4, $0x2102, v25  }
0x3d: {  	v27 =	vimm.s32 $0x2389;
	v29 =	vsel vm10, $0x200, v29;
	v28 =	vsel vm4, $0x2105, v28  }
0x3e: {  	v30 =	vsel vm10, $0x201, v30;
	v12 =	vsel vm7, $0x387, v12;
	v19 =	vsel vm6, $0x200A, v19  }
0x3f: {  	v20 =	vsel vm6, $0x200B, v20;
	v22 =	vsel vm9, $0x28A, v22;
	v23 =	vsel vm9, $0x28B, v23  }
0x40: {  	v21 =	vsel vm6, $0x200C, v21;
	v26 =	vsel vm14, $0x9, v26;
	v24 =	vsel vm9, $0x28C, v24  }
0x41: {  	v25 =	vsel vm3, $0x2183, v25;
	v27 =	vsel vm14, $0xA, v27;
	v29 =	vsel vm9, $0x281, v29  }
0x42: {  	v28 =	vsel vm3, $0x2186, v28;
	v30 =	vsel vm9, $0x282, v30;
	v16 =	vsel vm6, $0x2008, v12  }
0x43: {  	v12 =	vand.u32 $0xFF, v13;
	v13 =	vand.u32 $0xFF, v15;
	v19 =	vsel vm5, $0x208B, v19  }
0x44: {  	v20 =	vsel vm5, $0x208C, v20;
	v22 =	vsel vm8, $0x30B, v22;
	v23 =	vsel vm8, $0x30C, v23  }
0x45: {  	v21 =	vsel vm5, $0x208D, v21;
	v26 =	vsel vm13, $0x8A, v26;
	v24 =	vsel vm8, $0x30D, v24  }
0x46: {  	v25 =	vsel vm2, $0x2204, v25;
	v27 =	vsel vm13, $0x8B, v27;
	v29 =	vsel vm8, $0x302, v29  }
0x47: {  	v28 =	vsel vm2, $0x2207, v28;
	v30 =	vsel vm8, $0x303, v30;
	v16 =	vsel vm5, $0x2089, v16  }
0x48: {  	v19 =	vsel vm4, $0x210C, v19;
	v20 =	vsel vm4, $0x210D, v20;
	v22 =	vsel vm7, $0x38C, v22  }
0x49: {  	v23 =	vsel vm7, $0x38D, v23;
	v21 =	vsel vm4, $0x210E, v21;
	v26 =	vsel vm12, $0x10B, v26  }
0x4a: {  	v24 =	vsel vm7, $0x38E, v24;
	v25 =	vsel vm1, $0x2285, v25;
	v27 =	vsel vm12, $0x10C, v27  }
0x4b: {  	v29 =	vsel vm7, $0x383, v29;
	v28 =	vsel vm1, $0x2288, v28;
	v30 =	vsel vm7, $0x384, v30  }
0x4c: {  	v15 =	vsel vm4, $0x210A, v16;
	v16 =	vcombine.low v31, v32;
	v19 =	vsel vm3, $0x218D, v19  }
0x4d: {  	v20 =	vsel vm3, $0x218E, v20;
	v22 =	vsel vm6, $0x200D, v22;
	v23 =	vsel vm6, $0x200E, v23  }
0x4e: {  	v21 =	vsel vm3, $0x218F, v21;
	v26 =	vsel vm11, $0x18C, v26;
	v24 =	vsel vm6, $0x200F, v24  }
0x4f: {  	v25 =	vsel vm15, $0x2306, v25;
	v27 =	vsel vm11, $0x18D, v27;
	v29 =	vsel vm6, $0x2004, v29  }
0x50: {  	v28 =	vsel vm15, $0x2309, v28;
	v31 =	vimm.s32 $0x238D;
	v32 =	vsel vm14, $0xF, v63  }
0x51: {  	v30 =	vsel vm6, $0x2005, v30;
	v15 =	vsel vm3, $0x218B, v15;
	v19 =	vsel vm2, $0x220E, v19  }
0x52: {  	v20 =	vsel vm2, $0x220F, v20;
	v22 =	vsel vm5, $0x208E, v22;
	v23 =	vsel vm5, $0x208F, v23  }
0x53: {  	v21 =	vsel vm2, $0x2200, v21;
	v26 =	vsel vm10, $0x20D, v26;
	v24 =	vsel vm5, $0x2080, v24  }
0x54: {  	v27 =	vsel vm10, $0x20E, v27;
	v29 =	vsel vm5, $0x2085, v29;
	v31 =	vsel vm14, $0xE, v31  }
0x55: {  	v32 =	vsel vm13, $0x80, v32;
	v30 =	vsel vm5, $0x2086, v30;
	v15 =	vsel vm2, $0x220C, v15  }
0x56: {  	v14 =	vand.u32 $0xFF, v16;
	v16 =	vmul.u32 $0x10, v0;
	v19 =	vsel vm1, $0x228F, v19  }
0x57: {  	v20 =	vsel vm1, $0x2280, v20;
	v22 =	vsel vm4, $0x210F, v22;
	v23 =	vsel vm4, $0x2100, v23  }
0x58: {  	v21 =	vsel vm1, $0x2281, v21;
	v26 =	vsel vm9, $0x28E, v26;
	v24 =	vsel vm4, $0x2101, v24  }
0x59: {  	v27 =	vsel vm9, $0x28F, v27;
	v29 =	vsel vm4, $0x2106, v29;
	v31 =	vsel vm13, $0x8F, v31  }
0x5a: {  	v32 =	vsel vm12, $0x101, v32;
	v30 =	vsel vm4, $0x2107, v30;
	v18 =	vsel vm1, $0x228D, v15  }
0x5b: {  	v15 =	vand.u32 $0xFF, v17;
	v19 =	vsel vm15, $0x2300, v19;
	v20 =	vsel vm15, $0x2301, v20  }
0x5c: {  	v22 =	vsel vm3, $0x2180, v22;
	v23 =	vsel vm3, $0x2181, v23;
	v21 =	vsel vm15, $0x2302, v21  }
0x5d: {  	v26 =	vsel vm8, $0x30F, v26;
	v24 =	vsel vm3, $0x2182, v24;
	v27 =	vsel vm8, $0x300, v27  }
0x5e: {  	v29 =	vsel vm3, $0x2187, v29;
	v31 =	vsel vm12, $0x100, v31;
	v32 =	vsel vm11, $0x182, v32  }
0x5f: {  	v30 =	vsel vm3, $0x2188, v30;
	v17 =	vsel vm15, $0x230E, v18;
	v18 =	vimm.s32 $0x2380  }
0x60: {  	v22 =	vsel vm2, $0x2201, v22;
	v23 =	vsel vm2, $0x2202, v23;
	v26 =	vsel vm7, $0x380, v26  }
0x61: {  	v24 =	vsel vm2, $0x2203, v24;
	v27 =	vsel vm7, $0x381, v27;
	v29 =	vsel vm2, $0x2208, v29  }
0x62: {  	v31 =	vsel vm11, $0x181, v31;
	v32 =	vsel vm10, $0x203, v32;
	v30 =	vsel vm2, $0x2209, v30  }
0x63: {  	v18 =	vsel vm14, $0x1, v18;
	v22 =	vsel vm1, $0x2282, v22;
	v23 =	vsel vm1, $0x2283, v23  }
0x64: {  	v26 =	vsel vm6, $0x2001, v26;
	v24 =	vsel vm1, $0x2284, v24;
	v27 =	vsel vm6, $0x2002, v27  }
0x65: {  	v29 =	vsel vm1, $0x2289, v29;
	v31 =	vsel vm10, $0x202, v31;
	v32 =	vsel vm9, $0x284, v32  }
0x66: {  	v30 =	vsel vm1, $0x228A, v30;
	v18 =	vsel vm13, $0x82, v18;
	v22 =	vsel vm15, $0x2303, v22  }
0x67: {  	s0 =	srdreg.scid;
	v23 =	vsel vm15, $0x2304, v23;
	v26 =	vsel vm5, $0x2082, v26;
	v24 =	vsel vm15, $0x2305, v24  }
0x68: {  	s1 =	stileid.u32;
	s7 =	rddreg [dreg:$0x0];
	v27 =	vsel vm5, $0x2083, v27;
	v29 =	vsel vm15, $0x230A, v29;
	v31 =	vsel vm9, $0x283, v31  }
0x69: {  	s2 =	rddreg [dreg:$0x1];
	s3 =	simm.s32 $0x0;
	s13 =	simm.s32 $0x400;
	v32 =	vsel vm8, $0x305, v32;
	v30 =	vsel vm15, $0x230B, v30;
	v18 =	vsel vm12, $0x103, v18  }
0x6a: {  	s14 =	simm.s32 $0x1;
	s15 =	simm.s32 $0x800;
	s16 =	simm.s32 $0x3;
	v26 =	vsel vm4, $0x2103, v26;
	v27 =	vsel vm4, $0x2104, v27;
	v31 =	vsel vm8, $0x304, v31  }
0x6b: {  	s17 =	simm.s32 $0x2;
	s18 =	simm.s32 $0x4800;
	s19 =	simm.s32 $0x8800;
	v32 =	vsel vm7, $0x386, v32;
	v18 =	vsel vm11, $0x184, v18;
	v26 =	vsel vm3, $0x2184, v26  }
0x6c: {  	s20 =	simm.s32 $0xA800;
	s21 =	simm.s32 $0x4;
	s22 =	simm.s32 $0xC800;
	v27 =	vsel vm3, $0x2185, v27;
	v31 =	vsel vm7, $0x385, v31;
	v18 =	vsel vm10, $0x205, v18  }
0x6d: {  	s23 =	simm.s32 $0xE800;
	s0 =	sand.u32 $0x1, s0;
	s1 =	sshll.u32 s1, $0x1;
	v32 =	vsel vm6, $0x2007, v32;
	v26 =	vsel vm2, $0x2205, v26;
	v18 =	vsel vm9, $0x286, v18  }
0x6e: {  	s24 =	simm.s32 $0x5;
	s25 =	simm.s32 $0x6;
	s1 =	sor.u32 s0, s1;
	v27 =	vsel vm2, $0x2206, v27;
	v31 =	vsel vm6, $0x2006, v31;
	v18 =	vsel vm8, $0x307, v18  }
0x6f: {  	s26 =	simm.s32 $0x0;
	[smem:$0x7FF] =	sst s3;
	s4 =	smul.u32 $0x19000, s1;
	v32 =	vsel vm5, $0x2088, v32;
	v26 =	vsel vm1, $0x2286, v26;
	v18 =	vsel vm7, $0x388, v18  }
0x70: {  	s10 =	sadd.s32 $0x4000, s2;
	s0 =	ssub.s32 $0x2, s0;
	s5 =	sshll.u32 s1, $0xC;
	v27 =	vsel vm1, $0x2287, v27;
	v31 =	vsel vm5, $0x2087, v31;
	v18 =	vsel vm6, $0x2009, v18  }
0x71: {  	s8 =	sshrl.u32 s0, $0x1;
	s5 =	sand.u32 $0x3000, s5;
	s4 =	sand.u32 $0x3FC000, s4;
	v32 =	vsel vm4, $0x2109, v32;
	v26 =	vsel vm15, $0x2307, v26;
	v18 =	vsel vm5, $0x208A, v18  }
0x72: {  	_ =	strace $0x80000047;
	s0 =	ssub.s32 s0, s8;
	s5 =	sor.u32 s5, s4;
	v27 =	vsel vm15, $0x2308, v27;
	v31 =	vsel vm4, $0x2108, v31;
	v18 =	vsel vm4, $0x210B, v18  }
0x73: {  	s0 =	smax.u32 s0, $0x1;
	s4 =	sadd.s32 $0x600, s7;
	s6 =	sshrl.u32 s5, $0x3;
	v32 =	vsel vm3, $0x218A, v32;
	v31 =	vsel vm3, $0x2189, v31;
	v18 =	vsel vm3, $0x218C, v18  }
0x74: {  	[dreg:$0x5] =	wrdreg s0;
	s5 =	smul.u32 $0x64, s1;
	s31 =	sadd.s32 s4, s6;
	v32 =	vsel vm2, $0x220B, v32;
	v31 =	vsel vm2, $0x220A, v31;
	v18 =	vsel vm2, $0x220D, v18  }
0x75: {  	s7 =	sadd.s32 $0xF42A00, s7;
	[dreg:$0x3] =	wrdreg s31;
	s1 =	sadd.s32 $0x80, s31;
	v32 =	vsel vm1, $0x228C, v32;
	v31 =	vsel vm1, $0x228B, v31;
	v18 =	vsel vm1, $0x228E, v18  }
0x76: {  	s9 =	sor.u32 $0x2, s5;
	s11 =	sor.u32 $0x3, s5;
	[dreg:$0x4] =	wrdreg s1;
	v32 =	vsel vm15, $0x230D, v32;
	v31 =	vsel vm15, $0x230C, v31;
	v18 =	vsel vm15, $0x230F, v18  }
.LBB2_1:
0x77: {  	s0 =	rddreg [dreg:$0x3]  }
0x78: {  	[tilespmem:s3], [sflag:$0x1] =	stream.linear.gather [hbm4b:s0+s3], $0x400, $0x38;
	[tilespmem:$0x10800] =	vst v63  }
0x79: {  	s31 =	rddreg [dreg:$0x4]  }
0x7a: {  	[tilespmem:s13], [sflag:$0x2] =	stream.linear.gather [hbm4b:s31+s3], $0x400, $0x38;
	[tilespmem:$0x10800] =	vst v63  }
0x7b: {  	_ =	swait.ge [sflag:s14], $0x400  }
0x7c: {  	[sflag:s14] =	ssyncset.done $0x0  }
0x7d: {  	s28 =	simm.s32 $0x0;
	[sflag:s14] =	ssyncadd.s32 $0xFFFFFC00  }
0x7e: {  	[tilespmem:s15], [sflag:$0x3] =	stream.indirect.gather [hbm4b:s7+s13], $0x10, s3, s13, $0xb8;
	[tilespmem:$0x10800] =	vst v63  }
.LBB2_2:
0x7f: {  	s30 =	sshll.u32 s28, $0x1;
	p0 =	seq.s32 s28, $0x31  }
0x80: {  	s0 =	sadd.s32 @!p0 s30, s9  }
0x81: {  	_ =	swait.ge [sflag:s16], $0x4000;
	s0 =	sshll.u32 @!p0 s0, $0x7  }
0x82: {  	[sflag:s16] =	ssyncset.done $0x0;
	s0 =	sand.u32 @!p0 $0xFFFFF00, s0  }
0x83: {  	s1 =	simm.s32 @!p0 $0x0;
	[sflag:s16] =	ssyncadd.s32 $0xFFFFC000;
	s0 =	sadd.s32 @!p0 s4, s0  }
0x84: {  	[tilespmem:s1], [sflag:$0x1] =	stream.linear.gather @!p0 [hbm4b:s0+s1], $0x400, $0x38;
	[tilespmem:$0x10800] =	vst v63  }
0x85: {  	_ =	swait.ge [sflag:s17], $0x400  }
0x86: {  	s12 =	simm.s32 $0x0;
	p1 =	seq.s32 s28, $0x0;
	[sflag:s17] =	ssyncset.done $0x0  }
0x87: {  	v33 =	vmov s12;
	s1 =	simm.s32 @!p1 $0x5;
	[sflag:s17] =	ssyncadd.s32 $0xFFFFFC00  }
0x88: {  	v33 =	vshll.u32 v33, $0x4;
	[tilespmem:s18], [sflag:$0x4] =	stream.indirect.gather [hbm4b:s7+s13], $0x10, s13, s13, $0xb8;
	[tilespmem:$0x10800] =	vst v63  }
0x89: {  	v34 =	vor.u32 v16, v33;
	_ =	swait.ge @!p1 [sflag:s1], $0x2000  }
0x8a: {  	v34 =	vor.u32 v0, v34;
	[sflag:s1] =	ssyncset.done @!p1 $0x0  }
0x8b: {  	[sflag:s1] =	ssyncadd.s32 @!p1 $0xFFFFE000  }
0x8c: {  	_ =	swait.ge @!p1 [sflag:s1], $0x2000  }
0x8d: {  	s8 =	sand.u32 $0x70, s12;
	s0 =	sand.u32 $0x1C00, s12;
	[sflag:s1] =	ssyncset.done @!p1 $0x0  }
0x8e: {  	[sflag:s1] =	ssyncadd.s32 @!p1 $0xFFFFE000;
	s1 =	sor.u32 s8, s0  }
0x8f: {  	v36 =	vor.u32 v15, v33;
	v34 =	vld.idx.msk [tilespmem:v34+s15+$0x0], $0xffff;
	v35 =	vor.u32 s1, v17  }
0x90: {  	v36 =	vor.u32 v0, v36;
	_ =	sdelay $0x3  }
0x91: {  	[tilespmem:v35+s19+$0x0] =	vst.idx.msk $0xffff, v34  }
0x92: {  	v62 =	vor.u32 v14, v33;
	v61 =	vor.u32 s1, v18;
	v34 =	vld.idx.msk [tilespmem:v36+s15+$0x0], $0xffff  }
0x93: {  	v36 =	vor.u32 v0, v62;
	_ =	sdelay $0x3  }
0x94: {  	[tilespmem:v61+s19+$0x0] =	vst.idx.msk $0xffff, v34  }
0x95: {  	v40 =	vor.u32 v13, v33;
	v63 =	vor.u32 s1, v19;
	v34 =	vld.idx.msk [tilespmem:v36+s15+$0x0], $0xffff  }
0x96: {  	v36 =	vor.u32 v0, v40;
	_ =	sdelay $0x3  }
0x97: {  	[tilespmem:v63+s19+$0x0] =	vst.idx.msk $0xffff, v34  }
0x98: {  	v42 =	vor.u32 v12, v33;
	v41 =	vor.u32 s1, v20;
	v34 =	vld.idx.msk [tilespmem:v36+s15+$0x0], $0xffff  }
0x99: {  	v36 =	vor.u32 v0, v42;
	_ =	sdelay $0x3  }
0x9a: {  	[tilespmem:v41+s19+$0x0] =	vst.idx.msk $0xffff, v34  }
0x9b: {  	v44 =	vor.u32 v11, v33;
	v43 =	vor.u32 s1, v21;
	v34 =	vld.idx.msk [tilespmem:v36+s15+$0x0], $0xffff  }
0x9c: {  	v36 =	vor.u32 v0, v44;
	_ =	sdelay $0x3  }
0x9d: {  	[tilespmem:v43+s19+$0x0] =	vst.idx.msk $0xffff, v34  }
0x9e: {  	v46 =	vor.u32 v10, v33;
	v45 =	vor.u32 s1, v22;
	v34 =	vld.idx.msk [tilespmem:v36+s15+$0x0], $0xffff  }
0x9f: {  	v36 =	vor.u32 v0, v46;
	_ =	sdelay $0x3  }
0xa0: {  	[tilespmem:v45+s19+$0x0] =	vst.idx.msk $0xffff, v34  }
0xa1: {  	v48 =	vor.u32 v9, v33;
	v47 =	vor.u32 s1, v23;
	v34 =	vld.idx.msk [tilespmem:v36+s15+$0x0], $0xffff  }
0xa2: {  	v36 =	vor.u32 v0, v48;
	_ =	sdelay $0x3  }
0xa3: {  	[tilespmem:v47+s19+$0x0] =	vst.idx.msk $0xffff, v34  }
0xa4: {  	v50 =	vor.u32 v8, v33;
	v49 =	vor.u32 s1, v24;
	v34 =	vld.idx.msk [tilespmem:v36+s15+$0x0], $0xffff  }
0xa5: {  	v36 =	vor.u32 v0, v50;
	_ =	sdelay $0x3  }
0xa6: {  	[tilespmem:v49+s19+$0x0] =	vst.idx.msk $0xffff, v34  }
0xa7: {  	v52 =	vor.u32 v7, v33;
	v51 =	vor.u32 s1, v25;
	v34 =	vld.idx.msk [tilespmem:v36+s15+$0x0], $0xffff  }
0xa8: {  	v36 =	vor.u32 v0, v52;
	_ =	sdelay $0x3  }
0xa9: {  	[tilespmem:v51+s19+$0x0] =	vst.idx.msk $0xffff, v34  }
0xaa: {  	v54 =	vor.u32 v6, v33;
	v53 =	vor.u32 s1, v26;
	v34 =	vld.idx.msk [tilespmem:v36+s15+$0x0], $0xffff  }
0xab: {  	v36 =	vor.u32 v0, v54;
	_ =	sdelay $0x3  }
0xac: {  	[tilespmem:v53+s19+$0x0] =	vst.idx.msk $0xffff, v34  }
0xad: {  	v56 =	vor.u32 v5, v33;
	v55 =	vor.u32 s1, v27;
	v34 =	vld.idx.msk [tilespmem:v36+s15+$0x0], $0xffff  }
0xae: {  	v36 =	vor.u32 v0, v56;
	_ =	sdelay $0x3  }
0xaf: {  	[tilespmem:v55+s19+$0x0] =	vst.idx.msk $0xffff, v34  }
0xb0: {  	v58 =	vor.u32 v4, v33;
	v57 =	vor.u32 s1, v28;
	v34 =	vld.idx.msk [tilespmem:v36+s15+$0x0], $0xffff  }
0xb1: {  	v36 =	vor.u32 v0, v58;
	_ =	sdelay $0x3  }
0xb2: {  	[tilespmem:v57+s19+$0x0] =	vst.idx.msk $0xffff, v34  }
0xb3: {  	v60 =	vor.u32 v3, v33;
	v59 =	vor.u32 s1, v29;
	v34 =	vld.idx.msk [tilespmem:v36+s15+$0x0], $0xffff  }
0xb4: {  	v36 =	vor.u32 v0, v60;
	_ =	sdelay $0x3  }
0xb5: {  	[tilespmem:v59+s19+$0x0] =	vst.idx.msk $0xffff, v34  }
0xb6: {  	v62 =	vor.u32 v2, v33;
	v61 =	vor.u32 s1, v30;
	v34 =	vld.idx.msk [tilespmem:v36+s15+$0x0], $0xffff  }
0xb7: {  	v36 =	vor.u32 v0, v62;
	_ =	sdelay $0x3  }
0xb8: {  	[tilespmem:v61+s19+$0x0] =	vst.idx.msk $0xffff, v34  }
0xb9: {  	v33 =	vor.u32 v1, v33;
	v63 =	vor.u32 s1, v31;
	v35 =	vld.idx.msk [tilespmem:v36+s15+$0x0], $0xffff  }
0xba: {  	v34 =	vor.u32 v0, v33;
	_ =	sdelay $0x2  }
0xbb: {  	s31 =	sadd.s32 s5, s30;
	s0 =	simm.s32 $0x10  }
0xbc: {  	s29 =	sor.u32 $0x1, s30;
	s12 =	simm.s32 $0x100;
	s8 =	simm.s32 $0x80;
	v33 =	vmov s0;
	[tilespmem:v63+s19+$0x0] =	vst.idx.msk $0xffff, v35  }
.LBB2_3:
0xbd: {  	p1 =	sne.s32 s12, $0x1F80;
	v33 =	vshll.u32 v33, $0x4;
	v34 =	vld.idx.msk [tilespmem:v34+s15+$0x0], $0xffff  }
0xbe: {  	v36 =	vor.u32 s1, v32;
	v35 =	vor.u32 v16, v33  }
0xbf: {  	v35 =	vor.u32 v0, v35;
	_ =	sdelay $0x3  }
0xc0: {  	s1 =	sand.u32 $0x70, s0;
	s6 =	sand.u32 $0x1C00, s8;
	s8 =	smov.u32 s12;
	[tilespmem:v36+s19+$0x0] =	vst.idx.msk $0xffff, v34  }
0xc1: {  	s1 =	sor.u32 s1, s6;
	v34 =	vld.idx.msk [tilespmem:v35+s15+$0x0], $0xffff  }
0xc2: {  	v36 =	vor.u32 v15, v33;
	v35 =	vor.u32 s1, v17  }
0xc3: {  	v36 =	vor.u32 v0, v36;
	_ =	sdelay $0x3  }
0xc4: {  	[tilespmem:v35+s19+$0x0] =	vst.idx.msk $0xffff, v34  }
0xc5: {  	v34 =	vld.idx.msk [tilespmem:v36+s15+$0x0], $0xffff  }
0xc6: {  	v35 =	vor.u32 s1, v18;
	v36 =	vor.u32 v14, v33  }
0xc7: {  	v36 =	vor.u32 v0, v36;
	_ =	sdelay $0x3  }
0xc8: {  	[tilespmem:v35+s19+$0x0] =	vst.idx.msk $0xffff, v34  }
0xc9: {  	v34 =	vld.idx.msk [tilespmem:v36+s15+$0x0], $0xffff  }
0xca: {  	v35 =	vor.u32 s1, v19;
	v36 =	vor.u32 v13, v33  }
0xcb: {  	v36 =	vor.u32 v0, v36;
	_ =	sdelay $0x3  }
0xcc: {  	[tilespmem:v35+s19+$0x0] =	vst.idx.msk $0xffff, v34  }
0xcd: {  	v34 =	vld.idx.msk [tilespmem:v36+s15+$0x0], $0xffff  }
0xce: {  	v35 =	vor.u32 s1, v20;
	v36 =	vor.u32 v12, v33  }
0xcf: {  	v36 =	vor.u32 v0, v36;
	_ =	sdelay $0x3  }
0xd0: {  	[tilespmem:v35+s19+$0x0] =	vst.idx.msk $0xffff, v34  }
0xd1: {  	v34 =	vld.idx.msk [tilespmem:v36+s15+$0x0], $0xffff  }
0xd2: {  	v35 =	vor.u32 s1, v21;
	v36 =	vor.u32 v11, v33  }
0xd3: {  	v36 =	vor.u32 v0, v36;
	_ =	sdelay $0x3  }
0xd4: {  	[tilespmem:v35+s19+$0x0] =	vst.idx.msk $0xffff, v34  }
0xd5: {  	v34 =	vld.idx.msk [tilespmem:v36+s15+$0x0], $0xffff  }
0xd6: {  	v35 =	vor.u32 s1, v22;
	v36 =	vor.u32 v10, v33  }
0xd7: {  	v36 =	vor.u32 v0, v36;
	_ =	sdelay $0x3  }
0xd8: {  	[tilespmem:v35+s19+$0x0] =	vst.idx.msk $0xffff, v34  }
0xd9: {  	v34 =	vld.idx.msk [tilespmem:v36+s15+$0x0], $0xffff  }
0xda: {  	v35 =	vor.u32 s1, v23;
	v36 =	vor.u32 v9, v33  }
0xdb: {  	v36 =	vor.u32 v0, v36;
	_ =	sdelay $0x3  }
0xdc: {  	[tilespmem:v35+s19+$0x0] =	vst.idx.msk $0xffff, v34  }
0xdd: {  	v34 =	vld.idx.msk [tilespmem:v36+s15+$0x0], $0xffff  }
0xde: {  	v35 =	vor.u32 s1, v24;
	v36 =	vor.u32 v8, v33  }
0xdf: {  	v36 =	vor.u32 v0, v36;
	_ =	sdelay $0x3  }
0xe0: {  	[tilespmem:v35+s19+$0x0] =	vst.idx.msk $0xffff, v34  }
0xe1: {  	v34 =	vld.idx.msk [tilespmem:v36+s15+$0x0], $0xffff  }
0xe2: {  	v35 =	vor.u32 s1, v25;
	v36 =	vor.u32 v7, v33  }
0xe3: {  	v36 =	vor.u32 v0, v36;
	_ =	sdelay $0x3  }
0xe4: {  	[tilespmem:v35+s19+$0x0] =	vst.idx.msk $0xffff, v34  }
0xe5: {  	v34 =	vld.idx.msk [tilespmem:v36+s15+$0x0], $0xffff  }
0xe6: {  	v35 =	vor.u32 s1, v26;
	v36 =	vor.u32 v6, v33  }
0xe7: {  	v36 =	vor.u32 v0, v36;
	_ =	sdelay $0x3  }
0xe8: {  	[tilespmem:v35+s19+$0x0] =	vst.idx.msk $0xffff, v34  }
0xe9: {  	v34 =	vld.idx.msk [tilespmem:v36+s15+$0x0], $0xffff  }
0xea: {  	v35 =	vor.u32 s1, v27;
	v36 =	vor.u32 v5, v33  }
0xeb: {  	v36 =	vor.u32 v0, v36;
	_ =	sdelay $0x3  }
0xec: {  	[tilespmem:v35+s19+$0x0] =	vst.idx.msk $0xffff, v34  }
0xed: {  	v34 =	vld.idx.msk [tilespmem:v36+s15+$0x0], $0xffff  }
0xee: {  	v35 =	vor.u32 s1, v28;
	v36 =	vor.u32 v4, v33  }
0xef: {  	v36 =	vor.u32 v0, v36;
	_ =	sdelay $0x3  }
0xf0: {  	[tilespmem:v35+s19+$0x0] =	vst.idx.msk $0xffff, v34  }
0xf1: {  	v34 =	vld.idx.msk [tilespmem:v36+s15+$0x0], $0xffff  }
0xf2: {  	v35 =	vor.u32 s1, v29;
	v36 =	vor.u32 v3, v33  }
0xf3: {  	v36 =	vor.u32 v0, v36;
	_ =	sdelay $0x3  }
0xf4: {  	[tilespmem:v35+s19+$0x0] =	vst.idx.msk $0xffff, v34  }
0xf5: {  	v34 =	vld.idx.msk [tilespmem:v36+s15+$0x0], $0xffff  }
0xf6: {  	v35 =	vor.u32 s1, v30;
	v36 =	vor.u32 v2, v33  }
0xf7: {  	v36 =	vor.u32 v0, v36;
	_ =	sdelay $0x3  }
0xf8: {  	[tilespmem:v35+s19+$0x0] =	vst.idx.msk $0xffff, v34  }
0xf9: {  	v35 =	vld.idx.msk [tilespmem:v36+s15+$0x0], $0xffff  }
0xfa: {  	v33 =	vor.u32 v1, v33;
	v36 =	vor.u32 s1, v31  }
.Ltmp0:
0xfb: {  	v34 =	vor.u32 v0, v33;
	(pc) =	sbr.rel @p1 .LBB2_3-.Ltmp0, $3  }
0xfc: {  	_ =	sdelay $0x1  }
0xfd: {  	s0 =	sadd.s32 $0x10, s0  }
0xfe: {  	s12 =	sadd.s32 $0x80, s12;
	v33 =	vmov s0;
	[tilespmem:v36+s19+$0x0] =	vst.idx.msk $0xffff, v35  }
0xff: {  	_ =	sdelay $0x2  }
0x100: {  	v33 =	vshll.u32 v33, $0x4  }
0x101: {  	v34 =	vld.idx.msk [tilespmem:v34+s15+$0x0], $0xffff;
	v36 =	vor.u32 s1, v32;
	v35 =	vor.u32 v16, v33  }
0x102: {  	v35 =	vor.u32 v0, v35;
	_ =	sdelay $0x2  }
0x103: {  	s0 =	sand.u32 $0x70, s0;
	s6 =	sand.u32 $0x1C00, s8  }
0x104: {  	s0 =	sor.u32 s0, s6;
	[tilespmem:v36+s19+$0x0] =	vst.idx.msk $0xffff, v34  }
0x105: {  	v52 =	vor.u32 v15, v33;
	v51 =	vor.u32 s0, v17;
	v34 =	vld.idx.msk [tilespmem:v35+s15+$0x0], $0xffff  }
0x106: {  	v36 =	vor.u32 v0, v52;
	_ =	sdelay $0x3  }
0x107: {  	[tilespmem:v51+s19+$0x0] =	vst.idx.msk $0xffff, v34  }
0x108: {  	v54 =	vor.u32 v14, v33;
	v53 =	vor.u32 s0, v18;
	v34 =	vld.idx.msk [tilespmem:v36+s15+$0x0], $0xffff  }
0x109: {  	v36 =	vor.u32 v0, v54;
	_ =	sdelay $0x3  }
0x10a: {  	[tilespmem:v53+s19+$0x0] =	vst.idx.msk $0xffff, v34  }
0x10b: {  	v56 =	vor.u32 v13, v33;
	v55 =	vor.u32 s0, v19;
	v34 =	vld.idx.msk [tilespmem:v36+s15+$0x0], $0xffff  }
0x10c: {  	v36 =	vor.u32 v0, v56;
	_ =	sdelay $0x3  }
0x10d: {  	[tilespmem:v55+s19+$0x0] =	vst.idx.msk $0xffff, v34  }
0x10e: {  	v58 =	vor.u32 v12, v33;
	v57 =	vor.u32 s0, v20;
	v34 =	vld.idx.msk [tilespmem:v36+s15+$0x0], $0xffff  }
0x10f: {  	v36 =	vor.u32 v0, v58;
	_ =	sdelay $0x3  }
0x110: {  	[tilespmem:v57+s19+$0x0] =	vst.idx.msk $0xffff, v34  }
0x111: {  	v60 =	vor.u32 v11, v33;
	v59 =	vor.u32 s0, v21;
	v34 =	vld.idx.msk [tilespmem:v36+s15+$0x0], $0xffff  }
0x112: {  	v36 =	vor.u32 v0, v60;
	_ =	sdelay $0x3  }
0x113: {  	[tilespmem:v59+s19+$0x0] =	vst.idx.msk $0xffff, v34  }
0x114: {  	v62 =	vor.u32 v10, v33;
	v61 =	vor.u32 s0, v22;
	v34 =	vld.idx.msk [tilespmem:v36+s15+$0x0], $0xffff  }
0x115: {  	v36 =	vor.u32 v0, v62;
	_ =	sdelay $0x3  }
0x116: {  	[tilespmem:v61+s19+$0x0] =	vst.idx.msk $0xffff, v34  }
0x117: {  	v40 =	vor.u32 v9, v33;
	v63 =	vor.u32 s0, v23;
	v34 =	vld.idx.msk [tilespmem:v36+s15+$0x0], $0xffff  }
0x118: {  	v36 =	vor.u32 v0, v40;
	_ =	sdelay $0x3  }
0x119: {  	[tilespmem:v63+s19+$0x0] =	vst.idx.msk $0xffff, v34  }
0x11a: {  	v42 =	vor.u32 v8, v33;
	v41 =	vor.u32 s0, v24;
	v34 =	vld.idx.msk [tilespmem:v36+s15+$0x0], $0xffff  }
0x11b: {  	v36 =	vor.u32 v0, v42;
	_ =	sdelay $0x3  }
0x11c: {  	[tilespmem:v41+s19+$0x0] =	vst.idx.msk $0xffff, v34  }
0x11d: {  	v44 =	vor.u32 v7, v33;
	v43 =	vor.u32 s0, v25;
	v34 =	vld.idx.msk [tilespmem:v36+s15+$0x0], $0xffff  }
0x11e: {  	v36 =	vor.u32 v0, v44;
	_ =	sdelay $0x3  }
0x11f: {  	[tilespmem:v43+s19+$0x0] =	vst.idx.msk $0xffff, v34  }
0x120: {  	v46 =	vor.u32 v6, v33;
	v45 =	vor.u32 s0, v26;
	v34 =	vld.idx.msk [tilespmem:v36+s15+$0x0], $0xffff  }
0x121: {  	v36 =	vor.u32 v0, v46;
	_ =	sdelay $0x3  }
0x122: {  	[tilespmem:v45+s19+$0x0] =	vst.idx.msk $0xffff, v34  }
0x123: {  	v48 =	vor.u32 v5, v33;
	v47 =	vor.u32 s0, v27;
	v34 =	vld.idx.msk [tilespmem:v36+s15+$0x0], $0xffff  }
0x124: {  	v36 =	vor.u32 v0, v48;
	_ =	sdelay $0x3  }
0x125: {  	[tilespmem:v47+s19+$0x0] =	vst.idx.msk $0xffff, v34  }
0x126: {  	v50 =	vor.u32 v4, v33;
	v49 =	vor.u32 s0, v28;
	v34 =	vld.idx.msk [tilespmem:v36+s15+$0x0], $0xffff  }
0x127: {  	v36 =	vor.u32 v0, v50;
	_ =	sdelay $0x3  }
0x128: {  	[tilespmem:v49+s19+$0x0] =	vst.idx.msk $0xffff, v34  }
0x129: {  	v52 =	vor.u32 v3, v33;
	v51 =	vor.u32 s0, v29;
	v34 =	vld.idx.msk [tilespmem:v36+s15+$0x0], $0xffff  }
0x12a: {  	v36 =	vor.u32 v0, v52;
	_ =	sdelay $0x3  }
0x12b: {  	[tilespmem:v51+s19+$0x0] =	vst.idx.msk $0xffff, v34  }
0x12c: {  	v54 =	vor.u32 v2, v33;
	v53 =	vor.u32 s0, v30;
	v34 =	vld.idx.msk [tilespmem:v36+s15+$0x0], $0xffff  }
0x12d: {  	v36 =	vor.u32 v0, v54;
	_ =	sdelay $0x3  }
0x12e: {  	[tilespmem:v53+s19+$0x0] =	vst.idx.msk $0xffff, v34  }
0x12f: {  	v33 =	vor.u32 v1, v33;
	v55 =	vor.u32 s0, v31;
	v34 =	vld.idx.msk [tilespmem:v36+s15+$0x0], $0xffff  }
0x130: {  	v33 =	vor.u32 v0, v33;
	_ =	sdelay $0x3  }
0x131: {  	[tilespmem:v55+s19+$0x0] =	vst.idx.msk $0xffff, v34  }
0x132: {  	v56 =	vor.u32 s0, v32;
	v33 =	vld.idx.msk [tilespmem:v33+s15+$0x0], $0xffff;
	_ =	sdelay $0x1  }
0x133: {  	s8 =	sshll.u32 s31, $0xB;
	s12 =	sshll.u32 s31, $0xA  }
0x134: {  	s1 =	sand.u32 $0x3800, s12;
	s0 =	sand.u32 $0xFFF8000, s8  }
0x135: {  	s0 =	sor.u32 s1, s0  }
0x136: {  	s1 =	sadd.s32 s2, s0;
	[tilespmem:v56+s19+$0x0] =	vst.idx.msk $0xffff, v33  }
0x137: {  	[hbm4b:s1+s3] =	stream.linear.scatter [tilespmem:s19], [sflag:$0x5], $0x2000, $0x38;
	[tilespmem:$0x10800] =	vst v63  }
0x138: {  	s0 =	sadd.s32 s0, s10  }
0x139: {  	[hbm4b:s0+s3] =	stream.linear.scatter [tilespmem:s20], [sflag:$0x5], $0x2000, $0x38;
	[tilespmem:$0x10800] =	vst v63  }
0x13a: {  	s0 =	sadd.s32 @!p0 s30, s11  }
0x13b: {  	_ =	swait.ge [sflag:s21], $0x4000;
	s0 =	sshll.u32 @!p0 s0, $0x7  }
0x13c: {  	s6 =	simm.s32 @!p0 $0x400;
	[sflag:s21] =	ssyncset.done $0x0;
	s0 =	sand.u32 @!p0 $0xFFFFF80, s0  }
0x13d: {  	s1 =	simm.s32 @!p0 $0x0;
	[sflag:s21] =	ssyncadd.s32 $0xFFFFC000;
	s0 =	sadd.s32 @!p0 s4, s0  }
0x13e: {  	[tilespmem:s6], [sflag:$0x2] =	stream.linear.gather @!p0 [hbm4b:s0+s1], $0x400, $0x38;
	[tilespmem:$0x10800] =	vst v63  }
0x13f: {  	s0 =	simm.s32 @!p0 $0x1  }
0x140: {  	_ =	swait.ge @!p0 [sflag:s0], $0x400  }
0x141: {  	p1 =	seq.s32 @!p0 s28, $0x0;
	[sflag:s0] =	ssyncset.done @!p0 $0x0  }
0x142: {  	s30 =	simm.s32 $0x0;
	[sflag:s0] =	ssyncadd.s32 @!p0 $0xFFFFFC00;
	s0 =	simm.s32 @!p0 $0x800  }
0x143: {  	v57 =	vmov s30;
	[tilespmem:s0], [sflag:$0x3] =	stream.indirect.gather @!p0 [hbm4b:s7+s6], $0x10, s1, s6, $0xb8;
	[tilespmem:$0x10800] =	vst v63  }
0x144: {  	v33 =	vshll.u32 v57, $0x4;
	p0 =	por p0, !p1  }
0x145: {  	v58 =	vor.u32 v16, v33;
	_ =	swait.ge @p0 [sflag:s25], $0x2000  }
0x146: {  	v34 =	vor.u32 v0, v58;
	[sflag:s25] =	ssyncset.done @p0 $0x0  }
0x147: {  	[sflag:s25] =	ssyncadd.s32 @p0 $0xFFFFE000  }
0x148: {  	_ =	swait.ge @p0 [sflag:s25], $0x2000  }
0x149: {  	s31 =	sand.u32 $0x70, s30;
	s0 =	sand.u32 $0x1C00, s30;
	[sflag:s25] =	ssyncset.done @p0 $0x0  }
0x14a: {  	s1 =	sor.u32 s31, s0;
	[sflag:s25] =	ssyncadd.s32 @p0 $0xFFFFE000  }
0x14b: {  	v60 =	vor.u32 v15, v33;
	v59 =	vor.u32 s1, v17;
	v34 =	vld.idx.msk [tilespmem:v34+s18+$0x0], $0xffff  }
0x14c: {  	v36 =	vor.u32 v0, v60;
	_ =	sdelay $0x3  }
0x14d: {  	[tilespmem:v59+s22+$0x0] =	vst.idx.msk $0xffff, v34  }
0x14e: {  	v62 =	vor.u32 v14, v33;
	v61 =	vor.u32 s1, v18;
	v34 =	vld.idx.msk [tilespmem:v36+s18+$0x0], $0xffff  }
0x14f: {  	v36 =	vor.u32 v0, v62;
	_ =	sdelay $0x3  }
0x150: {  	[tilespmem:v61+s22+$0x0] =	vst.idx.msk $0xffff, v34  }
0x151: {  	v40 =	vor.u32 v13, v33;
	v63 =	vor.u32 s1, v19;
	v34 =	vld.idx.msk [tilespmem:v36+s18+$0x0], $0xffff  }
0x152: {  	v36 =	vor.u32 v0, v40;
	_ =	sdelay $0x3  }
0x153: {  	[tilespmem:v63+s22+$0x0] =	vst.idx.msk $0xffff, v34  }
0x154: {  	v42 =	vor.u32 v12, v33;
	v41 =	vor.u32 s1, v20;
	v34 =	vld.idx.msk [tilespmem:v36+s18+$0x0], $0xffff  }
0x155: {  	v36 =	vor.u32 v0, v42;
	_ =	sdelay $0x3  }
0x156: {  	[tilespmem:v41+s22+$0x0] =	vst.idx.msk $0xffff, v34  }
0x157: {  	v44 =	vor.u32 v11, v33;
	v43 =	vor.u32 s1, v21;
	v34 =	vld.idx.msk [tilespmem:v36+s18+$0x0], $0xffff  }
0x158: {  	v36 =	vor.u32 v0, v44;
	_ =	sdelay $0x3  }
0x159: {  	[tilespmem:v43+s22+$0x0] =	vst.idx.msk $0xffff, v34  }
0x15a: {  	v46 =	vor.u32 v10, v33;
	v45 =	vor.u32 s1, v22;
	v34 =	vld.idx.msk [tilespmem:v36+s18+$0x0], $0xffff  }
0x15b: {  	v36 =	vor.u32 v0, v46;
	_ =	sdelay $0x3  }
0x15c: {  	[tilespmem:v45+s22+$0x0] =	vst.idx.msk $0xffff, v34  }
0x15d: {  	v48 =	vor.u32 v9, v33;
	v47 =	vor.u32 s1, v23;
	v34 =	vld.idx.msk [tilespmem:v36+s18+$0x0], $0xffff  }
0x15e: {  	v36 =	vor.u32 v0, v48;
	_ =	sdelay $0x3  }
0x15f: {  	[tilespmem:v47+s22+$0x0] =	vst.idx.msk $0xffff, v34  }
0x160: {  	v50 =	vor.u32 v8, v33;
	v49 =	vor.u32 s1, v24;
	v34 =	vld.idx.msk [tilespmem:v36+s18+$0x0], $0xffff  }
0x161: {  	v36 =	vor.u32 v0, v50;
	_ =	sdelay $0x3  }
0x162: {  	[tilespmem:v49+s22+$0x0] =	vst.idx.msk $0xffff, v34  }
0x163: {  	v52 =	vor.u32 v7, v33;
	v51 =	vor.u32 s1, v25;
	v34 =	vld.idx.msk [tilespmem:v36+s18+$0x0], $0xffff  }
0x164: {  	v36 =	vor.u32 v0, v52;
	_ =	sdelay $0x3  }
0x165: {  	[tilespmem:v51+s22+$0x0] =	vst.idx.msk $0xffff, v34  }
0x166: {  	v54 =	vor.u32 v6, v33;
	v53 =	vor.u32 s1, v26;
	v34 =	vld.idx.msk [tilespmem:v36+s18+$0x0], $0xffff  }
0x167: {  	v36 =	vor.u32 v0, v54;
	_ =	sdelay $0x3  }
0x168: {  	[tilespmem:v53+s22+$0x0] =	vst.idx.msk $0xffff, v34  }
0x169: {  	v56 =	vor.u32 v5, v33;
	v55 =	vor.u32 s1, v27;
	v34 =	vld.idx.msk [tilespmem:v36+s18+$0x0], $0xffff  }
0x16a: {  	v36 =	vor.u32 v0, v56;
	_ =	sdelay $0x3  }
0x16b: {  	[tilespmem:v55+s22+$0x0] =	vst.idx.msk $0xffff, v34  }
0x16c: {  	v58 =	vor.u32 v4, v33;
	v57 =	vor.u32 s1, v28;
	v34 =	vld.idx.msk [tilespmem:v36+s18+$0x0], $0xffff  }
0x16d: {  	v36 =	vor.u32 v0, v58;
	_ =	sdelay $0x3  }
0x16e: {  	[tilespmem:v57+s22+$0x0] =	vst.idx.msk $0xffff, v34  }
0x16f: {  	v60 =	vor.u32 v3, v33;
	v59 =	vor.u32 s1, v29;
	v34 =	vld.idx.msk [tilespmem:v36+s18+$0x0], $0xffff  }
0x170: {  	v36 =	vor.u32 v0, v60;
	_ =	sdelay $0x3  }
0x171: {  	[tilespmem:v59+s22+$0x0] =	vst.idx.msk $0xffff, v34  }
0x172: {  	v62 =	vor.u32 v2, v33;
	v61 =	vor.u32 s1, v30;
	v34 =	vld.idx.msk [tilespmem:v36+s18+$0x0], $0xffff  }
0x173: {  	v36 =	vor.u32 v0, v62;
	_ =	sdelay $0x3  }
0x174: {  	[tilespmem:v61+s22+$0x0] =	vst.idx.msk $0xffff, v34  }
0x175: {  	v33 =	vor.u32 v1, v33;
	v63 =	vor.u32 s1, v31;
	v35 =	vld.idx.msk [tilespmem:v36+s18+$0x0], $0xffff  }
0x176: {  	v34 =	vor.u32 v0, v33;
	_ =	sdelay $0x2  }
0x177: {  	s0 =	simm.s32 $0x10  }
0x178: {  	s29 =	sadd.s32 s5, s29;
	s12 =	simm.s32 $0x100;
	s8 =	simm.s32 $0x80;
	v33 =	vmov s0;
	[tilespmem:v63+s22+$0x0] =	vst.idx.msk $0xffff, v35  }
.LBB2_5:
0x179: {  	p0 =	sne.s32 s12, $0x1F80;
	v33 =	vshll.u32 v33, $0x4;
	v34 =	vld.idx.msk [tilespmem:v34+s18+$0x0], $0xffff  }
0x17a: {  	v36 =	vor.u32 s1, v32;
	v35 =	vor.u32 v16, v33  }
0x17b: {  	v35 =	vor.u32 v0, v35;
	_ =	sdelay $0x3  }
0x17c: {  	s1 =	sand.u32 $0x70, s0;
	s6 =	sand.u32 $0x1C00, s8;
	s8 =	smov.u32 s12;
	[tilespmem:v36+s22+$0x0] =	vst.idx.msk $0xffff, v34  }
0x17d: {  	s1 =	sor.u32 s1, s6;
	v34 =	vld.idx.msk [tilespmem:v35+s18+$0x0], $0xffff  }
0x17e: {  	v36 =	vor.u32 v15, v33;
	v35 =	vor.u32 s1, v17  }
0x17f: {  	v36 =	vor.u32 v0, v36;
	_ =	sdelay $0x3  }
0x180: {  	[tilespmem:v35+s22+$0x0] =	vst.idx.msk $0xffff, v34  }
0x181: {  	v34 =	vld.idx.msk [tilespmem:v36+s18+$0x0], $0xffff  }
0x182: {  	v35 =	vor.u32 s1, v18;
	v36 =	vor.u32 v14, v33  }
0x183: {  	v36 =	vor.u32 v0, v36;
	_ =	sdelay $0x3  }
0x184: {  	[tilespmem:v35+s22+$0x0] =	vst.idx.msk $0xffff, v34  }
0x185: {  	v34 =	vld.idx.msk [tilespmem:v36+s18+$0x0], $0xffff  }
0x186: {  	v35 =	vor.u32 s1, v19;
	v36 =	vor.u32 v13, v33  }
0x187: {  	v36 =	vor.u32 v0, v36;
	_ =	sdelay $0x3  }
0x188: {  	[tilespmem:v35+s22+$0x0] =	vst.idx.msk $0xffff, v34  }
0x189: {  	v34 =	vld.idx.msk [tilespmem:v36+s18+$0x0], $0xffff  }
0x18a: {  	v35 =	vor.u32 s1, v20;
	v36 =	vor.u32 v12, v33  }
0x18b: {  	v36 =	vor.u32 v0, v36;
	_ =	sdelay $0x3  }
0x18c: {  	[tilespmem:v35+s22+$0x0] =	vst.idx.msk $0xffff, v34  }
0x18d: {  	v34 =	vld.idx.msk [tilespmem:v36+s18+$0x0], $0xffff  }
0x18e: {  	v35 =	vor.u32 s1, v21;
	v36 =	vor.u32 v11, v33  }
0x18f: {  	v36 =	vor.u32 v0, v36;
	_ =	sdelay $0x3  }
0x190: {  	[tilespmem:v35+s22+$0x0] =	vst.idx.msk $0xffff, v34  }
0x191: {  	v34 =	vld.idx.msk [tilespmem:v36+s18+$0x0], $0xffff  }
0x192: {  	v35 =	vor.u32 s1, v22;
	v36 =	vor.u32 v10, v33  }
0x193: {  	v36 =	vor.u32 v0, v36;
	_ =	sdelay $0x3  }
0x194: {  	[tilespmem:v35+s22+$0x0] =	vst.idx.msk $0xffff, v34  }
0x195: {  	v34 =	vld.idx.msk [tilespmem:v36+s18+$0x0], $0xffff  }
0x196: {  	v35 =	vor.u32 s1, v23;
	v36 =	vor.u32 v9, v33  }
0x197: {  	v36 =	vor.u32 v0, v36;
	_ =	sdelay $0x3  }
0x198: {  	[tilespmem:v35+s22+$0x0] =	vst.idx.msk $0xffff, v34  }
0x199: {  	v34 =	vld.idx.msk [tilespmem:v36+s18+$0x0], $0xffff  }
0x19a: {  	v35 =	vor.u32 s1, v24;
	v36 =	vor.u32 v8, v33  }
0x19b: {  	v36 =	vor.u32 v0, v36;
	_ =	sdelay $0x3  }
0x19c: {  	[tilespmem:v35+s22+$0x0] =	vst.idx.msk $0xffff, v34  }
0x19d: {  	v34 =	vld.idx.msk [tilespmem:v36+s18+$0x0], $0xffff  }
0x19e: {  	v35 =	vor.u32 s1, v25;
	v36 =	vor.u32 v7, v33  }
0x19f: {  	v36 =	vor.u32 v0, v36;
	_ =	sdelay $0x3  }
0x1a0: {  	[tilespmem:v35+s22+$0x0] =	vst.idx.msk $0xffff, v34  }
0x1a1: {  	v34 =	vld.idx.msk [tilespmem:v36+s18+$0x0], $0xffff  }
0x1a2: {  	v35 =	vor.u32 s1, v26;
	v36 =	vor.u32 v6, v33  }
0x1a3: {  	v36 =	vor.u32 v0, v36;
	_ =	sdelay $0x3  }
0x1a4: {  	[tilespmem:v35+s22+$0x0] =	vst.idx.msk $0xffff, v34  }
0x1a5: {  	v34 =	vld.idx.msk [tilespmem:v36+s18+$0x0], $0xffff  }
0x1a6: {  	v35 =	vor.u32 s1, v27;
	v36 =	vor.u32 v5, v33  }
0x1a7: {  	v36 =	vor.u32 v0, v36;
	_ =	sdelay $0x3  }
0x1a8: {  	[tilespmem:v35+s22+$0x0] =	vst.idx.msk $0xffff, v34  }
0x1a9: {  	v34 =	vld.idx.msk [tilespmem:v36+s18+$0x0], $0xffff  }
0x1aa: {  	v35 =	vor.u32 s1, v28;
	v36 =	vor.u32 v4, v33  }
0x1ab: {  	v36 =	vor.u32 v0, v36;
	_ =	sdelay $0x3  }
0x1ac: {  	[tilespmem:v35+s22+$0x0] =	vst.idx.msk $0xffff, v34  }
0x1ad: {  	v34 =	vld.idx.msk [tilespmem:v36+s18+$0x0], $0xffff  }
0x1ae: {  	v35 =	vor.u32 s1, v29;
	v36 =	vor.u32 v3, v33  }
0x1af: {  	v36 =	vor.u32 v0, v36;
	_ =	sdelay $0x3  }
0x1b0: {  	[tilespmem:v35+s22+$0x0] =	vst.idx.msk $0xffff, v34  }
0x1b1: {  	v34 =	vld.idx.msk [tilespmem:v36+s18+$0x0], $0xffff  }
0x1b2: {  	v35 =	vor.u32 s1, v30;
	v36 =	vor.u32 v2, v33  }
0x1b3: {  	v36 =	vor.u32 v0, v36;
	_ =	sdelay $0x3  }
0x1b4: {  	[tilespmem:v35+s22+$0x0] =	vst.idx.msk $0xffff, v34  }
0x1b5: {  	v35 =	vld.idx.msk [tilespmem:v36+s18+$0x0], $0xffff  }
0x1b6: {  	v33 =	vor.u32 v1, v33;
	v36 =	vor.u32 s1, v31  }
.Ltmp1:
0x1b7: {  	v34 =	vor.u32 v0, v33;
	(pc) =	sbr.rel @p0 .LBB2_5-.Ltmp1, $3  }
0x1b8: {  	_ =	sdelay $0x1  }
0x1b9: {  	s0 =	sadd.s32 $0x10, s0  }
0x1ba: {  	s12 =	sadd.s32 $0x80, s12;
	v33 =	vmov s0;
	[tilespmem:v36+s22+$0x0] =	vst.idx.msk $0xffff, v35  }
0x1bb: {  	_ =	sdelay $0x2  }
0x1bc: {  	v33 =	vshll.u32 v33, $0x4  }
0x1bd: {  	v34 =	vld.idx.msk [tilespmem:v34+s18+$0x0], $0xffff;
	v36 =	vor.u32 s1, v32;
	v35 =	vor.u32 v16, v33  }
0x1be: {  	v35 =	vor.u32 v0, v35;
	_ =	sdelay $0x2  }
0x1bf: {  	s0 =	sand.u32 $0x70, s0;
	s12 =	sand.u32 $0x1C00, s8  }
0x1c0: {  	s0 =	sor.u32 s0, s12;
	[tilespmem:v36+s22+$0x0] =	vst.idx.msk $0xffff, v34  }
0x1c1: {  	v59 =	vor.u32 v15, v33;
	v58 =	vor.u32 s0, v17;
	v34 =	vld.idx.msk [tilespmem:v35+s18+$0x0], $0xffff  }
0x1c2: {  	v36 =	vor.u32 v0, v59;
	_ =	sdelay $0x3  }
0x1c3: {  	[tilespmem:v58+s22+$0x0] =	vst.idx.msk $0xffff, v34  }
0x1c4: {  	v61 =	vor.u32 v14, v33;
	v60 =	vor.u32 s0, v18;
	v34 =	vld.idx.msk [tilespmem:v36+s18+$0x0], $0xffff  }
0x1c5: {  	v36 =	vor.u32 v0, v61;
	_ =	sdelay $0x3  }
0x1c6: {  	[tilespmem:v60+s22+$0x0] =	vst.idx.msk $0xffff, v34  }
0x1c7: {  	v63 =	vor.u32 v13, v33;
	v62 =	vor.u32 s0, v19;
	v34 =	vld.idx.msk [tilespmem:v36+s18+$0x0], $0xffff  }
0x1c8: {  	v36 =	vor.u32 v0, v63;
	_ =	sdelay $0x3  }
0x1c9: {  	[tilespmem:v62+s22+$0x0] =	vst.idx.msk $0xffff, v34  }
0x1ca: {  	v41 =	vor.u32 v12, v33;
	v40 =	vor.u32 s0, v20;
	v34 =	vld.idx.msk [tilespmem:v36+s18+$0x0], $0xffff  }
0x1cb: {  	v36 =	vor.u32 v0, v41;
	_ =	sdelay $0x3  }
0x1cc: {  	[tilespmem:v40+s22+$0x0] =	vst.idx.msk $0xffff, v34  }
0x1cd: {  	v43 =	vor.u32 v11, v33;
	v42 =	vor.u32 s0, v21;
	v34 =	vld.idx.msk [tilespmem:v36+s18+$0x0], $0xffff  }
0x1ce: {  	v36 =	vor.u32 v0, v43;
	_ =	sdelay $0x3  }
0x1cf: {  	[tilespmem:v42+s22+$0x0] =	vst.idx.msk $0xffff, v34  }
0x1d0: {  	v45 =	vor.u32 v10, v33;
	v44 =	vor.u32 s0, v22;
	v34 =	vld.idx.msk [tilespmem:v36+s18+$0x0], $0xffff  }
0x1d1: {  	v36 =	vor.u32 v0, v45;
	_ =	sdelay $0x3  }
0x1d2: {  	[tilespmem:v44+s22+$0x0] =	vst.idx.msk $0xffff, v34  }
0x1d3: {  	v47 =	vor.u32 v9, v33;
	v46 =	vor.u32 s0, v23;
	v34 =	vld.idx.msk [tilespmem:v36+s18+$0x0], $0xffff  }
0x1d4: {  	v36 =	vor.u32 v0, v47;
	_ =	sdelay $0x3  }
0x1d5: {  	[tilespmem:v46+s22+$0x0] =	vst.idx.msk $0xffff, v34  }
0x1d6: {  	v49 =	vor.u32 v8, v33;
	v48 =	vor.u32 s0, v24;
	v34 =	vld.idx.msk [tilespmem:v36+s18+$0x0], $0xffff  }
0x1d7: {  	v36 =	vor.u32 v0, v49;
	_ =	sdelay $0x3  }
0x1d8: {  	[tilespmem:v48+s22+$0x0] =	vst.idx.msk $0xffff, v34  }
0x1d9: {  	v51 =	vor.u32 v7, v33;
	v50 =	vor.u32 s0, v25;
	v34 =	vld.idx.msk [tilespmem:v36+s18+$0x0], $0xffff  }
0x1da: {  	v36 =	vor.u32 v0, v51;
	_ =	sdelay $0x3  }
0x1db: {  	[tilespmem:v50+s22+$0x0] =	vst.idx.msk $0xffff, v34  }
0x1dc: {  	v53 =	vor.u32 v6, v33;
	v52 =	vor.u32 s0, v26;
	v34 =	vld.idx.msk [tilespmem:v36+s18+$0x0], $0xffff  }
0x1dd: {  	v36 =	vor.u32 v0, v53;
	_ =	sdelay $0x3  }
0x1de: {  	[tilespmem:v52+s22+$0x0] =	vst.idx.msk $0xffff, v34  }
0x1df: {  	v55 =	vor.u32 v5, v33;
	v54 =	vor.u32 s0, v27;
	v34 =	vld.idx.msk [tilespmem:v36+s18+$0x0], $0xffff  }
0x1e0: {  	v36 =	vor.u32 v0, v55;
	_ =	sdelay $0x3  }
0x1e1: {  	[tilespmem:v54+s22+$0x0] =	vst.idx.msk $0xffff, v34  }
0x1e2: {  	v57 =	vor.u32 v4, v33;
	v56 =	vor.u32 s0, v28;
	v34 =	vld.idx.msk [tilespmem:v36+s18+$0x0], $0xffff  }
0x1e3: {  	v36 =	vor.u32 v0, v57;
	_ =	sdelay $0x3  }
0x1e4: {  	[tilespmem:v56+s22+$0x0] =	vst.idx.msk $0xffff, v34  }
0x1e5: {  	v59 =	vor.u32 v3, v33;
	v58 =	vor.u32 s0, v29;
	v34 =	vld.idx.msk [tilespmem:v36+s18+$0x0], $0xffff  }
0x1e6: {  	v36 =	vor.u32 v0, v59;
	_ =	sdelay $0x3  }
0x1e7: {  	[tilespmem:v58+s22+$0x0] =	vst.idx.msk $0xffff, v34  }
0x1e8: {  	v61 =	vor.u32 v2, v33;
	v60 =	vor.u32 s0, v30;
	v34 =	vld.idx.msk [tilespmem:v36+s18+$0x0], $0xffff  }
0x1e9: {  	v36 =	vor.u32 v0, v61;
	_ =	sdelay $0x3  }
0x1ea: {  	[tilespmem:v60+s22+$0x0] =	vst.idx.msk $0xffff, v34  }
0x1eb: {  	v33 =	vor.u32 v1, v33;
	v62 =	vor.u32 s0, v31;
	v34 =	vld.idx.msk [tilespmem:v36+s18+$0x0], $0xffff  }
0x1ec: {  	v33 =	vor.u32 v0, v33;
	_ =	sdelay $0x3  }
0x1ed: {  	[tilespmem:v62+s22+$0x0] =	vst.idx.msk $0xffff, v34  }
0x1ee: {  	v63 =	vor.u32 s0, v32;
	v33 =	vld.idx.msk [tilespmem:v33+s18+$0x0], $0xffff;
	_ =	sdelay $0x1  }
0x1ef: {  	s30 =	sshll.u32 s29, $0xB;
	s31 =	sshll.u32 s29, $0xA;
	s28 =	sadd.s32 $0x1, s28  }
0x1f0: {  	s1 =	sand.u32 $0x3C00, s31;
	p0 =	sne.s32 s28, $0x32;
	s0 =	sand.u32 $0xFFF8000, s30  }
.Ltmp2:
0x1f1: {  	s0 =	sor.u32 s1, s0;
	(pc) =	sbr.rel @p0 .LBB2_2-.Ltmp2, $4  }
0x1f2: {  	s1 =	sadd.s32 s2, s0;
	[tilespmem:v63+s22+$0x0] =	vst.idx.msk $0xffff, v33  }
0x1f3: {  	[hbm4b:s1+s3] =	stream.linear.scatter [tilespmem:s22], [sflag:$0x6], $0x2000, $0x38;
	[tilespmem:$0x10800] =	vst v63  }
0x1f4: {  	s0 =	sadd.s32 s0, s10  }
0x1f5: {  	[hbm4b:s0+s3] =	stream.linear.scatter [tilespmem:s23], [sflag:$0x6], $0x2000, $0x38;
	[tilespmem:$0x10800] =	vst v63  }
0x1f6: {  	_ =	swait.ge [sflag:s24], $0x2000  }
0x1f7: {  	[sflag:s24] =	ssyncset.done $0x0  }
0x1f8: {  	[sflag:s24] =	ssyncadd.s32 $0xFFFFE000  }
0x1f9: {  	_ =	swait.ge [sflag:s24], $0x2000  }
0x1fa: {  	[sflag:s24] =	ssyncset.done $0x0  }
0x1fb: {  	[sflag:s24] =	ssyncadd.s32 $0xFFFFE000  }
0x1fc: {  	_ =	swait.ge [sflag:s25], $0x2000  }
0x1fd: {  	[sflag:s25] =	ssyncset.done $0x0  }
0x1fe: {  	[sflag:s25] =	ssyncadd.s32 $0xFFFFE000  }
0x1ff: {  	_ =	swait.ge [sflag:s25], $0x2000  }
0x200: {  	s26 =	sadd.s32 $0x1, s26;
	s0 =	rddreg [dreg:$0x5]  }
0x201: {  	p0 =	sne.s32 s26, s0  }
.Ltmp3:
0x202: {  	_ = 	snop;
	(pc) =	sbr.rel @p0 .LBB2_1-.Ltmp3, $3  }
0x203: {  	_ =	sdelay $0x1  }
0x204: {  	[sflag:s25] =	ssyncset.done $0x0  }
0x205: {  	[sflag:s25] =	ssyncadd.s32 $0xFFFFE000  }
0x206: {  	_ =	sfence.sel $0x180000  }
0x207: {  	[bflag:$0x0] =	sbarrier.arrive $0xFFFF  }
0x208: {  	_ =	strace $0x90000047  }
0x209: {  	s0 =	stileid.u32;
	[bflag:$0x2] =	sbarrier.arrive $0xFFFF  }
0x20a: {  	p0 =	sne.s32 s0, $0x0;
	s0 =	rddreg [dreg:$0x2]  }
0x20b: {  	s0 =	sadd.s32 @!p0 $0x100000, s0  }
0x20c: {  	[sflag:s0] =	ssyncadd.tile.s32 @!p0 $0x1;
	_ =	shalt  }
.Lfunc_end2:
_tile_overlayer_lowered:
.L_overlay_start_2:
0x20d: {  	(tag) =	ssettag $0x2  }
0x20e: {  	s0 =	rddreg [dreg:$0x0];
	s2 =	stileid.u32  }
0x20f: {  	s1 =	rddreg [dreg:$0x1];
	p0 =	sne.s32 s2, $0x0  }
0x210: {  	s3 =	rddreg [dreg:$0x2];
	[bflag:$0x3] =	sbarrier.arrive $0xFFFF;
	s2 =	simm.s32 @!p0 $0x1C07  }
0x211: {  	[timem:s3], [sflag:s2] =	dma.local @!p0 [hbm:s0], s1  }
0x212: {  	s0 =	simm.s32 @!p0 $0x7  }
0x213: {  	_ =	swait.ge @!p0 [sflag:s0], s1  }
0x214: {  	s1 =	ssub.s32 @!p0 $0x0, s1;
	[sflag:s0] =	ssyncset.done @!p0 $0x0  }
0x215: {  	[sflag:s0] =	ssyncadd.s32 @!p0 s1  }
0x216: {  	[bflag:$0x3] =	sbarrier.arrive $0xFFFF  }
0x217: {  	_ =	shalt  }

</sc_bundles>
